<compile_context>
chip_gen: v7x
topology: tpu7x:2x2x1
jax: 0.10.2.dev20260603
libtpu: 0.0.44.dev20260713+nightly
codegen_flags: <defaults>
</compile_context>

<pallas_src>
import functools

import jax
import jax.numpy as jnp
from jax import lax
from jax.experimental import pallas as pl
from jax.experimental.pallas import tpu as pltpu
from jax.experimental.pallas import tpu_sc as plsc

N = 10000
E = 160000
D = 128
D_ADD = 16
D_ATTR = 4

NC, NS = 2, 16
NW = NC * NS
C = 128
NCHUNK = E // C
CPW = -(-NCHUNK // NW)
NPAD = 10240
NPSC = NPAD // NC
NPT = NPSC // NS

_mesh = lambda: plsc.VectorSubcoreMesh(
    core_axis_name="c", subcore_axis_name="s", num_cores=NC, num_subcores=NS)


def _silu(t):
    return t / (1.0 + jnp.exp(-t))


def _combine(t, attr, bias):
    acc = bias
    for b in range(D_ATTR):
        acc = acc + t[:, b * D:(b + 1) * D] * attr[:, b:b + 1]
    return acc


def _gather_body(NCHUNK, CPW, x_hbm, rcv_hbm, snd_hbm, xr_hbm, xs_hbm,
                 idxr_v, idxs_v, rowsr_v, rowss_v, isem, gsem, wsem):
    wid = lax.axis_index("s") * NC + lax.axis_index("c")

    def fetch_idx(k, buf):
        cid = wid + jnp.minimum(k, CPW - 1) * NW
        base = jnp.minimum(cid, NCHUNK - 1) * C
        pltpu.async_copy(rcv_hbm.at[pl.ds(base, C)], idxr_v.at[buf], isem.at[buf])
        pltpu.async_copy(snd_hbm.at[pl.ds(base, C)], idxs_v.at[buf], isem.at[buf])

    def wait_idx(buf):
        pltpu.make_async_copy(rcv_hbm.at[pl.ds(0, C)], idxr_v.at[buf],
                              isem.at[buf]).wait()
        pltpu.make_async_copy(snd_hbm.at[pl.ds(0, C)], idxs_v.at[buf],
                              isem.at[buf]).wait()

    def wait_wb(buf):
        pltpu.make_async_copy(rowsr_v.at[buf], xr_hbm.at[pl.ds(0, C)],
                              wsem.at[buf]).wait()
        pltpu.make_async_copy(rowss_v.at[buf], xs_hbm.at[pl.ds(0, C)],
                              wsem.at[buf]).wait()

    fetch_idx(0, 0)

    def chunk(k, _):
        buf = k & 1
        cid = wid + k * NW

        @pl.when(k >= 2)
        def _():
            wait_wb(buf)

        wait_idx(buf)
        cr = pltpu.async_copy(x_hbm.at[idxr_v.at[buf]], rowsr_v.at[buf],
                              gsem.at[buf])
        cs = pltpu.async_copy(x_hbm.at[idxs_v.at[buf]], rowss_v.at[buf],
                              gsem.at[buf])

        @pl.when(k + 1 < CPW)
        def _():
            fetch_idx(k + 1, 1 - buf)

        cr.wait()
        cs.wait()

        @pl.when(cid < NCHUNK)
        def _():
            base = cid * C
            pltpu.async_copy(rowsr_v.at[buf], xr_hbm.at[pl.ds(base, C)],
                             wsem.at[buf])
            pltpu.async_copy(rowss_v.at[buf], xs_hbm.at[pl.ds(base, C)],
                             wsem.at[buf])
        return 0

    lax.fori_loop(0, CPW, chunk, 0)
    wait_wb((CPW - 2) & 1)

    @pl.when(wid + (CPW - 1) * NW < NCHUNK)
    def _():
        wait_wb((CPW - 1) & 1)


def _gather(x, rcv, snd):
    ne = rcv.shape[0]
    nchunk = ne // C
    cpw = -(-nchunk // NW)
    f = pl.kernel(
        functools.partial(_gather_body, nchunk, cpw),
        out_type=(jax.ShapeDtypeStruct((ne, D), jnp.float32),
                  jax.ShapeDtypeStruct((ne, D), jnp.float32)),
        mesh=_mesh(),
        scratch_types=[
            pltpu.VMEM((2, C), jnp.int32),
            pltpu.VMEM((2, C), jnp.int32),
            pltpu.VMEM((2, C, D), jnp.float32),
            pltpu.VMEM((2, C, D), jnp.float32),
            pltpu.SemaphoreType.DMA((2,)),
            pltpu.SemaphoreType.DMA((2,)),
            pltpu.SemaphoreType.DMA((2,)),
        ],
    )
    return f(x, rcv, snd)


def _scatter_body(msgA_hbm, msgB_hbm, rcv_hbm, out_hbm,
                  idx_v, rows_v, ztile_v, acc_sh, sems):
    c = lax.axis_index("c")
    s = lax.axis_index("s")
    lo = c * NPSC

    z16 = jnp.zeros((16,), jnp.float32)

    def zrow(i, _):
        for j in range(D // 16):
            ztile_v[i, pl.ds(j * 16, 16)] = z16
        return 0

    lax.fori_loop(0, NPT, zrow, 0)
    pltpu.sync_copy(ztile_v, acc_sh.at[pl.ds(s * NPT, NPT)])

    @pl.when(s == 0)
    def _():
        pltpu.sync_copy(ztile_v.at[pl.ds(0, 8)], acc_sh.at[pl.ds(NPSC, 8)])

    plsc.subcore_barrier()

    per_tile = -(-NCHUNK // NS)

    def fetch(k, buf):
        cid = s + k * NS
        cid2 = jnp.minimum(cid, NCHUNK - 1)
        base = cid2 * C
        half = NCHUNK // 2
        pltpu.async_copy(rcv_hbm.at[pl.ds(base, C)], idx_v.at[buf], sems.at[buf])

        @pl.when(cid2 < half)
        def _():
            pltpu.async_copy(msgA_hbm.at[pl.ds(base, C)], rows_v.at[buf],
                             sems.at[buf])

        @pl.when(cid2 >= half)
        def _():
            pltpu.async_copy(msgB_hbm.at[pl.ds(base - half * C, C)],
                             rows_v.at[buf], sems.at[buf])

    def drain(buf):
        pltpu.make_async_copy(rcv_hbm.at[pl.ds(0, C)], idx_v.at[buf],
                              sems.at[buf]).wait()
        pltpu.make_async_copy(msgA_hbm.at[pl.ds(0, C)], rows_v.at[buf],
                              sems.at[buf]).wait()

    fetch(0, 0)

    def chunk(k, _):
        buf = k & 1
        drain(buf)

        @pl.when(k + 1 < per_tile)
        def _():
            fetch(k + 1, 1 - buf)

        cid = s + k * NS

        @pl.when(cid < NCHUNK)
        def _():
            for j in range(C // 16):
                v = idx_v[buf, pl.ds(j * 16, 16)] - lo
                v = jnp.where((v >= 0) & (v < NPSC), v, NPSC)
                idx_v[buf, pl.ds(j * 16, 16)] = v
            pltpu.sync_copy(rows_v.at[buf], acc_sh.at[idx_v.at[buf]], add=True)
        return 0

    lax.fori_loop(0, per_tile, chunk, 0)
    plsc.subcore_barrier()
    pltpu.sync_copy(acc_sh.at[pl.ds(s * NPT, NPT)],
                    out_hbm.at[pl.ds(lo + s * NPT, NPT)])


def _scatter(msgA, msgB, rcv):
    f = pl.kernel(
        _scatter_body,
        out_type=jax.ShapeDtypeStruct((NPAD, D), jnp.float32),
        mesh=_mesh(),
        scratch_types=[
            pltpu.VMEM((2, C), jnp.int32),
            pltpu.VMEM((2, C, D), jnp.float32),
            pltpu.VMEM((NPT, D), jnp.float32),
            pltpu.VMEM_SHARED((NPSC + 8, D), jnp.float32),
            pltpu.SemaphoreType.DMA((2,)),
        ],
    )
    return f(msgA, msgB, rcv)


def _msg_body(xr, xs, ef, sph, Wr, Ws, Wf, b0, W1, b1, out):
    bf = jnp.bfloat16
    t = (jnp.dot(xr[...].astype(bf), Wr[...], preferred_element_type=jnp.float32)
         + jnp.dot(xs[...].astype(bf), Ws[...], preferred_element_type=jnp.float32)
         + jnp.dot(ef[...], Wf[...], preferred_element_type=jnp.float32))
    y = _silu(_combine(t, sph[...], b0[...]))
    t2 = jnp.dot(y.astype(bf), W1[...], preferred_element_type=jnp.float32)
    out[...] = _silu(_combine(t2, sph[...], b1[...]))


def _msg_mlp(xr2, xs2, ef, sph, Wr, Ws, Wf, b0, W1, b1, offb):
    BE = 4000
    ne = xr2.shape[0]
    grid = (ne // BE,)
    full = lambda r, c_: pl.BlockSpec((r, c_), lambda i: (0, 0))
    row = lambda w: pl.BlockSpec((BE, w), lambda i: (i, 0))
    rowo = lambda w: pl.BlockSpec((BE, w), lambda i: (i + offb, 0))
    return pl.pallas_call(
        _msg_body,
        grid=grid,
        in_specs=[
            row(D), row(D), rowo(D_ADD), rowo(D_ATTR),
            full(D, 4 * D), full(D, 4 * D), full(D_ADD, 4 * D),
            pl.BlockSpec((D,), lambda i: (0,)),
            full(D, 4 * D),
            pl.BlockSpec((D,), lambda i: (0,)),
        ],
        out_specs=row(D),
        out_shape=jax.ShapeDtypeStruct((ne, D), jnp.float32),
    )(xr2, xs2, ef, sph, Wr, Ws, Wf, b0, W1, b1)


def _upd_body(x, agg, attr, Wux, Wua, bu0, Wu1, bu1, out):
    bf = jnp.bfloat16
    t = (jnp.dot(x[...].astype(bf), Wux[...], preferred_element_type=jnp.float32)
         + jnp.dot(agg[...].astype(bf), Wua[...], preferred_element_type=jnp.float32))
    h = _silu(_combine(t, attr[...], bu0[...]))
    t2 = jnp.dot(h.astype(bf), Wu1[...], preferred_element_type=jnp.float32)
    out[...] = x[...] + _combine(t2, attr[...], bu1[...])


def _upd_mlp(x, agg, attr, Wux, Wua, bu0, Wu1, bu1):
    BN = 5000
    grid = (N // BN,)
    full = lambda r, c_: pl.BlockSpec((r, c_), lambda i: (0, 0))
    row = lambda w: pl.BlockSpec((BN, w), lambda i: (i, 0))
    return pl.pallas_call(
        _upd_body,
        grid=grid,
        in_specs=[
            row(D), row(D), row(D_ATTR),
            full(D, 4 * D), full(D, 4 * D),
            pl.BlockSpec((D,), lambda i: (0,)),
            full(D, 4 * D),
            pl.BlockSpec((D,), lambda i: (0,)),
        ],
        out_specs=row(D),
        out_shape=jax.ShapeDtypeStruct((N, D), jnp.float32),
    )(x, agg, attr, Wux, Wua, bu0, Wu1, bu1)


def kernel(x, edge_index, edge_feat, edge_sph, node_attr,
           W_msg0, b_msg0, W_msg1, b_msg1, W_upd0, b_upd0, W_upd1, b_upd1):
    snd = edge_index[0]
    rcv = edge_index[1]

    bf = jnp.bfloat16
    E2 = E // 2
    xrA, xsA = _gather(x, rcv[:E2], snd[:E2])
    xrB, xsB = _gather(x, rcv[E2:], snd[E2:])

    Wr = W_msg0[:D].reshape(D, D_ATTR * D).astype(bf)
    Ws = W_msg0[D:2 * D].reshape(D, D_ATTR * D).astype(bf)
    Wf = W_msg0[2 * D:].reshape(D_ADD, D_ATTR * D).astype(bf)
    W1 = W_msg1.reshape(D, D_ATTR * D).astype(bf)
    ef = edge_feat.astype(bf)
    msgA = _msg_mlp(xrA, xsA, ef, edge_sph, Wr, Ws, Wf, b_msg0, W1, b_msg1, 0)
    nb = E2 // 4000
    msgB = _msg_mlp(xrB, xsB, ef, edge_sph, Wr, Ws, Wf, b_msg0, W1, b_msg1, nb)

    agg = _scatter(msgA, msgB, rcv)

    Wux = W_upd0[:D].reshape(D, D_ATTR * D).astype(bf)
    Wua = W_upd0[D:].reshape(D, D_ATTR * D).astype(bf)
    Wu1 = W_upd1.reshape(D, D_ATTR * D).astype(bf)
    return _upd_mlp(x, agg[:N], node_attr, Wux, Wua, b_upd0, Wu1, b_upd1)

# --- scband reference (transcript-rebuilt; emitter-appended) ---
"""Pipeline reference for scband-segnnlayer-19937238188636 (READ-ONLY COPY).

The authoritative reference and input builder live on the scoring server;
editing this copy changes nothing except your own understanding.
"""

import jax, jax.numpy as jnp
import numpy as np

N = 10000
E = 160000
D = 128
D_ADD = 16
D_ATTR = 4


def _tp_linear(z, attr, W, b):
    # Parametrized tensor product (scalar channels) + linear, as in O3TensorProduct
    # restricted to '0e' irreps: out[e,o] = sum_{a,b} z[e,a] * attr[e,b] * W[a,b,o] + b[o]
    t = jnp.einsum('ea,abo->ebo', z, W)
    return jnp.einsum('ebo,eb->eo', t, attr) + b


def _gated_tp(z, attr, W, b):
    # O3TensorProductGate with all-scalar output irreps ('128x0e'): e3nn.gate reduces
    # to the scalar activation (silu) applied to the linear tensor product output.
    return jax.nn.silu(_tp_linear(z, attr, W, b))


def setup_inputs(seed: int = 0) -> dict:
    key = jax.random.key(seed)
    ks = jax.random.split(key, 16)
    x = jax.random.normal(ks[0], (N, D), dtype=jnp.float32)
    edge_index = jax.random.randint(ks[1], (2, E), 0, N, dtype=jnp.int32)
    edge_feat = jax.random.normal(ks[2], (E, D_ADD), dtype=jnp.float32)
    edge_sph = jax.random.normal(ks[3], (E, D_ATTR), dtype=jnp.float32)
    node_attr = jax.random.normal(ks[4], (N, D_ATTR), dtype=jnp.float32)

    def u(k, shape):
        fan_in = shape[0] * shape[1]
        s = 1.0 / np.sqrt(fan_in)
        return jax.random.uniform(k, shape, jnp.float32, -s, s)

    W_msg0 = u(ks[5], (2 * D + D_ADD, D_ATTR, D))
    b_msg0 = jnp.zeros((D,), jnp.float32)
    W_msg1 = u(ks[6], (D, D_ATTR, D))
    b_msg1 = jnp.zeros((D,), jnp.float32)
    W_upd0 = u(ks[7], (2 * D, D_ATTR, D))
    b_upd0 = jnp.zeros((D,), jnp.float32)
    W_upd1 = u(ks[8], (D, D_ATTR, D))
    b_upd1 = jnp.zeros((D,), jnp.float32)
    return {
        'x': x, 'edge_index': edge_index, 'edge_feat': edge_feat,
        'edge_sph': edge_sph, 'node_attr': node_attr,
        'W_msg0': W_msg0, 'b_msg0': b_msg0, 'W_msg1': W_msg1, 'b_msg1': b_msg1,
        'W_upd0': W_upd0, 'b_upd0': b_upd0, 'W_upd1': W_upd1, 'b_upd1': b_upd1,
    }


def reference(x, edge_index, edge_feat, edge_sph, node_attr,
              W_msg0, b_msg0, W_msg1, b_msg1, W_upd0, b_upd0, W_upd1, b_upd1):
    snd = edge_index[0]
    rcv = edge_index[1]
    # message: concat(incoming, outgoing, additional_message_features)
    msg = jnp.concatenate([x[rcv], x[snd], edge_feat], axis=-1)
    # n_blocks = 2 gated tensor products with the steerable edge attribute
    msg = _gated_tp(msg, edge_sph, W_msg0, b_msg0)
    msg = _gated_tp(msg, edge_sph, W_msg1, b_msg1)
    # aggregate messages at receivers (jraph.segment_sum)
    agg = jax.ops.segment_sum(msg, rcv, num_segments=N)
    # update: concat(nodes, aggregated msg), (n_blocks-1) gated TPs + final linear TP
    h = jnp.concatenate([x, agg], axis=-1)
    h = _gated_tp(h, node_attr, W_upd0, b_upd0)
    upd = _tp_linear(h, node_attr, W_upd1, b_upd1)
    # residual node update (norm=None)
    return x + upd

if __name__ == "__main__":
    import jax
    _d = setup_inputs()
    print(jax.jit(kernel)(*tuple(_d.values())))

</pallas_src>

<mosaic_0001>
#map = affine_map<(d0, d1) -> (0, 0)>
#map1 = affine_map<(d0, d1) -> (0)>
module attributes {stable_mosaic.version = 14 : i64} {
  func.func @_scatter_body(%arg0: i32, %arg1: i32, %arg2: memref<80000x128xf32, #tpu.memory_space<hbm>>, %arg3: memref<80000x128xf32, #tpu.memory_space<hbm>>, %arg4: memref<160000xi32, #tpu.memory_space<hbm>>, %arg5: memref<10240x128xf32, #tpu.memory_space<hbm>>, %arg6: memref<2x128xi32, #tpu.memory_space<vmem>>, %arg7: memref<2x128x128xf32, #tpu.memory_space<vmem>>, %arg8: memref<320x128xf32, #tpu.memory_space<vmem>>, %arg9: memref<5128x128xf32, #tpu.memory_space<vmem_shared>>, %arg10: memref<2x!tpu.dma_semaphore, #tpu.memory_space<semaphore_mem>>) attributes {dimension_semantics = [#tpu.dimension_semantics<core_parallel>, #tpu.dimension_semantics<subcore_parallel>], iteration_bounds = array<i64: 2, 16>, scalar_prefetch = 0 : i64, scratch_operands = 5 : i64, tpu.core_type = #tpu.core_type<sc_vector_subcore>, window_params = [{transform_indices = #map}, {transform_indices = #map}, {transform_indices = #map1}, {transform_indices = #map}]} {
    %mul3A = arith.constant 5120 : i32
    %mul3A_0 = arith.muli %arg0, %mul3A : i32
    %broadcast_in_dim3A = arith.constant 0.000000e+00 : f32
    %broadcast_in_dim3A_1 = vector.broadcast %broadcast_in_dim3A : f32 to vector<16xf32>
    %scan3A = arith.constant 0 : i32
    %scan3A_2 = arith.constant 0 : i32
    %scan3A_3 = arith.constant 320 : i32
    %scan3A_4 = arith.addi %scan3A_2, %scan3A_3 : i32
    %scan3A_5 = arith.constant 1 : i32
    %scan3A_6 = scf.for %scan3A_48 = %scan3A_2 to %scan3A_4 step %scan3A_5 iter_args(%scan3A_49 = %scan3A) -> (i32)  : i32 {
      %swap3A = arith.index_cast %scan3A_48 : i32 to index
      %swap3A_50 = arith.constant 0 : index
      %swap3A_51 = tpu.vector_load %arg8[%swap3A, %swap3A_50] {strides = array<i32>} : memref<320x128xf32, #tpu.memory_space<vmem>>, vector<1x16xf32>,
      %swap3A_52 = vector.shape_cast %swap3A_51 : vector<1x16xf32> to vector<16xf32>
      %swap3A_53 = vector.shape_cast %broadcast_in_dim3A_1 : vector<16xf32> to vector<1x16xf32>
      tpu.vector_store %arg8[%swap3A, %swap3A_50], %swap3A_53 {strides = array<i32>} : memref<320x128xf32, #tpu.memory_space<vmem>>, vector<1x16xf32>,
      %swap3A_54 = arith.index_cast %scan3A_48 : i32 to index
      %swap3A_55 = arith.constant 16 : index
      %swap3A_56 = tpu.vector_load %arg8[%swap3A_54, %swap3A_55] {strides = array<i32>} : memref<320x128xf32, #tpu.memory_space<vmem>>, vector<1x16xf32>,
      %swap3A_57 = vector.shape_cast %swap3A_56 : vector<1x16xf32> to vector<16xf32>
      %swap3A_58 = vector.shape_cast %broadcast_in_dim3A_1 : vector<16xf32> to vector<1x16xf32>
      tpu.vector_store %arg8[%swap3A_54, %swap3A_55], %swap3A_58 {strides = array<i32>} : memref<320x128xf32, #tpu.memory_space<vmem>>, vector<1x16xf32>,
      %swap3A_59 = arith.index_cast %scan3A_48 : i32 to index
      %swap3A_60 = arith.constant 32 : index
      %swap3A_61 = tpu.vector_load %arg8[%swap3A_59, %swap3A_60] {strides = array<i32>} : memref<320x128xf32, #tpu.memory_space<vmem>>, vector<1x16xf32>,
      %swap3A_62 = vector.shape_cast %swap3A_61 : vector<1x16xf32> to vector<16xf32>
      %swap3A_63 = vector.shape_cast %broadcast_in_dim3A_1 : vector<16xf32> to vector<1x16xf32>
      tpu.vector_store %arg8[%swap3A_59, %swap3A_60], %swap3A_63 {strides = array<i32>} : memref<320x128xf32, #tpu.memory_space<vmem>>, vector<1x16xf32>,
      %swap3A_64 = arith.index_cast %scan3A_48 : i32 to index
      %swap3A_65 = arith.constant 48 : index
      %swap3A_66 = tpu.vector_load %arg8[%swap3A_64, %swap3A_65] {strides = array<i32>} : memref<320x128xf32, #tpu.memory_space<vmem>>, vector<1x16xf32>,
      %swap3A_67 = vector.shape_cast %swap3A_66 : vector<1x16xf32> to vector<16xf32>
      %swap3A_68 = vector.shape_cast %broadcast_in_dim3A_1 : vector<16xf32> to vector<1x16xf32>
      tpu.vector_store %arg8[%swap3A_64, %swap3A_65], %swap3A_68 {strides = array<i32>} : memref<320x128xf32, #tpu.memory_space<vmem>>, vector<1x16xf32>,
      %swap3A_69 = arith.index_cast %scan3A_48 : i32 to index
      %swap3A_70 = arith.constant 64 : index
      %swap3A_71 = tpu.vector_load %arg8[%swap3A_69, %swap3A_70] {strides = array<i32>} : memref<320x128xf32, #tpu.memory_space<vmem>>, vector<1x16xf32>,
      %swap3A_72 = vector.shape_cast %swap3A_71 : vector<1x16xf32> to vector<16xf32>
      %swap3A_73 = vector.shape_cast %broadcast_in_dim3A_1 : vector<16xf32> to vector<1x16xf32>
      tpu.vector_store %arg8[%swap3A_69, %swap3A_70], %swap3A_73 {strides = array<i32>} : memref<320x128xf32, #tpu.memory_space<vmem>>, vector<1x16xf32>,
      %swap3A_74 = arith.index_cast %scan3A_48 : i32 to index
      %swap3A_75 = arith.constant 80 : index
      %swap3A_76 = tpu.vector_load %arg8[%swap3A_74, %swap3A_75] {strides = array<i32>} : memref<320x128xf32, #tpu.memory_space<vmem>>, vector<1x16xf32>,
      %swap3A_77 = vector.shape_cast %swap3A_76 : vector<1x16xf32> to vector<16xf32>
      %swap3A_78 = vector.shape_cast %broadcast_in_dim3A_1 : vector<16xf32> to vector<1x16xf32>
      tpu.vector_store %arg8[%swap3A_74, %swap3A_75], %swap3A_78 {strides = array<i32>} : memref<320x128xf32, #tpu.memory_space<vmem>>, vector<1x16xf32>,
      %swap3A_79 = arith.index_cast %scan3A_48 : i32 to index
      %swap3A_80 = arith.constant 96 : index
      %swap3A_81 = tpu.vector_load %arg8[%swap3A_79, %swap3A_80] {strides = array<i32>} : memref<320x128xf32, #tpu.memory_space<vmem>>, vector<1x16xf32>,
      %swap3A_82 = vector.shape_cast %swap3A_81 : vector<1x16xf32> to vector<16xf32>
      %swap3A_83 = vector.shape_cast %broadcast_in_dim3A_1 : vector<16xf32> to vector<1x16xf32>
      tpu.vector_store %arg8[%swap3A_79, %swap3A_80], %swap3A_83 {strides = array<i32>} : memref<320x128xf32, #tpu.memory_space<vmem>>, vector<1x16xf32>,
      %swap3A_84 = arith.index_cast %scan3A_48 : i32 to index
      %swap3A_85 = arith.constant 112 : index
      %swap3A_86 = tpu.vector_load %arg8[%swap3A_84, %swap3A_85] {strides = array<i32>} : memref<320x128xf32, #tpu.memory_space<vmem>>, vector<1x16xf32>,
      %swap3A_87 = vector.shape_cast %swap3A_86 : vector<1x16xf32> to vector<16xf32>
      %swap3A_88 = vector.shape_cast %broadcast_in_dim3A_1 : vector<16xf32> to vector<1x16xf32>
      tpu.vector_store %arg8[%swap3A_84, %swap3A_85], %swap3A_88 {strides = array<i32>} : memref<320x128xf32, #tpu.memory_space<vmem>>, vector<1x16xf32>,
      %scan3A_89 = arith.constant 0 : i32
      scf.yield %scan3A_89 : i32
    }
    %scan3A_7 = arith.constant 320 : i32
    %mul3A_8 = arith.constant 320 : i32
    %mul3A_9 = arith.muli %arg1, %mul3A_8 : i32
    "tpu.region"() ({
      %run_scoped3A = tpu.sem_alloc : memref<!tpu.dma_semaphore, #tpu.memory_space<semaphore_mem>>
      %dma_start3A_48 = arith.constant 0 : i32
      %dma_start3A_49 = tpu.memref_slice %arg9[%mul3A_9, %dma_start3A_48] : memref<5128x128xf32, #tpu.memory_space<vmem_shared>> -> memref<320x128xf32, #tpu.memory_space<vmem_shared>>
      %dma_start3A_50 = arith.constant 0 : i32
      %dma_start3A_51 = tpu.memref_slice %arg9[%mul3A_9, %dma_start3A_50] : memref<5128x128xf32, #tpu.memory_space<vmem_shared>> -> memref<320x128xf32, #tpu.memory_space<vmem_shared>>
      tpu.enqueue_dma source(%arg8 : memref<320x128xf32, #tpu.memory_space<vmem>>) target(%dma_start3A_51 : memref<320x128xf32, #tpu.memory_space<vmem_shared>>) target_semaphore(%run_scoped3A : memref<!tpu.dma_semaphore, #tpu.memory_space<semaphore_mem>>)
      %dma_wait3A = arith.constant 0 : i32
      %dma_wait3A_52 = tpu.memref_slice %arg9[%mul3A_9, %dma_wait3A] : memref<5128x128xf32, #tpu.memory_space<vmem_shared>> -> memref<320x128xf32, #tpu.memory_space<vmem_shared>>
      %dma_wait3A_53 = arith.constant 0 : i32
      %dma_wait3A_54 = tpu.memref_slice %arg9[%mul3A_9, %dma_wait3A_53] : memref<5128x128xf32, #tpu.memory_space<vmem_shared>> -> memref<320x128xf32, #tpu.memory_space<vmem_shared>>
      tpu.wait_dma2 semaphore(%run_scoped3A : memref<!tpu.dma_semaphore, #tpu.memory_space<semaphore_mem>>) src(%arg8 : memref<320x128xf32, #tpu.memory_space<vmem>>) dst(%dma_wait3A_54 : memref<320x128xf32, #tpu.memory_space<vmem_shared>>)
      tpu.yield
    }) : () -> ()
    %eq3A = arith.constant 0 : i32
    %eq3A_10 = arith.cmpi eq, %arg1, %eq3A : i32
    %convert_element_type3A = arith.extui %eq3A_10 : i1 to i32
    %cond3A = arith.constant 0 : i32
    %cond3A_11 = arith.cmpi ne, %convert_element_type3A, %cond3A : i32
    scf.if %cond3A_11 {
      "tpu.region"() ({
        %run_scoped3A = tpu.sem_alloc : memref<!tpu.dma_semaphore, #tpu.memory_space<semaphore_mem>>
        %dma_start3A_48 = arith.constant 0 : i32
        %dma_start3A_49 = arith.constant 0 : i32
        %dma_start3A_50 = tpu.memref_slice %arg8[%dma_start3A_48, %dma_start3A_49] : memref<320x128xf32, #tpu.memory_space<vmem>> -> memref<8x128xf32, #tpu.memory_space<vmem>>
        %dma_start3A_51 = arith.constant 5120 : i32
        %dma_start3A_52 = arith.constant 0 : i32
        %dma_start3A_53 = tpu.memref_slice %arg9[%dma_start3A_51, %dma_start3A_52] : memref<5128x128xf32, #tpu.memory_space<vmem_shared>> -> memref<8x128xf32, #tpu.memory_space<vmem_shared>>
        %dma_start3A_54 = arith.constant 5120 : i32
        %dma_start3A_55 = arith.constant 0 : i32
        %dma_start3A_56 = tpu.memref_slice %arg9[%dma_start3A_54, %dma_start3A_55] : memref<5128x128xf32, #tpu.memory_space<vmem_shared>> -> memref<8x128xf32, #tpu.memory_space<vmem_shared>>
        %dma_start3A_57 = arith.constant 0 : i32
        %dma_start3A_58 = arith.constant 0 : i32
        %dma_start3A_59 = tpu.memref_slice %arg8[%dma_start3A_57, %dma_start3A_58] : memref<320x128xf32, #tpu.memory_space<vmem>> -> memref<8x128xf32, #tpu.memory_space<vmem>>
        tpu.enqueue_dma source(%dma_start3A_59 : memref<8x128xf32, #tpu.memory_space<vmem>>) target(%dma_start3A_56 : memref<8x128xf32, #tpu.memory_space<vmem_shared>>) target_semaphore(%run_scoped3A : memref<!tpu.dma_semaphore, #tpu.memory_space<semaphore_mem>>)
        %dma_wait3A = arith.constant 0 : i32
        %dma_wait3A_60 = arith.constant 0 : i32
        %dma_wait3A_61 = tpu.memref_slice %arg8[%dma_wait3A, %dma_wait3A_60] : memref<320x128xf32, #tpu.memory_space<vmem>> -> memref<8x128xf32, #tpu.memory_space<vmem>>
        %dma_wait3A_62 = arith.constant 5120 : i32
        %dma_wait3A_63 = arith.constant 0 : i32
        %dma_wait3A_64 = tpu.memref_slice %arg9[%dma_wait3A_62, %dma_wait3A_63] : memref<5128x128xf32, #tpu.memory_space<vmem_shared>> -> memref<8x128xf32, #tpu.memory_space<vmem_shared>>
        %dma_wait3A_65 = arith.constant 5120 : i32
        %dma_wait3A_66 = arith.constant 0 : i32
        %dma_wait3A_67 = tpu.memref_slice %arg9[%dma_wait3A_65, %dma_wait3A_66] : memref<5128x128xf32, #tpu.memory_space<vmem_shared>> -> memref<8x128xf32, #tpu.memory_space<vmem_shared>>
        %dma_wait3A_68 = arith.constant 0 : i32
        %dma_wait3A_69 = arith.constant 0 : i32
        %dma_wait3A_70 = tpu.memref_slice %arg8[%dma_wait3A_68, %dma_wait3A_69] : memref<320x128xf32, #tpu.memory_space<vmem>> -> memref<8x128xf32, #tpu.memory_space<vmem>>
        tpu.wait_dma2 semaphore(%run_scoped3A : memref<!tpu.dma_semaphore, #tpu.memory_space<semaphore_mem>>) src(%dma_wait3A_70 : memref<8x128xf32, #tpu.memory_space<vmem>>) dst(%dma_wait3A_67 : memref<8x128xf32, #tpu.memory_space<vmem_shared>>)
        tpu.yield
      }) : () -> ()
    } else {
    }
    %barrier3A = arith.constant 0 : index
    tpu.barrier barrier_id(%barrier3A)
    %add3A = arith.constant 0 : i32
    %add3A_12 = arith.addi %arg1, %add3A : i32
    %min3A = arith.constant 1249 : i32
    %min3A_13 = arith.minsi %add3A_12, %min3A : i32
    %mul3A_14 = arith.constant 128 : i32
    %mul3A_15 = arith.muli %min3A_13, %mul3A_14 : i32
    %dma_start3A = arith.constant 0 : i32
    %dma_start3A_16 = arith.constant 0 : i32
    %dma_start3A_17 = arith.constant 0 : i32
    %dma_start3A_18 = tpu.memref_slice %arg6[%dma_start3A, %dma_start3A_17] : memref<2x128xi32, #tpu.memory_space<vmem>> -> memref<1x128xi32, #tpu.memory_space<vmem>>
    %dma_start3A_19 = tpu.memref_squeeze %dma_start3A_18 : memref<1x128xi32, #tpu.memory_space<vmem>> -> memref<128xi32, #tpu.memory_space<vmem>>
    %dma_start3A_20 = tpu.memref_slice %arg4[%mul3A_15] : memref<160000xi32, #tpu.memory_space<hbm>> -> memref<128xi32, #tpu.memory_space<hbm>>
    %dma_start3A_21 = tpu.memref_slice %arg10[%dma_start3A_16] : memref<2x!tpu.dma_semaphore, #tpu.memory_space<semaphore_mem>> -> memref<1x!tpu.dma_semaphore, #tpu.memory_space<semaphore_mem>>
    %dma_start3A_22 = tpu.memref_squeeze %dma_start3A_21 : memref<1x!tpu.dma_semaphore, #tpu.memory_space<semaphore_mem>> -> memref<!tpu.dma_semaphore, #tpu.memory_space<semaphore_mem>>
    %dma_start3A_23 = arith.constant 0 : i32
    %dma_start3A_24 = tpu.memref_slice %arg6[%dma_start3A, %dma_start3A_23] : memref<2x128xi32, #tpu.memory_space<vmem>> -> memref<1x128xi32, #tpu.memory_space<vmem>>
    %dma_start3A_25 = tpu.memref_squeeze %dma_start3A_24 : memref<1x128xi32, #tpu.memory_space<vmem>> -> memref<128xi32, #tpu.memory_space<vmem>>
    %dma_start3A_26 = tpu.memref_slice %arg4[%mul3A_15] : memref<160000xi32, #tpu.memory_space<hbm>> -> memref<128xi32, #tpu.memory_space<hbm>>
    tpu.enqueue_dma source(%dma_start3A_26 : memref<128xi32, #tpu.memory_space<hbm>>) target(%dma_start3A_25 : memref<128xi32, #tpu.memory_space<vmem>>) target_semaphore(%dma_start3A_22 : memref<!tpu.dma_semaphore, #tpu.memory_space<semaphore_mem>>)
    %lt3A = arith.constant 625 : i32
    %lt3A_27 = arith.cmpi slt, %min3A_13, %lt3A : i32
    %convert_element_type3A_28 = arith.extui %lt3A_27 : i1 to i32
    %cond3A_29 = arith.constant 0 : i32
    %cond3A_30 = arith.cmpi ne, %convert_element_type3A_28, %cond3A_29 : i32
    scf.if %cond3A_30 {
      %dma_start3A_48 = arith.constant 0 : i32
      %dma_start3A_49 = arith.constant 0 : i32
      %dma_start3A_50 = arith.constant 0 : i32
      %dma_start3A_51 = arith.constant 0 : i32
      %dma_start3A_52 = tpu.memref_slice %arg7[%dma_start3A_48, %dma_start3A_50, %dma_start3A_51] : memref<2x128x128xf32, #tpu.memory_space<vmem>> -> memref<1x128x128xf32, #tpu.memory_space<vmem>>
      %dma_start3A_53 = tpu.memref_squeeze %dma_start3A_52 : memref<1x128x128xf32, #tpu.memory_space<vmem>> -> memref<128x128xf32, #tpu.memory_space<vmem>>
      %dma_start3A_54 = arith.constant 0 : i32
      %dma_start3A_55 = tpu.memref_slice %arg2[%mul3A_15, %dma_start3A_54] : memref<80000x128xf32, #tpu.memory_space<hbm>> -> memref<128x128xf32, #tpu.memory_space<hbm>>
      %dma_start3A_56 = tpu.memref_slice %arg10[%dma_start3A_49] : memref<2x!tpu.dma_semaphore, #tpu.memory_space<semaphore_mem>> -> memref<1x!tpu.dma_semaphore, #tpu.memory_space<semaphore_mem>>
      %dma_start3A_57 = tpu.memref_squeeze %dma_start3A_56 : memref<1x!tpu.dma_semaphore, #tpu.memory_space<semaphore_mem>> -> memref<!tpu.dma_semaphore, #tpu.memory_space<semaphore_mem>>
      %dma_start3A_58 = arith.constant 0 : i32
      %dma_start3A_59 = arith.constant 0 : i32
      %dma_start3A_60 = tpu.memref_slice %arg7[%dma_start3A_48, %dma_start3A_58, %dma_start3A_59] : memref<2x128x128xf32, #tpu.memory_space<vmem>> -> memref<1x128x128xf32, #tpu.memory_space<vmem>>
      %dma_start3A_61 = tpu.memref_squeeze %dma_start3A_60 : memref<1x128x128xf32, #tpu.memory_space<vmem>> -> memref<128x128xf32, #tpu.memory_space<vmem>>
      %dma_start3A_62 = arith.constant 0 : i32
      %dma_start3A_63 = tpu.memref_slice %arg2[%mul3A_15, %dma_start3A_62] : memref<80000x128xf32, #tpu.memory_space<hbm>> -> memref<128x128xf32, #tpu.memory_space<hbm>>
      tpu.enqueue_dma source(%dma_start3A_63 : memref<128x128xf32, #tpu.memory_space<hbm>>) target(%dma_start3A_61 : memref<128x128xf32, #tpu.memory_space<vmem>>) target_semaphore(%dma_start3A_57 : memref<!tpu.dma_semaphore, #tpu.memory_space<semaphore_mem>>)
    } else {
    }
    %ge3A = arith.constant 625 : i32
    %ge3A_31 = arith.cmpi sge, %min3A_13, %ge3A : i32
    %convert_element_type3A_32 = arith.extui %ge3A_31 : i1 to i32
    %cond3A_33 = arith.constant 0 : i32
    %cond3A_34 = arith.cmpi ne, %convert_element_type3A_32, %cond3A_33 : i32
    scf.if %cond3A_34 {
      %sub3A = arith.constant 80000 : i32
      %sub3A_48 = arith.subi %mul3A_15, %sub3A : i32
      %dma_start3A_49 = arith.constant 0 : i32
      %dma_start3A_50 = arith.constant 0 : i32
      %dma_start3A_51 = arith.constant 0 : i32
      %dma_start3A_52 = arith.constant 0 : i32
      %dma_start3A_53 = tpu.memref_slice %arg7[%dma_start3A_49, %dma_start3A_51, %dma_start3A_52] : memref<2x128x128xf32, #tpu.memory_space<vmem>> -> memref<1x128x128xf32, #tpu.memory_space<vmem>>
      %dma_start3A_54 = tpu.memref_squeeze %dma_start3A_53 : memref<1x128x128xf32, #tpu.memory_space<vmem>> -> memref<128x128xf32, #tpu.memory_space<vmem>>
      %dma_start3A_55 = arith.constant 0 : i32
      %dma_start3A_56 = tpu.memref_slice %arg3[%sub3A_48, %dma_start3A_55] : memref<80000x128xf32, #tpu.memory_space<hbm>> -> memref<128x128xf32, #tpu.memory_space<hbm>>
      %dma_start3A_57 = tpu.memref_slice %arg10[%dma_start3A_50] : memref<2x!tpu.dma_semaphore, #tpu.memory_space<semaphore_mem>> -> memref<1x!tpu.dma_semaphore, #tpu.memory_space<semaphore_mem>>
      %dma_start3A_58 = tpu.memref_squeeze %dma_start3A_57 : memref<1x!tpu.dma_semaphore, #tpu.memory_space<semaphore_mem>> -> memref<!tpu.dma_semaphore, #tpu.memory_space<semaphore_mem>>
      %dma_start3A_59 = arith.constant 0 : i32
      %dma_start3A_60 = arith.constant 0 : i32
      %dma_start3A_61 = tpu.memref_slice %arg7[%dma_start3A_49, %dma_start3A_59, %dma_start3A_60] : memref<2x128x128xf32, #tpu.memory_space<vmem>> -> memref<1x128x128xf32, #tpu.memory_space<vmem>>
      %dma_start3A_62 = tpu.memref_squeeze %dma_start3A_61 : memref<1x128x128xf32, #tpu.memory_space<vmem>> -> memref<128x128xf32, #tpu.memory_space<vmem>>
      %dma_start3A_63 = arith.constant 0 : i32
      %dma_start3A_64 = tpu.memref_slice %arg3[%sub3A_48, %dma_start3A_63] : memref<80000x128xf32, #tpu.memory_space<hbm>> -> memref<128x128xf32, #tpu.memory_space<hbm>>
      tpu.enqueue_dma source(%dma_start3A_64 : memref<128x128xf32, #tpu.memory_space<hbm>>) target(%dma_start3A_62 : memref<128x128xf32, #tpu.memory_space<vmem>>) target_semaphore(%dma_start3A_58 : memref<!tpu.dma_semaphore, #tpu.memory_space<semaphore_mem>>)
    } else {
    }
    %scan3A_35 = arith.constant 0 : i32
    %scan3A_36 = arith.constant 0 : i32
    %scan3A_37 = arith.constant 79 : i32
    %scan3A_38 = arith.addi %scan3A_36, %scan3A_37 : i32
    %scan3A_39 = arith.constant 1 : i32
    %scan3A_40 = scf.for %scan3A_48 = %scan3A_36 to %scan3A_38 step %scan3A_39 iter_args(%scan3A_49 = %scan3A_35) -> (i32)  : i32 {
      %and3A = arith.constant 1 : i32
      %and3A_50 = arith.andi %scan3A_48, %and3A : i32
      %dma_wait3A = arith.constant 0 : i32
      %dma_wait3A_51 = tpu.memref_slice %arg6[%and3A_50, %dma_wait3A] : memref<2x128xi32, #tpu.memory_space<vmem>> -> memref<1x128xi32, #tpu.memory_space<vmem>>
      %dma_wait3A_52 = tpu.memref_squeeze %dma_wait3A_51 : memref<1x128xi32, #tpu.memory_space<vmem>> -> memref<128xi32, #tpu.memory_space<vmem>>
      %dma_wait3A_53 = arith.constant 0 : i32
      %dma_wait3A_54 = tpu.memref_slice %arg4[%dma_wait3A_53] : memref<160000xi32, #tpu.memory_space<hbm>> -> memref<128xi32, #tpu.memory_space<hbm>>
      %dma_wait3A_55 = tpu.memref_slice %arg10[%and3A_50] : memref<2x!tpu.dma_semaphore, #tpu.memory_space<semaphore_mem>> -> memref<1x!tpu.dma_semaphore, #tpu.memory_space<semaphore_mem>>
      %dma_wait3A_56 = tpu.memref_squeeze %dma_wait3A_55 : memref<1x!tpu.dma_semaphore, #tpu.memory_space<semaphore_mem>> -> memref<!tpu.dma_semaphore, #tpu.memory_space<semaphore_mem>>
      %dma_wait3A_57 = arith.constant 0 : i32
      %dma_wait3A_58 = tpu.memref_slice %arg6[%and3A_50, %dma_wait3A_57] : memref<2x128xi32, #tpu.memory_space<vmem>> -> memref<1x128xi32, #tpu.memory_space<vmem>>
      %dma_wait3A_59 = tpu.memref_squeeze %dma_wait3A_58 : memref<1x128xi32, #tpu.memory_space<vmem>> -> memref<128xi32, #tpu.memory_space<vmem>>
      %dma_wait3A_60 = arith.constant 0 : i32
      %dma_wait3A_61 = tpu.memref_slice %arg4[%dma_wait3A_60] : memref<160000xi32, #tpu.memory_space<hbm>> -> memref<128xi32, #tpu.memory_space<hbm>>
      tpu.wait_dma2 semaphore(%dma_wait3A_56 : memref<!tpu.dma_semaphore, #tpu.memory_space<semaphore_mem>>) src(%dma_wait3A_61 : memref<128xi32, #tpu.memory_space<hbm>>) dst(%dma_wait3A_59 : memref<128xi32, #tpu.memory_space<vmem>>)
      %dma_wait3A_62 = arith.constant 0 : i32
      %dma_wait3A_63 = arith.constant 0 : i32
      %dma_wait3A_64 = tpu.memref_slice %arg7[%and3A_50, %dma_wait3A_62, %dma_wait3A_63] : memref<2x128x128xf32, #tpu.memory_space<vmem>> -> memref<1x128x128xf32, #tpu.memory_space<vmem>>
      %dma_wait3A_65 = tpu.memref_squeeze %dma_wait3A_64 : memref<1x128x128xf32, #tpu.memory_space<vmem>> -> memref<128x128xf32, #tpu.memory_space<vmem>>
      %dma_wait3A_66 = arith.constant 0 : i32
      %dma_wait3A_67 = arith.constant 0 : i32
      %dma_wait3A_68 = tpu.memref_slice %arg2[%dma_wait3A_66, %dma_wait3A_67] : memref<80000x128xf32, #tpu.memory_space<hbm>> -> memref<128x128xf32, #tpu.memory_space<hbm>>
      %dma_wait3A_69 = tpu.memref_slice %arg10[%and3A_50] : memref<2x!tpu.dma_semaphore, #tpu.memory_space<semaphore_mem>> -> memref<1x!tpu.dma_semaphore, #tpu.memory_space<semaphore_mem>>
      %dma_wait3A_70 = tpu.memref_squeeze %dma_wait3A_69 : memref<1x!tpu.dma_semaphore, #tpu.memory_space<semaphore_mem>> -> memref<!tpu.dma_semaphore, #tpu.memory_space<semaphore_mem>>
      %dma_wait3A_71 = arith.constant 0 : i32
      %dma_wait3A_72 = arith.constant 0 : i32
      %dma_wait3A_73 = tpu.memref_slice %arg7[%and3A_50, %dma_wait3A_71, %dma_wait3A_72] : memref<2x128x128xf32, #tpu.memory_space<vmem>> -> memref<1x128x128xf32, #tpu.memory_space<vmem>>
      %dma_wait3A_74 = tpu.memref_squeeze %dma_wait3A_73 : memref<1x128x128xf32, #tpu.memory_space<vmem>> -> memref<128x128xf32, #tpu.memory_space<vmem>>
      %dma_wait3A_75 = arith.constant 0 : i32
      %dma_wait3A_76 = arith.constant 0 : i32
      %dma_wait3A_77 = tpu.memref_slice %arg2[%dma_wait3A_75, %dma_wait3A_76] : memref<80000x128xf32, #tpu.memory_space<hbm>> -> memref<128x128xf32, #tpu.memory_space<hbm>>
      tpu.wait_dma2 semaphore(%dma_wait3A_70 : memref<!tpu.dma_semaphore, #tpu.memory_space<semaphore_mem>>) src(%dma_wait3A_77 : memref<128x128xf32, #tpu.memory_space<hbm>>) dst(%dma_wait3A_74 : memref<128x128xf32, #tpu.memory_space<vmem>>)
      %add3A_78 = arith.constant 1 : i32
      %add3A_79 = arith.addi %scan3A_48, %add3A_78 : i32
      %lt3A_80 = arith.constant 79 : i32
      %lt3A_81 = arith.cmpi slt, %add3A_79, %lt3A_80 : i32
      %convert_element_type3A_82 = arith.extui %lt3A_81 : i1 to i32
      %cond3A_83 = arith.constant 0 : i32
      %cond3A_84 = arith.cmpi ne, %convert_element_type3A_82, %cond3A_83 : i32
      scf.if %cond3A_84 {
        %add3A_94 = arith.constant 1 : i32
        %add3A_95 = arith.addi %scan3A_48, %add3A_94 : i32
        %sub3A = arith.constant 1 : i32
        %sub3A_96 = arith.subi %sub3A, %and3A_50 : i32
        %mul3A_97 = arith.constant 16 : i32
        %mul3A_98 = arith.muli %add3A_95, %mul3A_97 : i32
        %add3A_99 = arith.addi %arg1, %mul3A_98 : i32
        %min3A_100 = arith.constant 1249 : i32
        %min3A_101 = arith.minsi %add3A_99, %min3A_100 : i32
        %mul3A_102 = arith.constant 128 : i32
        %mul3A_103 = arith.muli %min3A_101, %mul3A_102 : i32
        %dma_start3A_104 = arith.constant 0 : i32
        %dma_start3A_105 = tpu.memref_slice %arg6[%sub3A_96, %dma_start3A_104] : memref<2x128xi32, #tpu.memory_space<vmem>> -> memref<1x128xi32, #tpu.memory_space<vmem>>
        %dma_start3A_106 = tpu.memref_squeeze %dma_start3A_105 : memref<1x128xi32, #tpu.memory_space<vmem>> -> memref<128xi32, #tpu.memory_space<vmem>>
        %dma_start3A_107 = tpu.memref_slice %arg4[%mul3A_103] : memref<160000xi32, #tpu.memory_space<hbm>> -> memref<128xi32, #tpu.memory_space<hbm>>
        %dma_start3A_108 = tpu.memref_slice %arg10[%sub3A_96] : memref<2x!tpu.dma_semaphore, #tpu.memory_space<semaphore_mem>> -> memref<1x!tpu.dma_semaphore, #tpu.memory_space<semaphore_mem>>
        %dma_start3A_109 = tpu.memref_squeeze %dma_start3A_108 : memref<1x!tpu.dma_semaphore, #tpu.memory_space<semaphore_mem>> -> memref<!tpu.dma_semaphore, #tpu.memory_space<semaphore_mem>>
        %dma_start3A_110 = arith.constant 0 : i32
        %dma_start3A_111 = tpu.memref_slice %arg6[%sub3A_96, %dma_start3A_110] : memref<2x128xi32, #tpu.memory_space<vmem>> -> memref<1x128xi32, #tpu.memory_space<vmem>>
        %dma_start3A_112 = tpu.memref_squeeze %dma_start3A_111 : memref<1x128xi32, #tpu.memory_space<vmem>> -> memref<128xi32, #tpu.memory_space<vmem>>
        %dma_start3A_113 = tpu.memref_slice %arg4[%mul3A_103] : memref<160000xi32, #tpu.memory_space<hbm>> -> memref<128xi32, #tpu.memory_space<hbm>>
        tpu.enqueue_dma source(%dma_start3A_113 : memref<128xi32, #tpu.memory_space<hbm>>) target(%dma_start3A_112 : memref<128xi32, #tpu.memory_space<vmem>>) target_semaphore(%dma_start3A_109 : memref<!tpu.dma_semaphore, #tpu.memory_space<semaphore_mem>>)
        %lt3A_114 = arith.constant 625 : i32
        %lt3A_115 = arith.cmpi slt, %min3A_101, %lt3A_114 : i32
        %convert_element_type3A_116 = arith.extui %lt3A_115 : i1 to i32
        %cond3A_117 = arith.constant 0 : i32
        %cond3A_118 = arith.cmpi ne, %convert_element_type3A_116, %cond3A_117 : i32
        scf.if %cond3A_118 {
          %dma_start3A_124 = arith.constant 0 : i32
          %dma_start3A_125 = arith.constant 0 : i32
          %dma_start3A_126 = tpu.memref_slice %arg7[%sub3A_96, %dma_start3A_124, %dma_start3A_125] : memref<2x128x128xf32, #tpu.memory_space<vmem>> -> memref<1x128x128xf32, #tpu.memory_space<vmem>>
          %dma_start3A_127 = tpu.memref_squeeze %dma_start3A_126 : memref<1x128x128xf32, #tpu.memory_space<vmem>> -> memref<128x128xf32, #tpu.memory_space<vmem>>
          %dma_start3A_128 = arith.constant 0 : i32
          %dma_start3A_129 = tpu.memref_slice %arg2[%mul3A_103, %dma_start3A_128] : memref<80000x128xf32, #tpu.memory_space<hbm>> -> memref<128x128xf32, #tpu.memory_space<hbm>>
          %dma_start3A_130 = tpu.memref_slice %arg10[%sub3A_96] : memref<2x!tpu.dma_semaphore, #tpu.memory_space<semaphore_mem>> -> memref<1x!tpu.dma_semaphore, #tpu.memory_space<semaphore_mem>>
          %dma_start3A_131 = tpu.memref_squeeze %dma_start3A_130 : memref<1x!tpu.dma_semaphore, #tpu.memory_space<semaphore_mem>> -> memref<!tpu.dma_semaphore, #tpu.memory_space<semaphore_mem>>
          %dma_start3A_132 = arith.constant 0 : i32
          %dma_start3A_133 = arith.constant 0 : i32
          %dma_start3A_134 = tpu.memref_slice %arg7[%sub3A_96, %dma_start3A_132, %dma_start3A_133] : memref<2x128x128xf32, #tpu.memory_space<vmem>> -> memref<1x128x128xf32, #tpu.memory_space<vmem>>
          %dma_start3A_135 = tpu.memref_squeeze %dma_start3A_134 : memref<1x128x128xf32, #tpu.memory_space<vmem>> -> memref<128x128xf32, #tpu.memory_space<vmem>>
          %dma_start3A_136 = arith.constant 0 : i32
          %dma_start3A_137 = tpu.memref_slice %arg2[%mul3A_103, %dma_start3A_136] : memref<80000x128xf32, #tpu.memory_space<hbm>> -> memref<128x128xf32, #tpu.memory_space<hbm>>
          tpu.enqueue_dma source(%dma_start3A_137 : memref<128x128xf32, #tpu.memory_space<hbm>>) target(%dma_start3A_135 : memref<128x128xf32, #tpu.memory_space<vmem>>) target_semaphore(%dma_start3A_131 : memref<!tpu.dma_semaphore, #tpu.memory_space<semaphore_mem>>)
        } else {
        }
        %ge3A_119 = arith.constant 625 : i32
        %ge3A_120 = arith.cmpi sge, %min3A_101, %ge3A_119 : i32
        %convert_element_type3A_121 = arith.extui %ge3A_120 : i1 to i32
        %cond3A_122 = arith.constant 0 : i32
        %cond3A_123 = arith.cmpi ne, %convert_element_type3A_121, %cond3A_122 : i32
        scf.if %cond3A_123 {
          %sub3A_124 = arith.constant 80000 : i32
          %sub3A_125 = arith.subi %mul3A_103, %sub3A_124 : i32
          %dma_start3A_126 = arith.constant 0 : i32
          %dma_start3A_127 = arith.constant 0 : i32
          %dma_start3A_128 = tpu.memref_slice %arg7[%sub3A_96, %dma_start3A_126, %dma_start3A_127] : memref<2x128x128xf32, #tpu.memory_space<vmem>> -> memref<1x128x128xf32, #tpu.memory_space<vmem>>
          %dma_start3A_129 = tpu.memref_squeeze %dma_start3A_128 : memref<1x128x128xf32, #tpu.memory_space<vmem>> -> memref<128x128xf32, #tpu.memory_space<vmem>>
          %dma_start3A_130 = arith.constant 0 : i32
          %dma_start3A_131 = tpu.memref_slice %arg3[%sub3A_125, %dma_start3A_130] : memref<80000x128xf32, #tpu.memory_space<hbm>> -> memref<128x128xf32, #tpu.memory_space<hbm>>
          %dma_start3A_132 = tpu.memref_slice %arg10[%sub3A_96] : memref<2x!tpu.dma_semaphore, #tpu.memory_space<semaphore_mem>> -> memref<1x!tpu.dma_semaphore, #tpu.memory_space<semaphore_mem>>
          %dma_start3A_133 = tpu.memref_squeeze %dma_start3A_132 : memref<1x!tpu.dma_semaphore, #tpu.memory_space<semaphore_mem>> -> memref<!tpu.dma_semaphore, #tpu.memory_space<semaphore_mem>>
          %dma_start3A_134 = arith.constant 0 : i32
          %dma_start3A_135 = arith.constant 0 : i32
          %dma_start3A_136 = tpu.memref_slice %arg7[%sub3A_96, %dma_start3A_134, %dma_start3A_135] : memref<2x128x128xf32, #tpu.memory_space<vmem>> -> memref<1x128x128xf32, #tpu.memory_space<vmem>>
          %dma_start3A_137 = tpu.memref_squeeze %dma_start3A_136 : memref<1x128x128xf32, #tpu.memory_space<vmem>> -> memref<128x128xf32, #tpu.memory_space<vmem>>
          %dma_start3A_138 = arith.constant 0 : i32
          %dma_start3A_139 = tpu.memref_slice %arg3[%sub3A_125, %dma_start3A_138] : memref<80000x128xf32, #tpu.memory_space<hbm>> -> memref<128x128xf32, #tpu.memory_space<hbm>>
          tpu.enqueue_dma source(%dma_start3A_139 : memref<128x128xf32, #tpu.memory_space<hbm>>) target(%dma_start3A_137 : memref<128x128xf32, #tpu.memory_space<vmem>>) target_semaphore(%dma_start3A_133 : memref<!tpu.dma_semaphore, #tpu.memory_space<semaphore_mem>>)
        } else {
        }
      } else {
      }
      %mul3A_85 = arith.constant 16 : i32
      %mul3A_86 = arith.muli %scan3A_48, %mul3A_85 : i32
      %add3A_87 = arith.addi %arg1, %mul3A_86 : i32
      %lt3A_88 = arith.constant 1250 : i32
      %lt3A_89 = arith.cmpi slt, %add3A_87, %lt3A_88 : i32
      %convert_element_type3A_90 = arith.extui %lt3A_89 : i1 to i32
      %cond3A_91 = arith.constant 0 : i32
      %cond3A_92 = arith.cmpi ne, %convert_element_type3A_90, %cond3A_91 : i32
      scf.if %cond3A_92 {
        %get3A = arith.index_cast %and3A_50 : i32 to index
        %get3A_94 = arith.constant 0 : index
        %get3A_95 = tpu.vector_load %arg6[%get3A, %get3A_94] {strides = array<i32>} : memref<2x128xi32, #tpu.memory_space<vmem>>, vector<1x16xi32>,
        %get3A_96 = vector.shape_cast %get3A_95 : vector<1x16xi32> to vector<16xi32>
        %sub3A = vector.broadcast %mul3A_0 : i32 to vector<16xi32>
        %sub3A_97 = arith.subi %get3A_96, %sub3A : vector<16xi32>
        %ge3A_98 = arith.constant 0 : i32
        %ge3A_99 = vector.broadcast %ge3A_98 : i32 to vector<16xi32>
        %ge3A_100 = arith.cmpi sge, %sub3A_97, %ge3A_99 : vector<16xi32>
        %lt3A_101 = arith.constant 5120 : i32
        %lt3A_102 = vector.broadcast %lt3A_101 : i32 to vector<16xi32>
        %lt3A_103 = arith.cmpi slt, %sub3A_97, %lt3A_102 : vector<16xi32>
        %and3A_104 = arith.andi %ge3A_100, %lt3A_103 : vector<16xi1>
        %jit3A = arith.constant 5120 : i32
        %broadcast_in_dim3A_105 = vector.broadcast %jit3A : i32 to vector<16xi32>
        %select_n3A = arith.select %and3A_104, %sub3A_97, %broadcast_in_dim3A_105 : vector<16xi1>, vector<16xi32>
        %swap3A = arith.index_cast %and3A_50 : i32 to index
        %swap3A_106 = arith.constant 0 : index
        %swap3A_107 = tpu.vector_load %arg6[%swap3A, %swap3A_106] {strides = array<i32>} : memref<2x128xi32, #tpu.memory_space<vmem>>, vector<1x16xi32>,
        %swap3A_108 = vector.shape_cast %swap3A_107 : vector<1x16xi32> to vector<16xi32>
        %swap3A_109 = vector.shape_cast %select_n3A : vector<16xi32> to vector<1x16xi32>
        tpu.vector_store %arg6[%swap3A, %swap3A_106], %swap3A_109 {strides = array<i32>} : memref<2x128xi32, #tpu.memory_space<vmem>>, vector<1x16xi32>,
        %get3A_110 = arith.index_cast %and3A_50 : i32 to index
        %get3A_111 = arith.constant 16 : index
        %get3A_112 = tpu.vector_load %arg6[%get3A_110, %get3A_111] {strides = array<i32>} : memref<2x128xi32, #tpu.memory_space<vmem>>, vector<1x16xi32>,
        %get3A_113 = vector.shape_cast %get3A_112 : vector<1x16xi32> to vector<16xi32>
        %sub3A_114 = vector.broadcast %mul3A_0 : i32 to vector<16xi32>
        %sub3A_115 = arith.subi %get3A_113, %sub3A_114 : vector<16xi32>
        %ge3A_116 = arith.constant 0 : i32
        %ge3A_117 = vector.broadcast %ge3A_116 : i32 to vector<16xi32>
        %ge3A_118 = arith.cmpi sge, %sub3A_115, %ge3A_117 : vector<16xi32>
        %lt3A_119 = arith.constant 5120 : i32
        %lt3A_120 = vector.broadcast %lt3A_119 : i32 to vector<16xi32>
        %lt3A_121 = arith.cmpi slt, %sub3A_115, %lt3A_120 : vector<16xi32>
        %and3A_122 = arith.andi %ge3A_118, %lt3A_121 : vector<16xi1>
        %jit3A_123 = arith.constant 5120 : i32
        %broadcast_in_dim3A_124 = vector.broadcast %jit3A_123 : i32 to vector<16xi32>
        %select_n3A_125 = arith.select %and3A_122, %sub3A_115, %broadcast_in_dim3A_124 : vector<16xi1>, vector<16xi32>
        %swap3A_126 = arith.index_cast %and3A_50 : i32 to index
        %swap3A_127 = arith.constant 16 : index
        %swap3A_128 = tpu.vector_load %arg6[%swap3A_126, %swap3A_127] {strides = array<i32>} : memref<2x128xi32, #tpu.memory_space<vmem>>, vector<1x16xi32>,
        %swap3A_129 = vector.shape_cast %swap3A_128 : vector<1x16xi32> to vector<16xi32>
        %swap3A_130 = vector.shape_cast %select_n3A_125 : vector<16xi32> to vector<1x16xi32>
        tpu.vector_store %arg6[%swap3A_126, %swap3A_127], %swap3A_130 {strides = array<i32>} : memref<2x128xi32, #tpu.memory_space<vmem>>, vector<1x16xi32>,
        %get3A_131 = arith.index_cast %and3A_50 : i32 to index
        %get3A_132 = arith.constant 32 : index
        %get3A_133 = tpu.vector_load %arg6[%get3A_131, %get3A_132] {strides = array<i32>} : memref<2x128xi32, #tpu.memory_space<vmem>>, vector<1x16xi32>,
        %get3A_134 = vector.shape_cast %get3A_133 : vector<1x16xi32> to vector<16xi32>
        %sub3A_135 = vector.broadcast %mul3A_0 : i32 to vector<16xi32>
        %sub3A_136 = arith.subi %get3A_134, %sub3A_135 : vector<16xi32>
        %ge3A_137 = arith.constant 0 : i32
        %ge3A_138 = vector.broadcast %ge3A_137 : i32 to vector<16xi32>
        %ge3A_139 = arith.cmpi sge, %sub3A_136, %ge3A_138 : vector<16xi32>
        %lt3A_140 = arith.constant 5120 : i32
        %lt3A_141 = vector.broadcast %lt3A_140 : i32 to vector<16xi32>
        %lt3A_142 = arith.cmpi slt, %sub3A_136, %lt3A_141 : vector<16xi32>
        %and3A_143 = arith.andi %ge3A_139, %lt3A_142 : vector<16xi1>
        %jit3A_144 = arith.constant 5120 : i32
        %broadcast_in_dim3A_145 = vector.broadcast %jit3A_144 : i32 to vector<16xi32>
        %select_n3A_146 = arith.select %and3A_143, %sub3A_136, %broadcast_in_dim3A_145 : vector<16xi1>, vector<16xi32>
        %swap3A_147 = arith.index_cast %and3A_50 : i32 to index
        %swap3A_148 = arith.constant 32 : index
        %swap3A_149 = tpu.vector_load %arg6[%swap3A_147, %swap3A_148] {strides = array<i32>} : memref<2x128xi32, #tpu.memory_space<vmem>>, vector<1x16xi32>,
        %swap3A_150 = vector.shape_cast %swap3A_149 : vector<1x16xi32> to vector<16xi32>
        %swap3A_151 = vector.shape_cast %select_n3A_146 : vector<16xi32> to vector<1x16xi32>
        tpu.vector_store %arg6[%swap3A_147, %swap3A_148], %swap3A_151 {strides = array<i32>} : memref<2x128xi32, #tpu.memory_space<vmem>>, vector<1x16xi32>,
        %get3A_152 = arith.index_cast %and3A_50 : i32 to index
        %get3A_153 = arith.constant 48 : index
        %get3A_154 = tpu.vector_load %arg6[%get3A_152, %get3A_153] {strides = array<i32>} : memref<2x128xi32, #tpu.memory_space<vmem>>, vector<1x16xi32>,
        %get3A_155 = vector.shape_cast %get3A_154 : vector<1x16xi32> to vector<16xi32>
        %sub3A_156 = vector.broadcast %mul3A_0 : i32 to vector<16xi32>
        %sub3A_157 = arith.subi %get3A_155, %sub3A_156 : vector<16xi32>
        %ge3A_158 = arith.constant 0 : i32
        %ge3A_159 = vector.broadcast %ge3A_158 : i32 to vector<16xi32>
        %ge3A_160 = arith.cmpi sge, %sub3A_157, %ge3A_159 : vector<16xi32>
        %lt3A_161 = arith.constant 5120 : i32
        %lt3A_162 = vector.broadcast %lt3A_161 : i32 to vector<16xi32>
        %lt3A_163 = arith.cmpi slt, %sub3A_157, %lt3A_162 : vector<16xi32>
        %and3A_164 = arith.andi %ge3A_160, %lt3A_163 : vector<16xi1>
        %jit3A_165 = arith.constant 5120 : i32
        %broadcast_in_dim3A_166 = vector.broadcast %jit3A_165 : i32 to vector<16xi32>
        %select_n3A_167 = arith.select %and3A_164, %sub3A_157, %broadcast_in_dim3A_166 : vector<16xi1>, vector<16xi32>
        %swap3A_168 = arith.index_cast %and3A_50 : i32 to index
        %swap3A_169 = arith.constant 48 : index
        %swap3A_170 = tpu.vector_load %arg6[%swap3A_168, %swap3A_169] {strides = array<i32>} : memref<2x128xi32, #tpu.memory_space<vmem>>, vector<1x16xi32>,
        %swap3A_171 = vector.shape_cast %swap3A_170 : vector<1x16xi32> to vector<16xi32>
        %swap3A_172 = vector.shape_cast %select_n3A_167 : vector<16xi32> to vector<1x16xi32>
        tpu.vector_store %arg6[%swap3A_168, %swap3A_169], %swap3A_172 {strides = array<i32>} : memref<2x128xi32, #tpu.memory_space<vmem>>, vector<1x16xi32>,
        %get3A_173 = arith.index_cast %and3A_50 : i32 to index
        %get3A_174 = arith.constant 64 : index
        %get3A_175 = tpu.vector_load %arg6[%get3A_173, %get3A_174] {strides = array<i32>} : memref<2x128xi32, #tpu.memory_space<vmem>>, vector<1x16xi32>,
        %get3A_176 = vector.shape_cast %get3A_175 : vector<1x16xi32> to vector<16xi32>
        %sub3A_177 = vector.broadcast %mul3A_0 : i32 to vector<16xi32>
        %sub3A_178 = arith.subi %get3A_176, %sub3A_177 : vector<16xi32>
        %ge3A_179 = arith.constant 0 : i32
        %ge3A_180 = vector.broadcast %ge3A_179 : i32 to vector<16xi32>
        %ge3A_181 = arith.cmpi sge, %sub3A_178, %ge3A_180 : vector<16xi32>
        %lt3A_182 = arith.constant 5120 : i32
        %lt3A_183 = vector.broadcast %lt3A_182 : i32 to vector<16xi32>
        %lt3A_184 = arith.cmpi slt, %sub3A_178, %lt3A_183 : vector<16xi32>
        %and3A_185 = arith.andi %ge3A_181, %lt3A_184 : vector<16xi1>
        %jit3A_186 = arith.constant 5120 : i32
        %broadcast_in_dim3A_187 = vector.broadcast %jit3A_186 : i32 to vector<16xi32>
        %select_n3A_188 = arith.select %and3A_185, %sub3A_178, %broadcast_in_dim3A_187 : vector<16xi1>, vector<16xi32>
        %swap3A_189 = arith.index_cast %and3A_50 : i32 to index
        %swap3A_190 = arith.constant 64 : index
        %swap3A_191 = tpu.vector_load %arg6[%swap3A_189, %swap3A_190] {strides = array<i32>} : memref<2x128xi32, #tpu.memory_space<vmem>>, vector<1x16xi32>,
        %swap3A_192 = vector.shape_cast %swap3A_191 : vector<1x16xi32> to vector<16xi32>
        %swap3A_193 = vector.shape_cast %select_n3A_188 : vector<16xi32> to vector<1x16xi32>
        tpu.vector_store %arg6[%swap3A_189, %swap3A_190], %swap3A_193 {strides = array<i32>} : memref<2x128xi32, #tpu.memory_space<vmem>>, vector<1x16xi32>,
        %get3A_194 = arith.index_cast %and3A_50 : i32 to index
        %get3A_195 = arith.constant 80 : index
        %get3A_196 = tpu.vector_load %arg6[%get3A_194, %get3A_195] {strides = array<i32>} : memref<2x128xi32, #tpu.memory_space<vmem>>, vector<1x16xi32>,
        %get3A_197 = vector.shape_cast %get3A_196 : vector<1x16xi32> to vector<16xi32>
        %sub3A_198 = vector.broadcast %mul3A_0 : i32 to vector<16xi32>
        %sub3A_199 = arith.subi %get3A_197, %sub3A_198 : vector<16xi32>
        %ge3A_200 = arith.constant 0 : i32
        %ge3A_201 = vector.broadcast %ge3A_200 : i32 to vector<16xi32>
        %ge3A_202 = arith.cmpi sge, %sub3A_199, %ge3A_201 : vector<16xi32>
        %lt3A_203 = arith.constant 5120 : i32
        %lt3A_204 = vector.broadcast %lt3A_203 : i32 to vector<16xi32>
        %lt3A_205 = arith.cmpi slt, %sub3A_199, %lt3A_204 : vector<16xi32>
        %and3A_206 = arith.andi %ge3A_202, %lt3A_205 : vector<16xi1>
        %jit3A_207 = arith.constant 5120 : i32
        %broadcast_in_dim3A_208 = vector.broadcast %jit3A_207 : i32 to vector<16xi32>
        %select_n3A_209 = arith.select %and3A_206, %sub3A_199, %broadcast_in_dim3A_208 : vector<16xi1>, vector<16xi32>
        %swap3A_210 = arith.index_cast %and3A_50 : i32 to index
        %swap3A_211 = arith.constant 80 : index
        %swap3A_212 = tpu.vector_load %arg6[%swap3A_210, %swap3A_211] {strides = array<i32>} : memref<2x128xi32, #tpu.memory_space<vmem>>, vector<1x16xi32>,
        %swap3A_213 = vector.shape_cast %swap3A_212 : vector<1x16xi32> to vector<16xi32>
        %swap3A_214 = vector.shape_cast %select_n3A_209 : vector<16xi32> to vector<1x16xi32>
        tpu.vector_store %arg6[%swap3A_210, %swap3A_211], %swap3A_214 {strides = array<i32>} : memref<2x128xi32, #tpu.memory_space<vmem>>, vector<1x16xi32>,
        %get3A_215 = arith.index_cast %and3A_50 : i32 to index
        %get3A_216 = arith.constant 96 : index
        %get3A_217 = tpu.vector_load %arg6[%get3A_215, %get3A_216] {strides = array<i32>} : memref<2x128xi32, #tpu.memory_space<vmem>>, vector<1x16xi32>,
        %get3A_218 = vector.shape_cast %get3A_217 : vector<1x16xi32> to vector<16xi32>
        %sub3A_219 = vector.broadcast %mul3A_0 : i32 to vector<16xi32>
        %sub3A_220 = arith.subi %get3A_218, %sub3A_219 : vector<16xi32>
        %ge3A_221 = arith.constant 0 : i32
        %ge3A_222 = vector.broadcast %ge3A_221 : i32 to vector<16xi32>
        %ge3A_223 = arith.cmpi sge, %sub3A_220, %ge3A_222 : vector<16xi32>
        %lt3A_224 = arith.constant 5120 : i32
        %lt3A_225 = vector.broadcast %lt3A_224 : i32 to vector<16xi32>
        %lt3A_226 = arith.cmpi slt, %sub3A_220, %lt3A_225 : vector<16xi32>
        %and3A_227 = arith.andi %ge3A_223, %lt3A_226 : vector<16xi1>
        %jit3A_228 = arith.constant 5120 : i32
        %broadcast_in_dim3A_229 = vector.broadcast %jit3A_228 : i32 to vector<16xi32>
        %select_n3A_230 = arith.select %and3A_227, %sub3A_220, %broadcast_in_dim3A_229 : vector<16xi1>, vector<16xi32>
        %swap3A_231 = arith.index_cast %and3A_50 : i32 to index
        %swap3A_232 = arith.constant 96 : index
        %swap3A_233 = tpu.vector_load %arg6[%swap3A_231, %swap3A_232] {strides = array<i32>} : memref<2x128xi32, #tpu.memory_space<vmem>>, vector<1x16xi32>,
        %swap3A_234 = vector.shape_cast %swap3A_233 : vector<1x16xi32> to vector<16xi32>
        %swap3A_235 = vector.shape_cast %select_n3A_230 : vector<16xi32> to vector<1x16xi32>
        tpu.vector_store %arg6[%swap3A_231, %swap3A_232], %swap3A_235 {strides = array<i32>} : memref<2x128xi32, #tpu.memory_space<vmem>>, vector<1x16xi32>,
        %get3A_236 = arith.index_cast %and3A_50 : i32 to index
        %get3A_237 = arith.constant 112 : index
        %get3A_238 = tpu.vector_load %arg6[%get3A_236, %get3A_237] {strides = array<i32>} : memref<2x128xi32, #tpu.memory_space<vmem>>, vector<1x16xi32>,
        %get3A_239 = vector.shape_cast %get3A_238 : vector<1x16xi32> to vector<16xi32>
        %sub3A_240 = vector.broadcast %mul3A_0 : i32 to vector<16xi32>
        %sub3A_241 = arith.subi %get3A_239, %sub3A_240 : vector<16xi32>
        %ge3A_242 = arith.constant 0 : i32
        %ge3A_243 = vector.broadcast %ge3A_242 : i32 to vector<16xi32>
        %ge3A_244 = arith.cmpi sge, %sub3A_241, %ge3A_243 : vector<16xi32>
        %lt3A_245 = arith.constant 5120 : i32
        %lt3A_246 = vector.broadcast %lt3A_245 : i32 to vector<16xi32>
        %lt3A_247 = arith.cmpi slt, %sub3A_241, %lt3A_246 : vector<16xi32>
        %and3A_248 = arith.andi %ge3A_244, %lt3A_247 : vector<16xi1>
        %jit3A_249 = arith.constant 5120 : i32
        %broadcast_in_dim3A_250 = vector.broadcast %jit3A_249 : i32 to vector<16xi32>
        %select_n3A_251 = arith.select %and3A_248, %sub3A_241, %broadcast_in_dim3A_250 : vector<16xi1>, vector<16xi32>
        %swap3A_252 = arith.index_cast %and3A_50 : i32 to index
        %swap3A_253 = arith.constant 112 : index
        %swap3A_254 = tpu.vector_load %arg6[%swap3A_252, %swap3A_253] {strides = array<i32>} : memref<2x128xi32, #tpu.memory_space<vmem>>, vector<1x16xi32>,
        %swap3A_255 = vector.shape_cast %swap3A_254 : vector<1x16xi32> to vector<16xi32>
        %swap3A_256 = vector.shape_cast %select_n3A_251 : vector<16xi32> to vector<1x16xi32>
        tpu.vector_store %arg6[%swap3A_252, %swap3A_253], %swap3A_256 {strides = array<i32>} : memref<2x128xi32, #tpu.memory_space<vmem>>, vector<1x16xi32>,
        "tpu.region"() ({
          %run_scoped3A = tpu.sem_alloc : memref<!tpu.dma_semaphore, #tpu.memory_space<semaphore_mem>>
          %dma_start3A_257 = arith.constant 0 : i32
          %dma_start3A_258 = arith.constant 0 : i32
          %dma_start3A_259 = tpu.memref_slice %arg7[%and3A_50, %dma_start3A_257, %dma_start3A_258] : memref<2x128x128xf32, #tpu.memory_space<vmem>> -> memref<1x128x128xf32, #tpu.memory_space<vmem>>
          %dma_start3A_260 = tpu.memref_squeeze %dma_start3A_259 : memref<1x128x128xf32, #tpu.memory_space<vmem>> -> memref<128x128xf32, #tpu.memory_space<vmem>>
          %dma_start3A_261 = arith.constant 0 : i32
          %dma_start3A_262 = tpu.memref_slice %arg6[%and3A_50, %dma_start3A_261] : memref<2x128xi32, #tpu.memory_space<vmem>> -> memref<1x128xi32, #tpu.memory_space<vmem>>
          %dma_start3A_263 = tpu.memref_squeeze %dma_start3A_262 : memref<1x128xi32, #tpu.memory_space<vmem>> -> memref<128xi32, #tpu.memory_space<vmem>>
          %dma_start3A_264 = arith.constant 0 : i32
          %dma_start3A_265 = arith.constant 0 : i32
          %dma_start3A_266 = tpu.memref_slice %arg9[%dma_start3A_264, %dma_start3A_265] : memref<5128x128xf32, #tpu.memory_space<vmem_shared>> -> memref<5128x128xf32, #tpu.memory_space<vmem_shared>>
          tpu.enqueue_indirect_dma source(%dma_start3A_260 : memref<128x128xf32, #tpu.memory_space<vmem>>) target(%dma_start3A_266 : memref<5128x128xf32, #tpu.memory_space<vmem_shared>>) offsets(%dma_start3A_263 : memref<128xi32, #tpu.memory_space<vmem>>) semaphore(%run_scoped3A : memref<!tpu.dma_semaphore, #tpu.memory_space<semaphore_mem>>) {add = true}
          %dma_wait3A_267 = arith.constant 0 : i32
          %dma_wait3A_268 = arith.constant 0 : i32
          %dma_wait3A_269 = tpu.memref_slice %arg7[%and3A_50, %dma_wait3A_267, %dma_wait3A_268] : memref<2x128x128xf32, #tpu.memory_space<vmem>> -> memref<1x128x128xf32, #tpu.memory_space<vmem>>
          %dma_wait3A_270 = tpu.memref_squeeze %dma_wait3A_269 : memref<1x128x128xf32, #tpu.memory_space<vmem>> -> memref<128x128xf32, #tpu.memory_space<vmem>>
          %dma_wait3A_271 = arith.constant 0 : i32
          %dma_wait3A_272 = tpu.memref_slice %arg6[%and3A_50, %dma_wait3A_271] : memref<2x128xi32, #tpu.memory_space<vmem>> -> memref<1x128xi32, #tpu.memory_space<vmem>>
          %dma_wait3A_273 = tpu.memref_squeeze %dma_wait3A_272 : memref<1x128xi32, #tpu.memory_space<vmem>> -> memref<128xi32, #tpu.memory_space<vmem>>
          %dma_wait3A_274 = arith.constant 0 : i32
          %dma_wait3A_275 = arith.constant 0 : i32
          %dma_wait3A_276 = tpu.memref_slice %arg9[%dma_wait3A_274, %dma_wait3A_275] : memref<5128x128xf32, #tpu.memory_space<vmem_shared>> -> memref<5128x128xf32, #tpu.memory_space<vmem_shared>>
          tpu.wait_indirect_dma semaphore(%run_scoped3A : memref<!tpu.dma_semaphore, #tpu.memory_space<semaphore_mem>>) src(%dma_wait3A_270 : memref<128x128xf32, #tpu.memory_space<vmem>>) dst(%dma_wait3A_276 : memref<5128x128xf32, #tpu.memory_space<vmem_shared>>)
          tpu.yield
        }) : () -> ()
      } else {
      }
      %scan3A_93 = arith.constant 0 : i32
      scf.yield %scan3A_93 : i32
    }
    %scan3A_41 = arith.constant 79 : i32
    %barrier3A_42 = arith.constant 0 : index
    tpu.barrier barrier_id(%barrier3A_42)
    %mul3A_43 = arith.constant 320 : i32
    %mul3A_44 = arith.muli %arg1, %mul3A_43 : i32
    %mul3A_45 = arith.constant 320 : i32
    %mul3A_46 = arith.muli %arg1, %mul3A_45 : i32
    %add3A_47 = arith.addi %mul3A_0, %mul3A_46 : i32
    "tpu.region"() ({
      %run_scoped3A = tpu.sem_alloc : memref<!tpu.dma_semaphore, #tpu.memory_space<semaphore_mem>>
      %dma_start3A_48 = arith.constant 0 : i32
      %dma_start3A_49 = tpu.memref_slice %arg5[%add3A_47, %dma_start3A_48] : memref<10240x128xf32, #tpu.memory_space<hbm>> -> memref<320x128xf32, #tpu.memory_space<hbm>>
      %dma_start3A_50 = arith.constant 0 : i32
      %dma_start3A_51 = tpu.memref_slice %arg9[%mul3A_44, %dma_start3A_50] : memref<5128x128xf32, #tpu.memory_space<vmem_shared>> -> memref<320x128xf32, #tpu.memory_space<vmem_shared>>
      tpu.enqueue_dma source(%dma_start3A_51 : memref<320x128xf32, #tpu.memory_space<vmem_shared>>) target(%dma_start3A_49 : memref<320x128xf32, #tpu.memory_space<hbm>>) target_semaphore(%run_scoped3A : memref<!tpu.dma_semaphore, #tpu.memory_space<semaphore_mem>>)
      %dma_wait3A = arith.constant 0 : i32
      %dma_wait3A_52 = tpu.memref_slice %arg5[%add3A_47, %dma_wait3A] : memref<10240x128xf32, #tpu.memory_space<hbm>> -> memref<320x128xf32, #tpu.memory_space<hbm>>
      %dma_wait3A_53 = arith.constant 0 : i32
      %dma_wait3A_54 = tpu.memref_slice %arg9[%mul3A_44, %dma_wait3A_53] : memref<5128x128xf32, #tpu.memory_space<vmem_shared>> -> memref<320x128xf32, #tpu.memory_space<vmem_shared>>
      tpu.wait_dma2 semaphore(%run_scoped3A : memref<!tpu.dma_semaphore, #tpu.memory_space<semaphore_mem>>) src(%dma_wait3A_54 : memref<320x128xf32, #tpu.memory_space<vmem_shared>>) dst(%dma_wait3A_52 : memref<320x128xf32, #tpu.memory_space<hbm>>)
      tpu.yield
    }) : () -> ()
    return
  }
}

#map = affine_map<(d0, d1) -> (0, 0)>
#map1 = affine_map<(d0, d1) -> (0)>
module attributes {stable_mosaic.version = 14 : i64} {
  func.func @_gather_body(%arg0: i32, %arg1: i32, %arg2: memref<10000x128xf32, #tpu.memory_space<hbm>>, %arg3: memref<80000xi32, #tpu.memory_space<hbm>>, %arg4: memref<80000xi32, #tpu.memory_space<hbm>>, %arg5: memref<80000x128xf32, #tpu.memory_space<hbm>>, %arg6: memref<80000x128xf32, #tpu.memory_space<hbm>>, %arg7: memref<2x128xi32, #tpu.memory_space<vmem>>, %arg8: memref<2x128xi32, #tpu.memory_space<vmem>>, %arg9: memref<2x128x128xf32, #tpu.memory_space<vmem>>, %arg10: memref<2x128x128xf32, #tpu.memory_space<vmem>>, %arg11: memref<2x!tpu.dma_semaphore, #tpu.memory_space<semaphore_mem>>, %arg12: memref<2x!tpu.dma_semaphore, #tpu.memory_space<semaphore_mem>>, %arg13: memref<2x!tpu.dma_semaphore, #tpu.memory_space<semaphore_mem>>) attributes {dimension_semantics = [#tpu.dimension_semantics<core_parallel>, #tpu.dimension_semantics<subcore_parallel>], iteration_bounds = array<i64: 2, 16>, scalar_prefetch = 0 : i64, scratch_operands = 7 : i64, tpu.core_type = #tpu.core_type<sc_vector_subcore>, window_params = [{transform_indices = #map}, {transform_indices = #map1}, {transform_indices = #map1}, {transform_indices = #map}, {transform_indices = #map}]} {
    %mul3A = arith.constant 2 : i32
    %mul3A_0 = arith.muli %arg1, %mul3A : i32
    %add3A = arith.addi %mul3A_0, %arg0 : i32
    %min3A = arith.constant 0 : i32
    %min3A_1 = arith.constant 19 : i32
    %min3A_2 = arith.minsi %min3A, %min3A_1 : i32
    %mul3A_3 = arith.constant 32 : i32
    %mul3A_4 = arith.muli %min3A_2, %mul3A_3 : i32
    %add3A_5 = arith.addi %add3A, %mul3A_4 : i32
    %min3A_6 = arith.constant 624 : i32
    %min3A_7 = arith.minsi %add3A_5, %min3A_6 : i32
    %mul3A_8 = arith.constant 128 : i32
    %mul3A_9 = arith.muli %min3A_7, %mul3A_8 : i32
    %dma_start3A = arith.constant 0 : i32
    %dma_start3A_10 = arith.constant 0 : i32
    %dma_start3A_11 = arith.constant 0 : i32
    %dma_start3A_12 = tpu.memref_slice %arg7[%dma_start3A, %dma_start3A_11] : memref<2x128xi32, #tpu.memory_space<vmem>> -> memref<1x128xi32, #tpu.memory_space<vmem>>
    %dma_start3A_13 = tpu.memref_squeeze %dma_start3A_12 : memref<1x128xi32, #tpu.memory_space<vmem>> -> memref<128xi32, #tpu.memory_space<vmem>>
    %dma_start3A_14 = tpu.memref_slice %arg3[%mul3A_9] : memref<80000xi32, #tpu.memory_space<hbm>> -> memref<128xi32, #tpu.memory_space<hbm>>
    %dma_start3A_15 = tpu.memref_slice %arg11[%dma_start3A_10] : memref<2x!tpu.dma_semaphore, #tpu.memory_space<semaphore_mem>> -> memref<1x!tpu.dma_semaphore, #tpu.memory_space<semaphore_mem>>
    %dma_start3A_16 = tpu.memref_squeeze %dma_start3A_15 : memref<1x!tpu.dma_semaphore, #tpu.memory_space<semaphore_mem>> -> memref<!tpu.dma_semaphore, #tpu.memory_space<semaphore_mem>>
    %dma_start3A_17 = arith.constant 0 : i32
    %dma_start3A_18 = tpu.memref_slice %arg7[%dma_start3A, %dma_start3A_17] : memref<2x128xi32, #tpu.memory_space<vmem>> -> memref<1x128xi32, #tpu.memory_space<vmem>>
    %dma_start3A_19 = tpu.memref_squeeze %dma_start3A_18 : memref<1x128xi32, #tpu.memory_space<vmem>> -> memref<128xi32, #tpu.memory_space<vmem>>
    %dma_start3A_20 = tpu.memref_slice %arg3[%mul3A_9] : memref<80000xi32, #tpu.memory_space<hbm>> -> memref<128xi32, #tpu.memory_space<hbm>>
    tpu.enqueue_dma source(%dma_start3A_20 : memref<128xi32, #tpu.memory_space<hbm>>) target(%dma_start3A_19 : memref<128xi32, #tpu.memory_space<vmem>>) target_semaphore(%dma_start3A_16 : memref<!tpu.dma_semaphore, #tpu.memory_space<semaphore_mem>>)
    %dma_start3A_21 = arith.constant 0 : i32
    %dma_start3A_22 = arith.constant 0 : i32
    %dma_start3A_23 = arith.constant 0 : i32
    %dma_start3A_24 = tpu.memref_slice %arg8[%dma_start3A_21, %dma_start3A_23] : memref<2x128xi32, #tpu.memory_space<vmem>> -> memref<1x128xi32, #tpu.memory_space<vmem>>
    %dma_start3A_25 = tpu.memref_squeeze %dma_start3A_24 : memref<1x128xi32, #tpu.memory_space<vmem>> -> memref<128xi32, #tpu.memory_space<vmem>>
    %dma_start3A_26 = tpu.memref_slice %arg4[%mul3A_9] : memref<80000xi32, #tpu.memory_space<hbm>> -> memref<128xi32, #tpu.memory_space<hbm>>
    %dma_start3A_27 = tpu.memref_slice %arg11[%dma_start3A_22] : memref<2x!tpu.dma_semaphore, #tpu.memory_space<semaphore_mem>> -> memref<1x!tpu.dma_semaphore, #tpu.memory_space<semaphore_mem>>
    %dma_start3A_28 = tpu.memref_squeeze %dma_start3A_27 : memref<1x!tpu.dma_semaphore, #tpu.memory_space<semaphore_mem>> -> memref<!tpu.dma_semaphore, #tpu.memory_space<semaphore_mem>>
    %dma_start3A_29 = arith.constant 0 : i32
    %dma_start3A_30 = tpu.memref_slice %arg8[%dma_start3A_21, %dma_start3A_29] : memref<2x128xi32, #tpu.memory_space<vmem>> -> memref<1x128xi32, #tpu.memory_space<vmem>>
    %dma_start3A_31 = tpu.memref_squeeze %dma_start3A_30 : memref<1x128xi32, #tpu.memory_space<vmem>> -> memref<128xi32, #tpu.memory_space<vmem>>
    %dma_start3A_32 = tpu.memref_slice %arg4[%mul3A_9] : memref<80000xi32, #tpu.memory_space<hbm>> -> memref<128xi32, #tpu.memory_space<hbm>>
    tpu.enqueue_dma source(%dma_start3A_32 : memref<128xi32, #tpu.memory_space<hbm>>) target(%dma_start3A_31 : memref<128xi32, #tpu.memory_space<vmem>>) target_semaphore(%dma_start3A_28 : memref<!tpu.dma_semaphore, #tpu.memory_space<semaphore_mem>>)
    %scan3A = arith.constant 0 : i32
    %scan3A_33 = arith.constant 0 : i32
    %scan3A_34 = arith.constant 20 : i32
    %scan3A_35 = arith.addi %scan3A_33, %scan3A_34 : i32
    %scan3A_36 = arith.constant 1 : i32
    %scan3A_37 = scf.for %scan3A_78 = %scan3A_33 to %scan3A_35 step %scan3A_36 iter_args(%scan3A_79 = %scan3A) -> (i32)  : i32 {
      %and3A = arith.constant 1 : i32
      %and3A_80 = arith.andi %scan3A_78, %and3A : i32
      %mul3A_81 = arith.constant 32 : i32
      %mul3A_82 = arith.muli %scan3A_78, %mul3A_81 : i32
      %add3A_83 = arith.addi %add3A, %mul3A_82 : i32
      %ge3A = arith.constant 2 : i32
      %ge3A_84 = arith.cmpi sge, %scan3A_78, %ge3A : i32
      %convert_element_type3A_85 = arith.extui %ge3A_84 : i1 to i32
      %cond3A_86 = arith.constant 0 : i32
      %cond3A_87 = arith.cmpi ne, %convert_element_type3A_85, %cond3A_86 : i32
      scf.if %cond3A_87 {
        %dma_wait3A_173 = arith.constant 0 : i32
        %dma_wait3A_174 = arith.constant 0 : i32
        %dma_wait3A_175 = tpu.memref_slice %arg9[%and3A_80, %dma_wait3A_173, %dma_wait3A_174] : memref<2x128x128xf32, #tpu.memory_space<vmem>> -> memref<1x128x128xf32, #tpu.memory_space<vmem>>
        %dma_wait3A_176 = tpu.memref_squeeze %dma_wait3A_175 : memref<1x128x128xf32, #tpu.memory_space<vmem>> -> memref<128x128xf32, #tpu.memory_space<vmem>>
        %dma_wait3A_177 = arith.constant 0 : i32
        %dma_wait3A_178 = arith.constant 0 : i32
        %dma_wait3A_179 = tpu.memref_slice %arg5[%dma_wait3A_177, %dma_wait3A_178] : memref<80000x128xf32, #tpu.memory_space<hbm>> -> memref<128x128xf32, #tpu.memory_space<hbm>>
        %dma_wait3A_180 = tpu.memref_slice %arg13[%and3A_80] : memref<2x!tpu.dma_semaphore, #tpu.memory_space<semaphore_mem>> -> memref<1x!tpu.dma_semaphore, #tpu.memory_space<semaphore_mem>>
        %dma_wait3A_181 = tpu.memref_squeeze %dma_wait3A_180 : memref<1x!tpu.dma_semaphore, #tpu.memory_space<semaphore_mem>> -> memref<!tpu.dma_semaphore, #tpu.memory_space<semaphore_mem>>
        %dma_wait3A_182 = arith.constant 0 : i32
        %dma_wait3A_183 = arith.constant 0 : i32
        %dma_wait3A_184 = tpu.memref_slice %arg5[%dma_wait3A_182, %dma_wait3A_183] : memref<80000x128xf32, #tpu.memory_space<hbm>> -> memref<128x128xf32, #tpu.memory_space<hbm>>
        %dma_wait3A_185 = arith.constant 0 : i32
        %dma_wait3A_186 = arith.constant 0 : i32
        %dma_wait3A_187 = tpu.memref_slice %arg9[%and3A_80, %dma_wait3A_185, %dma_wait3A_186] : memref<2x128x128xf32, #tpu.memory_space<vmem>> -> memref<1x128x128xf32, #tpu.memory_space<vmem>>
        %dma_wait3A_188 = tpu.memref_squeeze %dma_wait3A_187 : memref<1x128x128xf32, #tpu.memory_space<vmem>> -> memref<128x128xf32, #tpu.memory_space<vmem>>
        tpu.wait_dma2 semaphore(%dma_wait3A_181 : memref<!tpu.dma_semaphore, #tpu.memory_space<semaphore_mem>>) src(%dma_wait3A_188 : memref<128x128xf32, #tpu.memory_space<vmem>>) dst(%dma_wait3A_184 : memref<128x128xf32, #tpu.memory_space<hbm>>)
        %dma_wait3A_189 = arith.constant 0 : i32
        %dma_wait3A_190 = arith.constant 0 : i32
        %dma_wait3A_191 = tpu.memref_slice %arg10[%and3A_80, %dma_wait3A_189, %dma_wait3A_190] : memref<2x128x128xf32, #tpu.memory_space<vmem>> -> memref<1x128x128xf32, #tpu.memory_space<vmem>>
        %dma_wait3A_192 = tpu.memref_squeeze %dma_wait3A_191 : memref<1x128x128xf32, #tpu.memory_space<vmem>> -> memref<128x128xf32, #tpu.memory_space<vmem>>
        %dma_wait3A_193 = arith.constant 0 : i32
        %dma_wait3A_194 = arith.constant 0 : i32
        %dma_wait3A_195 = tpu.memref_slice %arg6[%dma_wait3A_193, %dma_wait3A_194] : memref<80000x128xf32, #tpu.memory_space<hbm>> -> memref<128x128xf32, #tpu.memory_space<hbm>>
        %dma_wait3A_196 = tpu.memref_slice %arg13[%and3A_80] : memref<2x!tpu.dma_semaphore, #tpu.memory_space<semaphore_mem>> -> memref<1x!tpu.dma_semaphore, #tpu.memory_space<semaphore_mem>>
        %dma_wait3A_197 = tpu.memref_squeeze %dma_wait3A_196 : memref<1x!tpu.dma_semaphore, #tpu.memory_space<semaphore_mem>> -> memref<!tpu.dma_semaphore, #tpu.memory_space<semaphore_mem>>
        %dma_wait3A_198 = arith.constant 0 : i32
        %dma_wait3A_199 = arith.constant 0 : i32
        %dma_wait3A_200 = tpu.memref_slice %arg6[%dma_wait3A_198, %dma_wait3A_199] : memref<80000x128xf32, #tpu.memory_space<hbm>> -> memref<128x128xf32, #tpu.memory_space<hbm>>
        %dma_wait3A_201 = arith.constant 0 : i32
        %dma_wait3A_202 = arith.constant 0 : i32
        %dma_wait3A_203 = tpu.memref_slice %arg10[%and3A_80, %dma_wait3A_201, %dma_wait3A_202] : memref<2x128x128xf32, #tpu.memory_space<vmem>> -> memref<1x128x128xf32, #tpu.memory_space<vmem>>
        %dma_wait3A_204 = tpu.memref_squeeze %dma_wait3A_203 : memref<1x128x128xf32, #tpu.memory_space<vmem>> -> memref<128x128xf32, #tpu.memory_space<vmem>>
        tpu.wait_dma2 semaphore(%dma_wait3A_197 : memref<!tpu.dma_semaphore, #tpu.memory_space<semaphore_mem>>) src(%dma_wait3A_204 : memref<128x128xf32, #tpu.memory_space<vmem>>) dst(%dma_wait3A_200 : memref<128x128xf32, #tpu.memory_space<hbm>>)
      } else {
      }
      %dma_wait3A_88 = arith.constant 0 : i32
      %dma_wait3A_89 = tpu.memref_slice %arg7[%and3A_80, %dma_wait3A_88] : memref<2x128xi32, #tpu.memory_space<vmem>> -> memref<1x128xi32, #tpu.memory_space<vmem>>
      %dma_wait3A_90 = tpu.memref_squeeze %dma_wait3A_89 : memref<1x128xi32, #tpu.memory_space<vmem>> -> memref<128xi32, #tpu.memory_space<vmem>>
      %dma_wait3A_91 = arith.constant 0 : i32
      %dma_wait3A_92 = tpu.memref_slice %arg3[%dma_wait3A_91] : memref<80000xi32, #tpu.memory_space<hbm>> -> memref<128xi32, #tpu.memory_space<hbm>>
      %dma_wait3A_93 = tpu.memref_slice %arg11[%and3A_80] : memref<2x!tpu.dma_semaphore, #tpu.memory_space<semaphore_mem>> -> memref<1x!tpu.dma_semaphore, #tpu.memory_space<semaphore_mem>>
      %dma_wait3A_94 = tpu.memref_squeeze %dma_wait3A_93 : memref<1x!tpu.dma_semaphore, #tpu.memory_space<semaphore_mem>> -> memref<!tpu.dma_semaphore, #tpu.memory_space<semaphore_mem>>
      %dma_wait3A_95 = arith.constant 0 : i32
      %dma_wait3A_96 = tpu.memref_slice %arg7[%and3A_80, %dma_wait3A_95] : memref<2x128xi32, #tpu.memory_space<vmem>> -> memref<1x128xi32, #tpu.memory_space<vmem>>
      %dma_wait3A_97 = tpu.memref_squeeze %dma_wait3A_96 : memref<1x128xi32, #tpu.memory_space<vmem>> -> memref<128xi32, #tpu.memory_space<vmem>>
      %dma_wait3A_98 = arith.constant 0 : i32
      %dma_wait3A_99 = tpu.memref_slice %arg3[%dma_wait3A_98] : memref<80000xi32, #tpu.memory_space<hbm>> -> memref<128xi32, #tpu.memory_space<hbm>>
      tpu.wait_dma2 semaphore(%dma_wait3A_94 : memref<!tpu.dma_semaphore, #tpu.memory_space<semaphore_mem>>) src(%dma_wait3A_99 : memref<128xi32, #tpu.memory_space<hbm>>) dst(%dma_wait3A_97 : memref<128xi32, #tpu.memory_space<vmem>>)
      %dma_wait3A_100 = arith.constant 0 : i32
      %dma_wait3A_101 = tpu.memref_slice %arg8[%and3A_80, %dma_wait3A_100] : memref<2x128xi32, #tpu.memory_space<vmem>> -> memref<1x128xi32, #tpu.memory_space<vmem>>
      %dma_wait3A_102 = tpu.memref_squeeze %dma_wait3A_101 : memref<1x128xi32, #tpu.memory_space<vmem>> -> memref<128xi32, #tpu.memory_space<vmem>>
      %dma_wait3A_103 = arith.constant 0 : i32
      %dma_wait3A_104 = tpu.memref_slice %arg4[%dma_wait3A_103] : memref<80000xi32, #tpu.memory_space<hbm>> -> memref<128xi32, #tpu.memory_space<hbm>>
      %dma_wait3A_105 = tpu.memref_slice %arg11[%and3A_80] : memref<2x!tpu.dma_semaphore, #tpu.memory_space<semaphore_mem>> -> memref<1x!tpu.dma_semaphore, #tpu.memory_space<semaphore_mem>>
      %dma_wait3A_106 = tpu.memref_squeeze %dma_wait3A_105 : memref<1x!tpu.dma_semaphore, #tpu.memory_space<semaphore_mem>> -> memref<!tpu.dma_semaphore, #tpu.memory_space<semaphore_mem>>
      %dma_wait3A_107 = arith.constant 0 : i32
      %dma_wait3A_108 = tpu.memref_slice %arg8[%and3A_80, %dma_wait3A_107] : memref<2x128xi32, #tpu.memory_space<vmem>> -> memref<1x128xi32, #tpu.memory_space<vmem>>
      %dma_wait3A_109 = tpu.memref_squeeze %dma_wait3A_108 : memref<1x128xi32, #tpu.memory_space<vmem>> -> memref<128xi32, #tpu.memory_space<vmem>>
      %dma_wait3A_110 = arith.constant 0 : i32
      %dma_wait3A_111 = tpu.memref_slice %arg4[%dma_wait3A_110] : memref<80000xi32, #tpu.memory_space<hbm>> -> memref<128xi32, #tpu.memory_space<hbm>>
      tpu.wait_dma2 semaphore(%dma_wait3A_106 : memref<!tpu.dma_semaphore, #tpu.memory_space<semaphore_mem>>) src(%dma_wait3A_111 : memref<128xi32, #tpu.memory_space<hbm>>) dst(%dma_wait3A_109 : memref<128xi32, #tpu.memory_space<vmem>>)
      %dma_start3A_112 = arith.constant 0 : i32
      %dma_start3A_113 = arith.constant 0 : i32
      %dma_start3A_114 = tpu.memref_slice %arg9[%and3A_80, %dma_start3A_112, %dma_start3A_113] : memref<2x128x128xf32, #tpu.memory_space<vmem>> -> memref<1x128x128xf32, #tpu.memory_space<vmem>>
      %dma_start3A_115 = tpu.memref_squeeze %dma_start3A_114 : memref<1x128x128xf32, #tpu.memory_space<vmem>> -> memref<128x128xf32, #tpu.memory_space<vmem>>
      %dma_start3A_116 = arith.constant 0 : i32
      %dma_start3A_117 = tpu.memref_slice %arg7[%and3A_80, %dma_start3A_116] : memref<2x128xi32, #tpu.memory_space<vmem>> -> memref<1x128xi32, #tpu.memory_space<vmem>>
      %dma_start3A_118 = tpu.memref_squeeze %dma_start3A_117 : memref<1x128xi32, #tpu.memory_space<vmem>> -> memref<128xi32, #tpu.memory_space<vmem>>
      %dma_start3A_119 = arith.constant 0 : i32
      %dma_start3A_120 = arith.constant 0 : i32
      %dma_start3A_121 = tpu.memref_slice %arg2[%dma_start3A_119, %dma_start3A_120] : memref<10000x128xf32, #tpu.memory_space<hbm>> -> memref<10000x128xf32, #tpu.memory_space<hbm>>
      %dma_start3A_122 = tpu.memref_slice %arg12[%and3A_80] : memref<2x!tpu.dma_semaphore, #tpu.memory_space<semaphore_mem>> -> memref<1x!tpu.dma_semaphore, #tpu.memory_space<semaphore_mem>>
      %dma_start3A_123 = tpu.memref_squeeze %dma_start3A_122 : memref<1x!tpu.dma_semaphore, #tpu.memory_space<semaphore_mem>> -> memref<!tpu.dma_semaphore, #tpu.memory_space<semaphore_mem>>
      tpu.enqueue_indirect_dma source(%dma_start3A_121 : memref<10000x128xf32, #tpu.memory_space<hbm>>) target(%dma_start3A_115 : memref<128x128xf32, #tpu.memory_space<vmem>>) offsets(%dma_start3A_118 : memref<128xi32, #tpu.memory_space<vmem>>) semaphore(%dma_start3A_123 : memref<!tpu.dma_semaphore, #tpu.memory_space<semaphore_mem>>)
      %dma_start3A_124 = arith.constant 0 : i32
      %dma_start3A_125 = arith.constant 0 : i32
      %dma_start3A_126 = tpu.memref_slice %arg10[%and3A_80, %dma_start3A_124, %dma_start3A_125] : memref<2x128x128xf32, #tpu.memory_space<vmem>> -> memref<1x128x128xf32, #tpu.memory_space<vmem>>
      %dma_start3A_127 = tpu.memref_squeeze %dma_start3A_126 : memref<1x128x128xf32, #tpu.memory_space<vmem>> -> memref<128x128xf32, #tpu.memory_space<vmem>>
      %dma_start3A_128 = arith.constant 0 : i32
      %dma_start3A_129 = tpu.memref_slice %arg8[%and3A_80, %dma_start3A_128] : memref<2x128xi32, #tpu.memory_space<vmem>> -> memref<1x128xi32, #tpu.memory_space<vmem>>
      %dma_start3A_130 = tpu.memref_squeeze %dma_start3A_129 : memref<1x128xi32, #tpu.memory_space<vmem>> -> memref<128xi32, #tpu.memory_space<vmem>>
      %dma_start3A_131 = arith.constant 0 : i32
      %dma_start3A_132 = arith.constant 0 : i32
      %dma_start3A_133 = tpu.memref_slice %arg2[%dma_start3A_131, %dma_start3A_132] : memref<10000x128xf32, #tpu.memory_space<hbm>> -> memref<10000x128xf32, #tpu.memory_space<hbm>>
      %dma_start3A_134 = tpu.memref_slice %arg12[%and3A_80] : memref<2x!tpu.dma_semaphore, #tpu.memory_space<semaphore_mem>> -> memref<1x!tpu.dma_semaphore, #tpu.memory_space<semaphore_mem>>
      %dma_start3A_135 = tpu.memref_squeeze %dma_start3A_134 : memref<1x!tpu.dma_semaphore, #tpu.memory_space<semaphore_mem>> -> memref<!tpu.dma_semaphore, #tpu.memory_space<semaphore_mem>>
      tpu.enqueue_indirect_dma source(%dma_start3A_133 : memref<10000x128xf32, #tpu.memory_space<hbm>>) target(%dma_start3A_127 : memref<128x128xf32, #tpu.memory_space<vmem>>) offsets(%dma_start3A_130 : memref<128xi32, #tpu.memory_space<vmem>>) semaphore(%dma_start3A_135 : memref<!tpu.dma_semaphore, #tpu.memory_space<semaphore_mem>>)
      %add3A_136 = arith.constant 1 : i32
      %add3A_137 = arith.addi %scan3A_78, %add3A_136 : i32
      %lt3A_138 = arith.constant 20 : i32
      %lt3A_139 = arith.cmpi slt, %add3A_137, %lt3A_138 : i32
      %convert_element_type3A_140 = arith.extui %lt3A_139 : i1 to i32
      %cond3A_141 = arith.constant 0 : i32
      %cond3A_142 = arith.cmpi ne, %convert_element_type3A_140, %cond3A_141 : i32
      scf.if %cond3A_142 {
        %add3A_173 = arith.constant 1 : i32
        %add3A_174 = arith.addi %scan3A_78, %add3A_173 : i32
        %sub3A = arith.constant 1 : i32
        %sub3A_175 = arith.subi %sub3A, %and3A_80 : i32
        %min3A_176 = arith.constant 19 : i32
        %min3A_177 = arith.minsi %add3A_174, %min3A_176 : i32
        %mul3A_178 = arith.constant 32 : i32
        %mul3A_179 = arith.muli %min3A_177, %mul3A_178 : i32
        %add3A_180 = arith.addi %add3A, %mul3A_179 : i32
        %min3A_181 = arith.constant 624 : i32
        %min3A_182 = arith.minsi %add3A_180, %min3A_181 : i32
        %mul3A_183 = arith.constant 128 : i32
        %mul3A_184 = arith.muli %min3A_182, %mul3A_183 : i32
        %dma_start3A_185 = arith.constant 0 : i32
        %dma_start3A_186 = tpu.memref_slice %arg7[%sub3A_175, %dma_start3A_185] : memref<2x128xi32, #tpu.memory_space<vmem>> -> memref<1x128xi32, #tpu.memory_space<vmem>>
        %dma_start3A_187 = tpu.memref_squeeze %dma_start3A_186 : memref<1x128xi32, #tpu.memory_space<vmem>> -> memref<128xi32, #tpu.memory_space<vmem>>
        %dma_start3A_188 = tpu.memref_slice %arg3[%mul3A_184] : memref<80000xi32, #tpu.memory_space<hbm>> -> memref<128xi32, #tpu.memory_space<hbm>>
        %dma_start3A_189 = tpu.memref_slice %arg11[%sub3A_175] : memref<2x!tpu.dma_semaphore, #tpu.memory_space<semaphore_mem>> -> memref<1x!tpu.dma_semaphore, #tpu.memory_space<semaphore_mem>>
        %dma_start3A_190 = tpu.memref_squeeze %dma_start3A_189 : memref<1x!tpu.dma_semaphore, #tpu.memory_space<semaphore_mem>> -> memref<!tpu.dma_semaphore, #tpu.memory_space<semaphore_mem>>
        %dma_start3A_191 = arith.constant 0 : i32
        %dma_start3A_192 = tpu.memref_slice %arg7[%sub3A_175, %dma_start3A_191] : memref<2x128xi32, #tpu.memory_space<vmem>> -> memref<1x128xi32, #tpu.memory_space<vmem>>
        %dma_start3A_193 = tpu.memref_squeeze %dma_start3A_192 : memref<1x128xi32, #tpu.memory_space<vmem>> -> memref<128xi32, #tpu.memory_space<vmem>>
        %dma_start3A_194 = tpu.memref_slice %arg3[%mul3A_184] : memref<80000xi32, #tpu.memory_space<hbm>> -> memref<128xi32, #tpu.memory_space<hbm>>
        tpu.enqueue_dma source(%dma_start3A_194 : memref<128xi32, #tpu.memory_space<hbm>>) target(%dma_start3A_193 : memref<128xi32, #tpu.memory_space<vmem>>) target_semaphore(%dma_start3A_190 : memref<!tpu.dma_semaphore, #tpu.memory_space<semaphore_mem>>)
        %dma_start3A_195 = arith.constant 0 : i32
        %dma_start3A_196 = tpu.memref_slice %arg8[%sub3A_175, %dma_start3A_195] : memref<2x128xi32, #tpu.memory_space<vmem>> -> memref<1x128xi32, #tpu.memory_space<vmem>>
        %dma_start3A_197 = tpu.memref_squeeze %dma_start3A_196 : memref<1x128xi32, #tpu.memory_space<vmem>> -> memref<128xi32, #tpu.memory_space<vmem>>
        %dma_start3A_198 = tpu.memref_slice %arg4[%mul3A_184] : memref<80000xi32, #tpu.memory_space<hbm>> -> memref<128xi32, #tpu.memory_space<hbm>>
        %dma_start3A_199 = tpu.memref_slice %arg11[%sub3A_175] : memref<2x!tpu.dma_semaphore, #tpu.memory_space<semaphore_mem>> -> memref<1x!tpu.dma_semaphore, #tpu.memory_space<semaphore_mem>>
        %dma_start3A_200 = tpu.memref_squeeze %dma_start3A_199 : memref<1x!tpu.dma_semaphore, #tpu.memory_space<semaphore_mem>> -> memref<!tpu.dma_semaphore, #tpu.memory_space<semaphore_mem>>
        %dma_start3A_201 = arith.constant 0 : i32
        %dma_start3A_202 = tpu.memref_slice %arg8[%sub3A_175, %dma_start3A_201] : memref<2x128xi32, #tpu.memory_space<vmem>> -> memref<1x128xi32, #tpu.memory_space<vmem>>
        %dma_start3A_203 = tpu.memref_squeeze %dma_start3A_202 : memref<1x128xi32, #tpu.memory_space<vmem>> -> memref<128xi32, #tpu.memory_space<vmem>>
        %dma_start3A_204 = tpu.memref_slice %arg4[%mul3A_184] : memref<80000xi32, #tpu.memory_space<hbm>> -> memref<128xi32, #tpu.memory_space<hbm>>
        tpu.enqueue_dma source(%dma_start3A_204 : memref<128xi32, #tpu.memory_space<hbm>>) target(%dma_start3A_203 : memref<128xi32, #tpu.memory_space<vmem>>) target_semaphore(%dma_start3A_200 : memref<!tpu.dma_semaphore, #tpu.memory_space<semaphore_mem>>)
      } else {
      }
      %dma_wait3A_143 = arith.constant 0 : i32
      %dma_wait3A_144 = arith.constant 0 : i32
      %dma_wait3A_145 = tpu.memref_slice %arg9[%and3A_80, %dma_wait3A_143, %dma_wait3A_144] : memref<2x128x128xf32, #tpu.memory_space<vmem>> -> memref<1x128x128xf32, #tpu.memory_space<vmem>>
      %dma_wait3A_146 = tpu.memref_squeeze %dma_wait3A_145 : memref<1x128x128xf32, #tpu.memory_space<vmem>> -> memref<128x128xf32, #tpu.memory_space<vmem>>
      %dma_wait3A_147 = arith.constant 0 : i32
      %dma_wait3A_148 = tpu.memref_slice %arg7[%and3A_80, %dma_wait3A_147] : memref<2x128xi32, #tpu.memory_space<vmem>> -> memref<1x128xi32, #tpu.memory_space<vmem>>
      %dma_wait3A_149 = tpu.memref_squeeze %dma_wait3A_148 : memref<1x128xi32, #tpu.memory_space<vmem>> -> memref<128xi32, #tpu.memory_space<vmem>>
      %dma_wait3A_150 = arith.constant 0 : i32
      %dma_wait3A_151 = arith.constant 0 : i32
      %dma_wait3A_152 = tpu.memref_slice %arg2[%dma_wait3A_150, %dma_wait3A_151] : memref<10000x128xf32, #tpu.memory_space<hbm>> -> memref<10000x128xf32, #tpu.memory_space<hbm>>
      %dma_wait3A_153 = tpu.memref_slice %arg12[%and3A_80] : memref<2x!tpu.dma_semaphore, #tpu.memory_space<semaphore_mem>> -> memref<1x!tpu.dma_semaphore, #tpu.memory_space<semaphore_mem>>
      %dma_wait3A_154 = tpu.memref_squeeze %dma_wait3A_153 : memref<1x!tpu.dma_semaphore, #tpu.memory_space<semaphore_mem>> -> memref<!tpu.dma_semaphore, #tpu.memory_space<semaphore_mem>>
      tpu.wait_indirect_dma semaphore(%dma_wait3A_154 : memref<!tpu.dma_semaphore, #tpu.memory_space<semaphore_mem>>) src(%dma_wait3A_152 : memref<10000x128xf32, #tpu.memory_space<hbm>>) dst(%dma_wait3A_146 : memref<128x128xf32, #tpu.memory_space<vmem>>)
      %dma_wait3A_155 = arith.constant 0 : i32
      %dma_wait3A_156 = arith.constant 0 : i32
      %dma_wait3A_157 = tpu.memref_slice %arg10[%and3A_80, %dma_wait3A_155, %dma_wait3A_156] : memref<2x128x128xf32, #tpu.memory_space<vmem>> -> memref<1x128x128xf32, #tpu.memory_space<vmem>>
      %dma_wait3A_158 = tpu.memref_squeeze %dma_wait3A_157 : memref<1x128x128xf32, #tpu.memory_space<vmem>> -> memref<128x128xf32, #tpu.memory_space<vmem>>
      %dma_wait3A_159 = arith.constant 0 : i32
      %dma_wait3A_160 = tpu.memref_slice %arg8[%and3A_80, %dma_wait3A_159] : memref<2x128xi32, #tpu.memory_space<vmem>> -> memref<1x128xi32, #tpu.memory_space<vmem>>
      %dma_wait3A_161 = tpu.memref_squeeze %dma_wait3A_160 : memref<1x128xi32, #tpu.memory_space<vmem>> -> memref<128xi32, #tpu.memory_space<vmem>>
      %dma_wait3A_162 = arith.constant 0 : i32
      %dma_wait3A_163 = arith.constant 0 : i32
      %dma_wait3A_164 = tpu.memref_slice %arg2[%dma_wait3A_162, %dma_wait3A_163] : memref<10000x128xf32, #tpu.memory_space<hbm>> -> memref<10000x128xf32, #tpu.memory_space<hbm>>
      %dma_wait3A_165 = tpu.memref_slice %arg12[%and3A_80] : memref<2x!tpu.dma_semaphore, #tpu.memory_space<semaphore_mem>> -> memref<1x!tpu.dma_semaphore, #tpu.memory_space<semaphore_mem>>
      %dma_wait3A_166 = tpu.memref_squeeze %dma_wait3A_165 : memref<1x!tpu.dma_semaphore, #tpu.memory_space<semaphore_mem>> -> memref<!tpu.dma_semaphore, #tpu.memory_space<semaphore_mem>>
      tpu.wait_indirect_dma semaphore(%dma_wait3A_166 : memref<!tpu.dma_semaphore, #tpu.memory_space<semaphore_mem>>) src(%dma_wait3A_164 : memref<10000x128xf32, #tpu.memory_space<hbm>>) dst(%dma_wait3A_158 : memref<128x128xf32, #tpu.memory_space<vmem>>)
      %lt3A_167 = arith.constant 625 : i32
      %lt3A_168 = arith.cmpi slt, %add3A_83, %lt3A_167 : i32
      %convert_element_type3A_169 = arith.extui %lt3A_168 : i1 to i32
      %cond3A_170 = arith.constant 0 : i32
      %cond3A_171 = arith.cmpi ne, %convert_element_type3A_169, %cond3A_170 : i32
      scf.if %cond3A_171 {
        %mul3A_173 = arith.constant 128 : i32
        %mul3A_174 = arith.muli %add3A_83, %mul3A_173 : i32
        %dma_start3A_175 = arith.constant 0 : i32
        %dma_start3A_176 = arith.constant 0 : i32
        %dma_start3A_177 = tpu.memref_slice %arg9[%and3A_80, %dma_start3A_175, %dma_start3A_176] : memref<2x128x128xf32, #tpu.memory_space<vmem>> -> memref<1x128x128xf32, #tpu.memory_space<vmem>>
        %dma_start3A_178 = tpu.memref_squeeze %dma_start3A_177 : memref<1x128x128xf32, #tpu.memory_space<vmem>> -> memref<128x128xf32, #tpu.memory_space<vmem>>
        %dma_start3A_179 = arith.constant 0 : i32
        %dma_start3A_180 = tpu.memref_slice %arg5[%mul3A_174, %dma_start3A_179] : memref<80000x128xf32, #tpu.memory_space<hbm>> -> memref<128x128xf32, #tpu.memory_space<hbm>>
        %dma_start3A_181 = tpu.memref_slice %arg13[%and3A_80] : memref<2x!tpu.dma_semaphore, #tpu.memory_space<semaphore_mem>> -> memref<1x!tpu.dma_semaphore, #tpu.memory_space<semaphore_mem>>
        %dma_start3A_182 = tpu.memref_squeeze %dma_start3A_181 : memref<1x!tpu.dma_semaphore, #tpu.memory_space<semaphore_mem>> -> memref<!tpu.dma_semaphore, #tpu.memory_space<semaphore_mem>>
        %dma_start3A_183 = arith.constant 0 : i32
        %dma_start3A_184 = tpu.memref_slice %arg5[%mul3A_174, %dma_start3A_183] : memref<80000x128xf32, #tpu.memory_space<hbm>> -> memref<128x128xf32, #tpu.memory_space<hbm>>
        %dma_start3A_185 = arith.constant 0 : i32
        %dma_start3A_186 = arith.constant 0 : i32
        %dma_start3A_187 = tpu.memref_slice %arg9[%and3A_80, %dma_start3A_185, %dma_start3A_186] : memref<2x128x128xf32, #tpu.memory_space<vmem>> -> memref<1x128x128xf32, #tpu.memory_space<vmem>>
        %dma_start3A_188 = tpu.memref_squeeze %dma_start3A_187 : memref<1x128x128xf32, #tpu.memory_space<vmem>> -> memref<128x128xf32, #tpu.memory_space<vmem>>
        tpu.enqueue_dma source(%dma_start3A_188 : memref<128x128xf32, #tpu.memory_space<vmem>>) target(%dma_start3A_184 : memref<128x128xf32, #tpu.memory_space<hbm>>) target_semaphore(%dma_start3A_182 : memref<!tpu.dma_semaphore, #tpu.memory_space<semaphore_mem>>)
        %dma_start3A_189 = arith.constant 0 : i32
        %dma_start3A_190 = arith.constant 0 : i32
        %dma_start3A_191 = tpu.memref_slice %arg10[%and3A_80, %dma_start3A_189, %dma_start3A_190] : memref<2x128x128xf32, #tpu.memory_space<vmem>> -> memref<1x128x128xf32, #tpu.memory_space<vmem>>
        %dma_start3A_192 = tpu.memref_squeeze %dma_start3A_191 : memref<1x128x128xf32, #tpu.memory_space<vmem>> -> memref<128x128xf32, #tpu.memory_space<vmem>>
        %dma_start3A_193 = arith.constant 0 : i32
        %dma_start3A_194 = tpu.memref_slice %arg6[%mul3A_174, %dma_start3A_193] : memref<80000x128xf32, #tpu.memory_space<hbm>> -> memref<128x128xf32, #tpu.memory_space<hbm>>
        %dma_start3A_195 = tpu.memref_slice %arg13[%and3A_80] : memref<2x!tpu.dma_semaphore, #tpu.memory_space<semaphore_mem>> -> memref<1x!tpu.dma_semaphore, #tpu.memory_space<semaphore_mem>>
        %dma_start3A_196 = tpu.memref_squeeze %dma_start3A_195 : memref<1x!tpu.dma_semaphore, #tpu.memory_space<semaphore_mem>> -> memref<!tpu.dma_semaphore, #tpu.memory_space<semaphore_mem>>
        %dma_start3A_197 = arith.constant 0 : i32
        %dma_start3A_198 = tpu.memref_slice %arg6[%mul3A_174, %dma_start3A_197] : memref<80000x128xf32, #tpu.memory_space<hbm>> -> memref<128x128xf32, #tpu.memory_space<hbm>>
        %dma_start3A_199 = arith.constant 0 : i32
        %dma_start3A_200 = arith.constant 0 : i32
        %dma_start3A_201 = tpu.memref_slice %arg10[%and3A_80, %dma_start3A_199, %dma_start3A_200] : memref<2x128x128xf32, #tpu.memory_space<vmem>> -> memref<1x128x128xf32, #tpu.memory_space<vmem>>
        %dma_start3A_202 = tpu.memref_squeeze %dma_start3A_201 : memref<1x128x128xf32, #tpu.memory_space<vmem>> -> memref<128x128xf32, #tpu.memory_space<vmem>>
        tpu.enqueue_dma source(%dma_start3A_202 : memref<128x128xf32, #tpu.memory_space<vmem>>) target(%dma_start3A_198 : memref<128x128xf32, #tpu.memory_space<hbm>>) target_semaphore(%dma_start3A_196 : memref<!tpu.dma_semaphore, #tpu.memory_space<semaphore_mem>>)
      } else {
      }
      %scan3A_172 = arith.constant 0 : i32
      scf.yield %scan3A_172 : i32
    }
    %scan3A_38 = arith.constant 20 : i32
    %dma_wait3A = arith.constant 0 : i32
    %dma_wait3A_39 = arith.constant 0 : i32
    %dma_wait3A_40 = arith.constant 0 : i32
    %dma_wait3A_41 = arith.constant 0 : i32
    %dma_wait3A_42 = tpu.memref_slice %arg9[%dma_wait3A, %dma_wait3A_40, %dma_wait3A_41] : memref<2x128x128xf32, #tpu.memory_space<vmem>> -> memref<1x128x128xf32, #tpu.memory_space<vmem>>
    %dma_wait3A_43 = tpu.memref_squeeze %dma_wait3A_42 : memref<1x128x128xf32, #tpu.memory_space<vmem>> -> memref<128x128xf32, #tpu.memory_space<vmem>>
    %dma_wait3A_44 = arith.constant 0 : i32
    %dma_wait3A_45 = arith.constant 0 : i32
    %dma_wait3A_46 = tpu.memref_slice %arg5[%dma_wait3A_44, %dma_wait3A_45] : memref<80000x128xf32, #tpu.memory_space<hbm>> -> memref<128x128xf32, #tpu.memory_space<hbm>>
    %dma_wait3A_47 = tpu.memref_slice %arg13[%dma_wait3A_39] : memref<2x!tpu.dma_semaphore, #tpu.memory_space<semaphore_mem>> -> memref<1x!tpu.dma_semaphore, #tpu.memory_space<semaphore_mem>>
    %dma_wait3A_48 = tpu.memref_squeeze %dma_wait3A_47 : memref<1x!tpu.dma_semaphore, #tpu.memory_space<semaphore_mem>> -> memref<!tpu.dma_semaphore, #tpu.memory_space<semaphore_mem>>
    %dma_wait3A_49 = arith.constant 0 : i32
    %dma_wait3A_50 = arith.constant 0 : i32
    %dma_wait3A_51 = tpu.memref_slice %arg5[%dma_wait3A_49, %dma_wait3A_50] : memref<80000x128xf32, #tpu.memory_space<hbm>> -> memref<128x128xf32, #tpu.memory_space<hbm>>
    %dma_wait3A_52 = arith.constant 0 : i32
    %dma_wait3A_53 = arith.constant 0 : i32
    %dma_wait3A_54 = tpu.memref_slice %arg9[%dma_wait3A, %dma_wait3A_52, %dma_wait3A_53] : memref<2x128x128xf32, #tpu.memory_space<vmem>> -> memref<1x128x128xf32, #tpu.memory_space<vmem>>
    %dma_wait3A_55 = tpu.memref_squeeze %dma_wait3A_54 : memref<1x128x128xf32, #tpu.memory_space<vmem>> -> memref<128x128xf32, #tpu.memory_space<vmem>>
    tpu.wait_dma2 semaphore(%dma_wait3A_48 : memref<!tpu.dma_semaphore, #tpu.memory_space<semaphore_mem>>) src(%dma_wait3A_55 : memref<128x128xf32, #tpu.memory_space<vmem>>) dst(%dma_wait3A_51 : memref<128x128xf32, #tpu.memory_space<hbm>>)
    %dma_wait3A_56 = arith.constant 0 : i32
    %dma_wait3A_57 = arith.constant 0 : i32
    %dma_wait3A_58 = arith.constant 0 : i32
    %dma_wait3A_59 = arith.constant 0 : i32
    %dma_wait3A_60 = tpu.memref_slice %arg10[%dma_wait3A_56, %dma_wait3A_58, %dma_wait3A_59] : memref<2x128x128xf32, #tpu.memory_space<vmem>> -> memref<1x128x128xf32, #tpu.memory_space<vmem>>
    %dma_wait3A_61 = tpu.memref_squeeze %dma_wait3A_60 : memref<1x128x128xf32, #tpu.memory_space<vmem>> -> memref<128x128xf32, #tpu.memory_space<vmem>>
    %dma_wait3A_62 = arith.constant 0 : i32
    %dma_wait3A_63 = arith.constant 0 : i32
    %dma_wait3A_64 = tpu.memref_slice %arg6[%dma_wait3A_62, %dma_wait3A_63] : memref<80000x128xf32, #tpu.memory_space<hbm>> -> memref<128x128xf32, #tpu.memory_space<hbm>>
    %dma_wait3A_65 = tpu.memref_slice %arg13[%dma_wait3A_57] : memref<2x!tpu.dma_semaphore, #tpu.memory_space<semaphore_mem>> -> memref<1x!tpu.dma_semaphore, #tpu.memory_space<semaphore_mem>>
    %dma_wait3A_66 = tpu.memref_squeeze %dma_wait3A_65 : memref<1x!tpu.dma_semaphore, #tpu.memory_space<semaphore_mem>> -> memref<!tpu.dma_semaphore, #tpu.memory_space<semaphore_mem>>
    %dma_wait3A_67 = arith.constant 0 : i32
    %dma_wait3A_68 = arith.constant 0 : i32
    %dma_wait3A_69 = tpu.memref_slice %arg6[%dma_wait3A_67, %dma_wait3A_68] : memref<80000x128xf32, #tpu.memory_space<hbm>> -> memref<128x128xf32, #tpu.memory_space<hbm>>
    %dma_wait3A_70 = arith.constant 0 : i32
    %dma_wait3A_71 = arith.constant 0 : i32
    %dma_wait3A_72 = tpu.memref_slice %arg10[%dma_wait3A_56, %dma_wait3A_70, %dma_wait3A_71] : memref<2x128x128xf32, #tpu.memory_space<vmem>> -> memref<1x128x128xf32, #tpu.memory_space<vmem>>
    %dma_wait3A_73 = tpu.memref_squeeze %dma_wait3A_72 : memref<1x128x128xf32, #tpu.memory_space<vmem>> -> memref<128x128xf32, #tpu.memory_space<vmem>>
    tpu.wait_dma2 semaphore(%dma_wait3A_66 : memref<!tpu.dma_semaphore, #tpu.memory_space<semaphore_mem>>) src(%dma_wait3A_73 : memref<128x128xf32, #tpu.memory_space<vmem>>) dst(%dma_wait3A_69 : memref<128x128xf32, #tpu.memory_space<hbm>>)
    %add3A_74 = arith.constant 608 : i32
    %add3A_75 = arith.addi %add3A, %add3A_74 : i32
    %lt3A = arith.constant 625 : i32
    %lt3A_76 = arith.cmpi slt, %add3A_75, %lt3A : i32
    %convert_element_type3A = arith.extui %lt3A_76 : i1 to i32
    %cond3A = arith.constant 0 : i32
    %cond3A_77 = arith.cmpi ne, %convert_element_type3A, %cond3A : i32
    scf.if %cond3A_77 {
      %dma_wait3A_78 = arith.constant 1 : i32
      %dma_wait3A_79 = arith.constant 1 : i32
      %dma_wait3A_80 = arith.constant 0 : i32
      %dma_wait3A_81 = arith.constant 0 : i32
      %dma_wait3A_82 = tpu.memref_slice %arg9[%dma_wait3A_78, %dma_wait3A_80, %dma_wait3A_81] : memref<2x128x128xf32, #tpu.memory_space<vmem>> -> memref<1x128x128xf32, #tpu.memory_space<vmem>>
      %dma_wait3A_83 = tpu.memref_squeeze %dma_wait3A_82 : memref<1x128x128xf32, #tpu.memory_space<vmem>> -> memref<128x128xf32, #tpu.memory_space<vmem>>
      %dma_wait3A_84 = arith.constant 0 : i32
      %dma_wait3A_85 = arith.constant 0 : i32
      %dma_wait3A_86 = tpu.memref_slice %arg5[%dma_wait3A_84, %dma_wait3A_85] : memref<80000x128xf32, #tpu.memory_space<hbm>> -> memref<128x128xf32, #tpu.memory_space<hbm>>
      %dma_wait3A_87 = tpu.memref_slice %arg13[%dma_wait3A_79] : memref<2x!tpu.dma_semaphore, #tpu.memory_space<semaphore_mem>> -> memref<1x!tpu.dma_semaphore, #tpu.memory_space<semaphore_mem>>
      %dma_wait3A_88 = tpu.memref_squeeze %dma_wait3A_87 : memref<1x!tpu.dma_semaphore, #tpu.memory_space<semaphore_mem>> -> memref<!tpu.dma_semaphore, #tpu.memory_space<semaphore_mem>>
      %dma_wait3A_89 = arith.constant 0 : i32
      %dma_wait3A_90 = arith.constant 0 : i32
      %dma_wait3A_91 = tpu.memref_slice %arg5[%dma_wait3A_89, %dma_wait3A_90] : memref<80000x128xf32, #tpu.memory_space<hbm>> -> memref<128x128xf32, #tpu.memory_space<hbm>>
      %dma_wait3A_92 = arith.constant 0 : i32
      %dma_wait3A_93 = arith.constant 0 : i32
      %dma_wait3A_94 = tpu.memref_slice %arg9[%dma_wait3A_78, %dma_wait3A_92, %dma_wait3A_93] : memref<2x128x128xf32, #tpu.memory_space<vmem>> -> memref<1x128x128xf32, #tpu.memory_space<vmem>>
      %dma_wait3A_95 = tpu.memref_squeeze %dma_wait3A_94 : memref<1x128x128xf32, #tpu.memory_space<vmem>> -> memref<128x128xf32, #tpu.memory_space<vmem>>
      tpu.wait_dma2 semaphore(%dma_wait3A_88 : memref<!tpu.dma_semaphore, #tpu.memory_space<semaphore_mem>>) src(%dma_wait3A_95 : memref<128x128xf32, #tpu.memory_space<vmem>>) dst(%dma_wait3A_91 : memref<128x128xf32, #tpu.memory_space<hbm>>)
      %dma_wait3A_96 = arith.constant 1 : i32
      %dma_wait3A_97 = arith.constant 1 : i32
      %dma_wait3A_98 = arith.constant 0 : i32
      %dma_wait3A_99 = arith.constant 0 : i32
      %dma_wait3A_100 = tpu.memref_slice %arg10[%dma_wait3A_96, %dma_wait3A_98, %dma_wait3A_99] : memref<2x128x128xf32, #tpu.memory_space<vmem>> -> memref<1x128x128xf32, #tpu.memory_space<vmem>>
      %dma_wait3A_101 = tpu.memref_squeeze %dma_wait3A_100 : memref<1x128x128xf32, #tpu.memory_space<vmem>> -> memref<128x128xf32, #tpu.memory_space<vmem>>
      %dma_wait3A_102 = arith.constant 0 : i32
      %dma_wait3A_103 = arith.constant 0 : i32
      %dma_wait3A_104 = tpu.memref_slice %arg6[%dma_wait3A_102, %dma_wait3A_103] : memref<80000x128xf32, #tpu.memory_space<hbm>> -> memref<128x128xf32, #tpu.memory_space<hbm>>
      %dma_wait3A_105 = tpu.memref_slice %arg13[%dma_wait3A_97] : memref<2x!tpu.dma_semaphore, #tpu.memory_space<semaphore_mem>> -> memref<1x!tpu.dma_semaphore, #tpu.memory_space<semaphore_mem>>
      %dma_wait3A_106 = tpu.memref_squeeze %dma_wait3A_105 : memref<1x!tpu.dma_semaphore, #tpu.memory_space<semaphore_mem>> -> memref<!tpu.dma_semaphore, #tpu.memory_space<semaphore_mem>>
      %dma_wait3A_107 = arith.constant 0 : i32
      %dma_wait3A_108 = arith.constant 0 : i32
      %dma_wait3A_109 = tpu.memref_slice %arg6[%dma_wait3A_107, %dma_wait3A_108] : memref<80000x128xf32, #tpu.memory_space<hbm>> -> memref<128x128xf32, #tpu.memory_space<hbm>>
      %dma_wait3A_110 = arith.constant 0 : i32
      %dma_wait3A_111 = arith.constant 0 : i32
      %dma_wait3A_112 = tpu.memref_slice %arg10[%dma_wait3A_96, %dma_wait3A_110, %dma_wait3A_111] : memref<2x128x128xf32, #tpu.memory_space<vmem>> -> memref<1x128x128xf32, #tpu.memory_space<vmem>>
      %dma_wait3A_113 = tpu.memref_squeeze %dma_wait3A_112 : memref<1x128x128xf32, #tpu.memory_space<vmem>> -> memref<128x128xf32, #tpu.memory_space<vmem>>
      tpu.wait_dma2 semaphore(%dma_wait3A_106 : memref<!tpu.dma_semaphore, #tpu.memory_space<semaphore_mem>>) src(%dma_wait3A_113 : memref<128x128xf32, #tpu.memory_space<vmem>>) dst(%dma_wait3A_109 : memref<128x128xf32, #tpu.memory_space<hbm>>)
    } else {
    }
    return
  }
}

#map = affine_map<(d0, d1) -> (0, 0)>
#map1 = affine_map<(d0, d1) -> (0)>
module attributes {stable_mosaic.version = 14 : i64} {
  func.func @_gather_body(%arg0: i32, %arg1: i32, %arg2: memref<10000x128xf32, #tpu.memory_space<hbm>>, %arg3: memref<80000xi32, #tpu.memory_space<hbm>>, %arg4: memref<80000xi32, #tpu.memory_space<hbm>>, %arg5: memref<80000x128xf32, #tpu.memory_space<hbm>>, %arg6: memref<80000x128xf32, #tpu.memory_space<hbm>>, %arg7: memref<2x128xi32, #tpu.memory_space<vmem>>, %arg8: memref<2x128xi32, #tpu.memory_space<vmem>>, %arg9: memref<2x128x128xf32, #tpu.memory_space<vmem>>, %arg10: memref<2x128x128xf32, #tpu.memory_space<vmem>>, %arg11: memref<2x!tpu.dma_semaphore, #tpu.memory_space<semaphore_mem>>, %arg12: memref<2x!tpu.dma_semaphore, #tpu.memory_space<semaphore_mem>>, %arg13: memref<2x!tpu.dma_semaphore, #tpu.memory_space<semaphore_mem>>) attributes {dimension_semantics = [#tpu.dimension_semantics<core_parallel>, #tpu.dimension_semantics<subcore_parallel>], iteration_bounds = array<i64: 2, 16>, scalar_prefetch = 0 : i64, scratch_operands = 7 : i64, tpu.core_type = #tpu.core_type<sc_vector_subcore>, window_params = [{transform_indices = #map}, {transform_indices = #map1}, {transform_indices = #map1}, {transform_indices = #map}, {transform_indices = #map}]} {
    %mul3A = arith.constant 2 : i32
    %mul3A_0 = arith.muli %arg1, %mul3A : i32
    %add3A = arith.addi %mul3A_0, %arg0 : i32
    %min3A = arith.constant 0 : i32
    %min3A_1 = arith.constant 19 : i32
    %min3A_2 = arith.minsi %min3A, %min3A_1 : i32
    %mul3A_3 = arith.constant 32 : i32
    %mul3A_4 = arith.muli %min3A_2, %mul3A_3 : i32
    %add3A_5 = arith.addi %add3A, %mul3A_4 : i32
    %min3A_6 = arith.constant 624 : i32
    %min3A_7 = arith.minsi %add3A_5, %min3A_6 : i32
    %mul3A_8 = arith.constant 128 : i32
    %mul3A_9 = arith.muli %min3A_7, %mul3A_8 : i32
    %dma_start3A = arith.constant 0 : i32
    %dma_start3A_10 = arith.constant 0 : i32
    %dma_start3A_11 = arith.constant 0 : i32
    %dma_start3A_12 = tpu.memref_slice %arg7[%dma_start3A, %dma_start3A_11] : memref<2x128xi32, #tpu.memory_space<vmem>> -> memref<1x128xi32, #tpu.memory_space<vmem>>
    %dma_start3A_13 = tpu.memref_squeeze %dma_start3A_12 : memref<1x128xi32, #tpu.memory_space<vmem>> -> memref<128xi32, #tpu.memory_space<vmem>>
    %dma_start3A_14 = tpu.memref_slice %arg3[%mul3A_9] : memref<80000xi32, #tpu.memory_space<hbm>> -> memref<128xi32, #tpu.memory_space<hbm>>
    %dma_start3A_15 = tpu.memref_slice %arg11[%dma_start3A_10] : memref<2x!tpu.dma_semaphore, #tpu.memory_space<semaphore_mem>> -> memref<1x!tpu.dma_semaphore, #tpu.memory_space<semaphore_mem>>
    %dma_start3A_16 = tpu.memref_squeeze %dma_start3A_15 : memref<1x!tpu.dma_semaphore, #tpu.memory_space<semaphore_mem>> -> memref<!tpu.dma_semaphore, #tpu.memory_space<semaphore_mem>>
    %dma_start3A_17 = arith.constant 0 : i32
    %dma_start3A_18 = tpu.memref_slice %arg7[%dma_start3A, %dma_start3A_17] : memref<2x128xi32, #tpu.memory_space<vmem>> -> memref<1x128xi32, #tpu.memory_space<vmem>>
    %dma_start3A_19 = tpu.memref_squeeze %dma_start3A_18 : memref<1x128xi32, #tpu.memory_space<vmem>> -> memref<128xi32, #tpu.memory_space<vmem>>
    %dma_start3A_20 = tpu.memref_slice %arg3[%mul3A_9] : memref<80000xi32, #tpu.memory_space<hbm>> -> memref<128xi32, #tpu.memory_space<hbm>>
    tpu.enqueue_dma source(%dma_start3A_20 : memref<128xi32, #tpu.memory_space<hbm>>) target(%dma_start3A_19 : memref<128xi32, #tpu.memory_space<vmem>>) target_semaphore(%dma_start3A_16 : memref<!tpu.dma_semaphore, #tpu.memory_space<semaphore_mem>>)
    %dma_start3A_21 = arith.constant 0 : i32
    %dma_start3A_22 = arith.constant 0 : i32
    %dma_start3A_23 = arith.constant 0 : i32
    %dma_start3A_24 = tpu.memref_slice %arg8[%dma_start3A_21, %dma_start3A_23] : memref<2x128xi32, #tpu.memory_space<vmem>> -> memref<1x128xi32, #tpu.memory_space<vmem>>
    %dma_start3A_25 = tpu.memref_squeeze %dma_start3A_24 : memref<1x128xi32, #tpu.memory_space<vmem>> -> memref<128xi32, #tpu.memory_space<vmem>>
    %dma_start3A_26 = tpu.memref_slice %arg4[%mul3A_9] : memref<80000xi32, #tpu.memory_space<hbm>> -> memref<128xi32, #tpu.memory_space<hbm>>
    %dma_start3A_27 = tpu.memref_slice %arg11[%dma_start3A_22] : memref<2x!tpu.dma_semaphore, #tpu.memory_space<semaphore_mem>> -> memref<1x!tpu.dma_semaphore, #tpu.memory_space<semaphore_mem>>
    %dma_start3A_28 = tpu.memref_squeeze %dma_start3A_27 : memref<1x!tpu.dma_semaphore, #tpu.memory_space<semaphore_mem>> -> memref<!tpu.dma_semaphore, #tpu.memory_space<semaphore_mem>>
    %dma_start3A_29 = arith.constant 0 : i32
    %dma_start3A_30 = tpu.memref_slice %arg8[%dma_start3A_21, %dma_start3A_29] : memref<2x128xi32, #tpu.memory_space<vmem>> -> memref<1x128xi32, #tpu.memory_space<vmem>>
    %dma_start3A_31 = tpu.memref_squeeze %dma_start3A_30 : memref<1x128xi32, #tpu.memory_space<vmem>> -> memref<128xi32, #tpu.memory_space<vmem>>
    %dma_start3A_32 = tpu.memref_slice %arg4[%mul3A_9] : memref<80000xi32, #tpu.memory_space<hbm>> -> memref<128xi32, #tpu.memory_space<hbm>>
    tpu.enqueue_dma source(%dma_start3A_32 : memref<128xi32, #tpu.memory_space<hbm>>) target(%dma_start3A_31 : memref<128xi32, #tpu.memory_space<vmem>>) target_semaphore(%dma_start3A_28 : memref<!tpu.dma_semaphore, #tpu.memory_space<semaphore_mem>>)
    %scan3A = arith.constant 0 : i32
    %scan3A_33 = arith.constant 0 : i32
    %scan3A_34 = arith.constant 20 : i32
    %scan3A_35 = arith.addi %scan3A_33, %scan3A_34 : i32
    %scan3A_36 = arith.constant 1 : i32
    %scan3A_37 = scf.for %scan3A_78 = %scan3A_33 to %scan3A_35 step %scan3A_36 iter_args(%scan3A_79 = %scan3A) -> (i32)  : i32 {
      %and3A = arith.constant 1 : i32
      %and3A_80 = arith.andi %scan3A_78, %and3A : i32
      %mul3A_81 = arith.constant 32 : i32
      %mul3A_82 = arith.muli %scan3A_78, %mul3A_81 : i32
      %add3A_83 = arith.addi %add3A, %mul3A_82 : i32
      %ge3A = arith.constant 2 : i32
      %ge3A_84 = arith.cmpi sge, %scan3A_78, %ge3A : i32
      %convert_element_type3A_85 = arith.extui %ge3A_84 : i1 to i32
      %cond3A_86 = arith.constant 0 : i32
      %cond3A_87 = arith.cmpi ne, %convert_element_type3A_85, %cond3A_86 : i32
      scf.if %cond3A_87 {
        %dma_wait3A_173 = arith.constant 0 : i32
        %dma_wait3A_174 = arith.constant 0 : i32
        %dma_wait3A_175 = tpu.memref_slice %arg9[%and3A_80, %dma_wait3A_173, %dma_wait3A_174] : memref<2x128x128xf32, #tpu.memory_space<vmem>> -> memref<1x128x128xf32, #tpu.memory_space<vmem>>
        %dma_wait3A_176 = tpu.memref_squeeze %dma_wait3A_175 : memref<1x128x128xf32, #tpu.memory_space<vmem>> -> memref<128x128xf32, #tpu.memory_space<vmem>>
        %dma_wait3A_177 = arith.constant 0 : i32
        %dma_wait3A_178 = arith.constant 0 : i32
        %dma_wait3A_179 = tpu.memref_slice %arg5[%dma_wait3A_177, %dma_wait3A_178] : memref<80000x128xf32, #tpu.memory_space<hbm>> -> memref<128x128xf32, #tpu.memory_space<hbm>>
        %dma_wait3A_180 = tpu.memref_slice %arg13[%and3A_80] : memref<2x!tpu.dma_semaphore, #tpu.memory_space<semaphore_mem>> -> memref<1x!tpu.dma_semaphore, #tpu.memory_space<semaphore_mem>>
        %dma_wait3A_181 = tpu.memref_squeeze %dma_wait3A_180 : memref<1x!tpu.dma_semaphore, #tpu.memory_space<semaphore_mem>> -> memref<!tpu.dma_semaphore, #tpu.memory_space<semaphore_mem>>
        %dma_wait3A_182 = arith.constant 0 : i32
        %dma_wait3A_183 = arith.constant 0 : i32
        %dma_wait3A_184 = tpu.memref_slice %arg5[%dma_wait3A_182, %dma_wait3A_183] : memref<80000x128xf32, #tpu.memory_space<hbm>> -> memref<128x128xf32, #tpu.memory_space<hbm>>
        %dma_wait3A_185 = arith.constant 0 : i32
        %dma_wait3A_186 = arith.constant 0 : i32
        %dma_wait3A_187 = tpu.memref_slice %arg9[%and3A_80, %dma_wait3A_185, %dma_wait3A_186] : memref<2x128x128xf32, #tpu.memory_space<vmem>> -> memref<1x128x128xf32, #tpu.memory_space<vmem>>
        %dma_wait3A_188 = tpu.memref_squeeze %dma_wait3A_187 : memref<1x128x128xf32, #tpu.memory_space<vmem>> -> memref<128x128xf32, #tpu.memory_space<vmem>>
        tpu.wait_dma2 semaphore(%dma_wait3A_181 : memref<!tpu.dma_semaphore, #tpu.memory_space<semaphore_mem>>) src(%dma_wait3A_188 : memref<128x128xf32, #tpu.memory_space<vmem>>) dst(%dma_wait3A_184 : memref<128x128xf32, #tpu.memory_space<hbm>>)
        %dma_wait3A_189 = arith.constant 0 : i32
        %dma_wait3A_190 = arith.constant 0 : i32
        %dma_wait3A_191 = tpu.memref_slice %arg10[%and3A_80, %dma_wait3A_189, %dma_wait3A_190] : memref<2x128x128xf32, #tpu.memory_space<vmem>> -> memref<1x128x128xf32, #tpu.memory_space<vmem>>
        %dma_wait3A_192 = tpu.memref_squeeze %dma_wait3A_191 : memref<1x128x128xf32, #tpu.memory_space<vmem>> -> memref<128x128xf32, #tpu.memory_space<vmem>>
        %dma_wait3A_193 = arith.constant 0 : i32
        %dma_wait3A_194 = arith.constant 0 : i32
        %dma_wait3A_195 = tpu.memref_slice %arg6[%dma_wait3A_193, %dma_wait3A_194] : memref<80000x128xf32, #tpu.memory_space<hbm>> -> memref<128x128xf32, #tpu.memory_space<hbm>>
        %dma_wait3A_196 = tpu.memref_slice %arg13[%and3A_80] : memref<2x!tpu.dma_semaphore, #tpu.memory_space<semaphore_mem>> -> memref<1x!tpu.dma_semaphore, #tpu.memory_space<semaphore_mem>>
        %dma_wait3A_197 = tpu.memref_squeeze %dma_wait3A_196 : memref<1x!tpu.dma_semaphore, #tpu.memory_space<semaphore_mem>> -> memref<!tpu.dma_semaphore, #tpu.memory_space<semaphore_mem>>
        %dma_wait3A_198 = arith.constant 0 : i32
        %dma_wait3A_199 = arith.constant 0 : i32
        %dma_wait3A_200 = tpu.memref_slice %arg6[%dma_wait3A_198, %dma_wait3A_199] : memref<80000x128xf32, #tpu.memory_space<hbm>> -> memref<128x128xf32, #tpu.memory_space<hbm>>
        %dma_wait3A_201 = arith.constant 0 : i32
        %dma_wait3A_202 = arith.constant 0 : i32
        %dma_wait3A_203 = tpu.memref_slice %arg10[%and3A_80, %dma_wait3A_201, %dma_wait3A_202] : memref<2x128x128xf32, #tpu.memory_space<vmem>> -> memref<1x128x128xf32, #tpu.memory_space<vmem>>
        %dma_wait3A_204 = tpu.memref_squeeze %dma_wait3A_203 : memref<1x128x128xf32, #tpu.memory_space<vmem>> -> memref<128x128xf32, #tpu.memory_space<vmem>>
        tpu.wait_dma2 semaphore(%dma_wait3A_197 : memref<!tpu.dma_semaphore, #tpu.memory_space<semaphore_mem>>) src(%dma_wait3A_204 : memref<128x128xf32, #tpu.memory_space<vmem>>) dst(%dma_wait3A_200 : memref<128x128xf32, #tpu.memory_space<hbm>>)
      } else {
      }
      %dma_wait3A_88 = arith.constant 0 : i32
      %dma_wait3A_89 = tpu.memref_slice %arg7[%and3A_80, %dma_wait3A_88] : memref<2x128xi32, #tpu.memory_space<vmem>> -> memref<1x128xi32, #tpu.memory_space<vmem>>
      %dma_wait3A_90 = tpu.memref_squeeze %dma_wait3A_89 : memref<1x128xi32, #tpu.memory_space<vmem>> -> memref<128xi32, #tpu.memory_space<vmem>>
      %dma_wait3A_91 = arith.constant 0 : i32
      %dma_wait3A_92 = tpu.memref_slice %arg3[%dma_wait3A_91] : memref<80000xi32, #tpu.memory_space<hbm>> -> memref<128xi32, #tpu.memory_space<hbm>>
      %dma_wait3A_93 = tpu.memref_slice %arg11[%and3A_80] : memref<2x!tpu.dma_semaphore, #tpu.memory_space<semaphore_mem>> -> memref<1x!tpu.dma_semaphore, #tpu.memory_space<semaphore_mem>>
      %dma_wait3A_94 = tpu.memref_squeeze %dma_wait3A_93 : memref<1x!tpu.dma_semaphore, #tpu.memory_space<semaphore_mem>> -> memref<!tpu.dma_semaphore, #tpu.memory_space<semaphore_mem>>
      %dma_wait3A_95 = arith.constant 0 : i32
      %dma_wait3A_96 = tpu.memref_slice %arg7[%and3A_80, %dma_wait3A_95] : memref<2x128xi32, #tpu.memory_space<vmem>> -> memref<1x128xi32, #tpu.memory_space<vmem>>
      %dma_wait3A_97 = tpu.memref_squeeze %dma_wait3A_96 : memref<1x128xi32, #tpu.memory_space<vmem>> -> memref<128xi32, #tpu.memory_space<vmem>>
      %dma_wait3A_98 = arith.constant 0 : i32
      %dma_wait3A_99 = tpu.memref_slice %arg3[%dma_wait3A_98] : memref<80000xi32, #tpu.memory_space<hbm>> -> memref<128xi32, #tpu.memory_space<hbm>>
      tpu.wait_dma2 semaphore(%dma_wait3A_94 : memref<!tpu.dma_semaphore, #tpu.memory_space<semaphore_mem>>) src(%dma_wait3A_99 : memref<128xi32, #tpu.memory_space<hbm>>) dst(%dma_wait3A_97 : memref<128xi32, #tpu.memory_space<vmem>>)
      %dma_wait3A_100 = arith.constant 0 : i32
      %dma_wait3A_101 = tpu.memref_slice %arg8[%and3A_80, %dma_wait3A_100] : memref<2x128xi32, #tpu.memory_space<vmem>> -> memref<1x128xi32, #tpu.memory_space<vmem>>
      %dma_wait3A_102 = tpu.memref_squeeze %dma_wait3A_101 : memref<1x128xi32, #tpu.memory_space<vmem>> -> memref<128xi32, #tpu.memory_space<vmem>>
      %dma_wait3A_103 = arith.constant 0 : i32
      %dma_wait3A_104 = tpu.memref_slice %arg4[%dma_wait3A_103] : memref<80000xi32, #tpu.memory_space<hbm>> -> memref<128xi32, #tpu.memory_space<hbm>>
      %dma_wait3A_105 = tpu.memref_slice %arg11[%and3A_80] : memref<2x!tpu.dma_semaphore, #tpu.memory_space<semaphore_mem>> -> memref<1x!tpu.dma_semaphore, #tpu.memory_space<semaphore_mem>>
      %dma_wait3A_106 = tpu.memref_squeeze %dma_wait3A_105 : memref<1x!tpu.dma_semaphore, #tpu.memory_space<semaphore_mem>> -> memref<!tpu.dma_semaphore, #tpu.memory_space<semaphore_mem>>
      %dma_wait3A_107 = arith.constant 0 : i32
      %dma_wait3A_108 = tpu.memref_slice %arg8[%and3A_80, %dma_wait3A_107] : memref<2x128xi32, #tpu.memory_space<vmem>> -> memref<1x128xi32, #tpu.memory_space<vmem>>
      %dma_wait3A_109 = tpu.memref_squeeze %dma_wait3A_108 : memref<1x128xi32, #tpu.memory_space<vmem>> -> memref<128xi32, #tpu.memory_space<vmem>>
      %dma_wait3A_110 = arith.constant 0 : i32
      %dma_wait3A_111 = tpu.memref_slice %arg4[%dma_wait3A_110] : memref<80000xi32, #tpu.memory_space<hbm>> -> memref<128xi32, #tpu.memory_space<hbm>>
      tpu.wait_dma2 semaphore(%dma_wait3A_106 : memref<!tpu.dma_semaphore, #tpu.memory_space<semaphore_mem>>) src(%dma_wait3A_111 : memref<128xi32, #tpu.memory_space<hbm>>) dst(%dma_wait3A_109 : memref<128xi32, #tpu.memory_space<vmem>>)
      %dma_start3A_112 = arith.constant 0 : i32
      %dma_start3A_113 = arith.constant 0 : i32
      %dma_start3A_114 = tpu.memref_slice %arg9[%and3A_80, %dma_start3A_112, %dma_start3A_113] : memref<2x128x128xf32, #tpu.memory_space<vmem>> -> memref<1x128x128xf32, #tpu.memory_space<vmem>>
      %dma_start3A_115 = tpu.memref_squeeze %dma_start3A_114 : memref<1x128x128xf32, #tpu.memory_space<vmem>> -> memref<128x128xf32, #tpu.memory_space<vmem>>
      %dma_start3A_116 = arith.constant 0 : i32
      %dma_start3A_117 = tpu.memref_slice %arg7[%and3A_80, %dma_start3A_116] : memref<2x128xi32, #tpu.memory_space<vmem>> -> memref<1x128xi32, #tpu.memory_space<vmem>>
      %dma_start3A_118 = tpu.memref_squeeze %dma_start3A_117 : memref<1x128xi32, #tpu.memory_space<vmem>> -> memref<128xi32, #tpu.memory_space<vmem>>
      %dma_start3A_119 = arith.constant 0 : i32
      %dma_start3A_120 = arith.constant 0 : i32
      %dma_start3A_121 = tpu.memref_slice %arg2[%dma_start3A_119, %dma_start3A_120] : memref<10000x128xf32, #tpu.memory_space<hbm>> -> memref<10000x128xf32, #tpu.memory_space<hbm>>
      %dma_start3A_122 = tpu.memref_slice %arg12[%and3A_80] : memref<2x!tpu.dma_semaphore, #tpu.memory_space<semaphore_mem>> -> memref<1x!tpu.dma_semaphore, #tpu.memory_space<semaphore_mem>>
      %dma_start3A_123 = tpu.memref_squeeze %dma_start3A_122 : memref<1x!tpu.dma_semaphore, #tpu.memory_space<semaphore_mem>> -> memref<!tpu.dma_semaphore, #tpu.memory_space<semaphore_mem>>
      tpu.enqueue_indirect_dma source(%dma_start3A_121 : memref<10000x128xf32, #tpu.memory_space<hbm>>) target(%dma_start3A_115 : memref<128x128xf32, #tpu.memory_space<vmem>>) offsets(%dma_start3A_118 : memref<128xi32, #tpu.memory_space<vmem>>) semaphore(%dma_start3A_123 : memref<!tpu.dma_semaphore, #tpu.memory_space<semaphore_mem>>)
      %dma_start3A_124 = arith.constant 0 : i32
      %dma_start3A_125 = arith.constant 0 : i32
      %dma_start3A_126 = tpu.memref_slice %arg10[%and3A_80, %dma_start3A_124, %dma_start3A_125] : memref<2x128x128xf32, #tpu.memory_space<vmem>> -> memref<1x128x128xf32, #tpu.memory_space<vmem>>
      %dma_start3A_127 = tpu.memref_squeeze %dma_start3A_126 : memref<1x128x128xf32, #tpu.memory_space<vmem>> -> memref<128x128xf32, #tpu.memory_space<vmem>>
      %dma_start3A_128 = arith.constant 0 : i32
      %dma_start3A_129 = tpu.memref_slice %arg8[%and3A_80, %dma_start3A_128] : memref<2x128xi32, #tpu.memory_space<vmem>> -> memref<1x128xi32, #tpu.memory_space<vmem>>
      %dma_start3A_130 = tpu.memref_squeeze %dma_start3A_129 : memref<1x128xi32, #tpu.memory_space<vmem>> -> memref<128xi32, #tpu.memory_space<vmem>>
      %dma_start3A_131 = arith.constant 0 : i32
      %dma_start3A_132 = arith.constant 0 : i32
      %dma_start3A_133 = tpu.memref_slice %arg2[%dma_start3A_131, %dma_start3A_132] : memref<10000x128xf32, #tpu.memory_space<hbm>> -> memref<10000x128xf32, #tpu.memory_space<hbm>>
      %dma_start3A_134 = tpu.memref_slice %arg12[%and3A_80] : memref<2x!tpu.dma_semaphore, #tpu.memory_space<semaphore_mem>> -> memref<1x!tpu.dma_semaphore, #tpu.memory_space<semaphore_mem>>
      %dma_start3A_135 = tpu.memref_squeeze %dma_start3A_134 : memref<1x!tpu.dma_semaphore, #tpu.memory_space<semaphore_mem>> -> memref<!tpu.dma_semaphore, #tpu.memory_space<semaphore_mem>>
      tpu.enqueue_indirect_dma source(%dma_start3A_133 : memref<10000x128xf32, #tpu.memory_space<hbm>>) target(%dma_start3A_127 : memref<128x128xf32, #tpu.memory_space<vmem>>) offsets(%dma_start3A_130 : memref<128xi32, #tpu.memory_space<vmem>>) semaphore(%dma_start3A_135 : memref<!tpu.dma_semaphore, #tpu.memory_space<semaphore_mem>>)
      %add3A_136 = arith.constant 1 : i32
      %add3A_137 = arith.addi %scan3A_78, %add3A_136 : i32
      %lt3A_138 = arith.constant 20 : i32
      %lt3A_139 = arith.cmpi slt, %add3A_137, %lt3A_138 : i32
      %convert_element_type3A_140 = arith.extui %lt3A_139 : i1 to i32
      %cond3A_141 = arith.constant 0 : i32
      %cond3A_142 = arith.cmpi ne, %convert_element_type3A_140, %cond3A_141 : i32
      scf.if %cond3A_142 {
        %add3A_173 = arith.constant 1 : i32
        %add3A_174 = arith.addi %scan3A_78, %add3A_173 : i32
        %sub3A = arith.constant 1 : i32
        %sub3A_175 = arith.subi %sub3A, %and3A_80 : i32
        %min3A_176 = arith.constant 19 : i32
        %min3A_177 = arith.minsi %add3A_174, %min3A_176 : i32
        %mul3A_178 = arith.constant 32 : i32
        %mul3A_179 = arith.muli %min3A_177, %mul3A_178 : i32
        %add3A_180 = arith.addi %add3A, %mul3A_179 : i32
        %min3A_181 = arith.constant 624 : i32
        %min3A_182 = arith.minsi %add3A_180, %min3A_181 : i32
        %mul3A_183 = arith.constant 128 : i32
        %mul3A_184 = arith.muli %min3A_182, %mul3A_183 : i32
        %dma_start3A_185 = arith.constant 0 : i32
        %dma_start3A_186 = tpu.memref_slice %arg7[%sub3A_175, %dma_start3A_185] : memref<2x128xi32, #tpu.memory_space<vmem>> -> memref<1x128xi32, #tpu.memory_space<vmem>>
        %dma_start3A_187 = tpu.memref_squeeze %dma_start3A_186 : memref<1x128xi32, #tpu.memory_space<vmem>> -> memref<128xi32, #tpu.memory_space<vmem>>
        %dma_start3A_188 = tpu.memref_slice %arg3[%mul3A_184] : memref<80000xi32, #tpu.memory_space<hbm>> -> memref<128xi32, #tpu.memory_space<hbm>>
        %dma_start3A_189 = tpu.memref_slice %arg11[%sub3A_175] : memref<2x!tpu.dma_semaphore, #tpu.memory_space<semaphore_mem>> -> memref<1x!tpu.dma_semaphore, #tpu.memory_space<semaphore_mem>>
        %dma_start3A_190 = tpu.memref_squeeze %dma_start3A_189 : memref<1x!tpu.dma_semaphore, #tpu.memory_space<semaphore_mem>> -> memref<!tpu.dma_semaphore, #tpu.memory_space<semaphore_mem>>
        %dma_start3A_191 = arith.constant 0 : i32
        %dma_start3A_192 = tpu.memref_slice %arg7[%sub3A_175, %dma_start3A_191] : memref<2x128xi32, #tpu.memory_space<vmem>> -> memref<1x128xi32, #tpu.memory_space<vmem>>
        %dma_start3A_193 = tpu.memref_squeeze %dma_start3A_192 : memref<1x128xi32, #tpu.memory_space<vmem>> -> memref<128xi32, #tpu.memory_space<vmem>>
        %dma_start3A_194 = tpu.memref_slice %arg3[%mul3A_184] : memref<80000xi32, #tpu.memory_space<hbm>> -> memref<128xi32, #tpu.memory_space<hbm>>
        tpu.enqueue_dma source(%dma_start3A_194 : memref<128xi32, #tpu.memory_space<hbm>>) target(%dma_start3A_193 : memref<128xi32, #tpu.memory_space<vmem>>) target_semaphore(%dma_start3A_190 : memref<!tpu.dma_semaphore, #tpu.memory_space<semaphore_mem>>)
        %dma_start3A_195 = arith.constant 0 : i32
        %dma_start3A_196 = tpu.memref_slice %arg8[%sub3A_175, %dma_start3A_195] : memref<2x128xi32, #tpu.memory_space<vmem>> -> memref<1x128xi32, #tpu.memory_space<vmem>>
        %dma_start3A_197 = tpu.memref_squeeze %dma_start3A_196 : memref<1x128xi32, #tpu.memory_space<vmem>> -> memref<128xi32, #tpu.memory_space<vmem>>
        %dma_start3A_198 = tpu.memref_slice %arg4[%mul3A_184] : memref<80000xi32, #tpu.memory_space<hbm>> -> memref<128xi32, #tpu.memory_space<hbm>>
        %dma_start3A_199 = tpu.memref_slice %arg11[%sub3A_175] : memref<2x!tpu.dma_semaphore, #tpu.memory_space<semaphore_mem>> -> memref<1x!tpu.dma_semaphore, #tpu.memory_space<semaphore_mem>>
        %dma_start3A_200 = tpu.memref_squeeze %dma_start3A_199 : memref<1x!tpu.dma_semaphore, #tpu.memory_space<semaphore_mem>> -> memref<!tpu.dma_semaphore, #tpu.memory_space<semaphore_mem>>
        %dma_start3A_201 = arith.constant 0 : i32
        %dma_start3A_202 = tpu.memref_slice %arg8[%sub3A_175, %dma_start3A_201] : memref<2x128xi32, #tpu.memory_space<vmem>> -> memref<1x128xi32, #tpu.memory_space<vmem>>
        %dma_start3A_203 = tpu.memref_squeeze %dma_start3A_202 : memref<1x128xi32, #tpu.memory_space<vmem>> -> memref<128xi32, #tpu.memory_space<vmem>>
        %dma_start3A_204 = tpu.memref_slice %arg4[%mul3A_184] : memref<80000xi32, #tpu.memory_space<hbm>> -> memref<128xi32, #tpu.memory_space<hbm>>
        tpu.enqueue_dma source(%dma_start3A_204 : memref<128xi32, #tpu.memory_space<hbm>>) target(%dma_start3A_203 : memref<128xi32, #tpu.memory_space<vmem>>) target_semaphore(%dma_start3A_200 : memref<!tpu.dma_semaphore, #tpu.memory_space<semaphore_mem>>)
      } else {
      }
      %dma_wait3A_143 = arith.constant 0 : i32
      %dma_wait3A_144 = arith.constant 0 : i32
      %dma_wait3A_145 = tpu.memref_slice %arg9[%and3A_80, %dma_wait3A_143, %dma_wait3A_144] : memref<2x128x128xf32, #tpu.memory_space<vmem>> -> memref<1x128x128xf32, #tpu.memory_space<vmem>>
      %dma_wait3A_146 = tpu.memref_squeeze %dma_wait3A_145 : memref<1x128x128xf32, #tpu.memory_space<vmem>> -> memref<128x128xf32, #tpu.memory_space<vmem>>
      %dma_wait3A_147 = arith.constant 0 : i32
      %dma_wait3A_148 = tpu.memref_slice %arg7[%and3A_80, %dma_wait3A_147] : memref<2x128xi32, #tpu.memory_space<vmem>> -> memref<1x128xi32, #tpu.memory_space<vmem>>
      %dma_wait3A_149 = tpu.memref_squeeze %dma_wait3A_148 : memref<1x128xi32, #tpu.memory_space<vmem>> -> memref<128xi32, #tpu.memory_space<vmem>>
      %dma_wait3A_150 = arith.constant 0 : i32
      %dma_wait3A_151 = arith.constant 0 : i32
      %dma_wait3A_152 = tpu.memref_slice %arg2[%dma_wait3A_150, %dma_wait3A_151] : memref<10000x128xf32, #tpu.memory_space<hbm>> -> memref<10000x128xf32, #tpu.memory_space<hbm>>
      %dma_wait3A_153 = tpu.memref_slice %arg12[%and3A_80] : memref<2x!tpu.dma_semaphore, #tpu.memory_space<semaphore_mem>> -> memref<1x!tpu.dma_semaphore, #tpu.memory_space<semaphore_mem>>
      %dma_wait3A_154 = tpu.memref_squeeze %dma_wait3A_153 : memref<1x!tpu.dma_semaphore, #tpu.memory_space<semaphore_mem>> -> memref<!tpu.dma_semaphore, #tpu.memory_space<semaphore_mem>>
      tpu.wait_indirect_dma semaphore(%dma_wait3A_154 : memref<!tpu.dma_semaphore, #tpu.memory_space<semaphore_mem>>) src(%dma_wait3A_152 : memref<10000x128xf32, #tpu.memory_space<hbm>>) dst(%dma_wait3A_146 : memref<128x128xf32, #tpu.memory_space<vmem>>)
      %dma_wait3A_155 = arith.constant 0 : i32
      %dma_wait3A_156 = arith.constant 0 : i32
      %dma_wait3A_157 = tpu.memref_slice %arg10[%and3A_80, %dma_wait3A_155, %dma_wait3A_156] : memref<2x128x128xf32, #tpu.memory_space<vmem>> -> memref<1x128x128xf32, #tpu.memory_space<vmem>>
      %dma_wait3A_158 = tpu.memref_squeeze %dma_wait3A_157 : memref<1x128x128xf32, #tpu.memory_space<vmem>> -> memref<128x128xf32, #tpu.memory_space<vmem>>
      %dma_wait3A_159 = arith.constant 0 : i32
      %dma_wait3A_160 = tpu.memref_slice %arg8[%and3A_80, %dma_wait3A_159] : memref<2x128xi32, #tpu.memory_space<vmem>> -> memref<1x128xi32, #tpu.memory_space<vmem>>
      %dma_wait3A_161 = tpu.memref_squeeze %dma_wait3A_160 : memref<1x128xi32, #tpu.memory_space<vmem>> -> memref<128xi32, #tpu.memory_space<vmem>>
      %dma_wait3A_162 = arith.constant 0 : i32
      %dma_wait3A_163 = arith.constant 0 : i32
      %dma_wait3A_164 = tpu.memref_slice %arg2[%dma_wait3A_162, %dma_wait3A_163] : memref<10000x128xf32, #tpu.memory_space<hbm>> -> memref<10000x128xf32, #tpu.memory_space<hbm>>
      %dma_wait3A_165 = tpu.memref_slice %arg12[%and3A_80] : memref<2x!tpu.dma_semaphore, #tpu.memory_space<semaphore_mem>> -> memref<1x!tpu.dma_semaphore, #tpu.memory_space<semaphore_mem>>
      %dma_wait3A_166 = tpu.memref_squeeze %dma_wait3A_165 : memref<1x!tpu.dma_semaphore, #tpu.memory_space<semaphore_mem>> -> memref<!tpu.dma_semaphore, #tpu.memory_space<semaphore_mem>>
      tpu.wait_indirect_dma semaphore(%dma_wait3A_166 : memref<!tpu.dma_semaphore, #tpu.memory_space<semaphore_mem>>) src(%dma_wait3A_164 : memref<10000x128xf32, #tpu.memory_space<hbm>>) dst(%dma_wait3A_158 : memref<128x128xf32, #tpu.memory_space<vmem>>)
      %lt3A_167 = arith.constant 625 : i32
      %lt3A_168 = arith.cmpi slt, %add3A_83, %lt3A_167 : i32
      %convert_element_type3A_169 = arith.extui %lt3A_168 : i1 to i32
      %cond3A_170 = arith.constant 0 : i32
      %cond3A_171 = arith.cmpi ne, %convert_element_type3A_169, %cond3A_170 : i32
      scf.if %cond3A_171 {
        %mul3A_173 = arith.constant 128 : i32
        %mul3A_174 = arith.muli %add3A_83, %mul3A_173 : i32
        %dma_start3A_175 = arith.constant 0 : i32
        %dma_start3A_176 = arith.constant 0 : i32
        %dma_start3A_177 = tpu.memref_slice %arg9[%and3A_80, %dma_start3A_175, %dma_start3A_176] : memref<2x128x128xf32, #tpu.memory_space<vmem>> -> memref<1x128x128xf32, #tpu.memory_space<vmem>>
        %dma_start3A_178 = tpu.memref_squeeze %dma_start3A_177 : memref<1x128x128xf32, #tpu.memory_space<vmem>> -> memref<128x128xf32, #tpu.memory_space<vmem>>
        %dma_start3A_179 = arith.constant 0 : i32
        %dma_start3A_180 = tpu.memref_slice %arg5[%mul3A_174, %dma_start3A_179] : memref<80000x128xf32, #tpu.memory_space<hbm>> -> memref<128x128xf32, #tpu.memory_space<hbm>>
        %dma_start3A_181 = tpu.memref_slice %arg13[%and3A_80] : memref<2x!tpu.dma_semaphore, #tpu.memory_space<semaphore_mem>> -> memref<1x!tpu.dma_semaphore, #tpu.memory_space<semaphore_mem>>
        %dma_start3A_182 = tpu.memref_squeeze %dma_start3A_181 : memref<1x!tpu.dma_semaphore, #tpu.memory_space<semaphore_mem>> -> memref<!tpu.dma_semaphore, #tpu.memory_space<semaphore_mem>>
        %dma_start3A_183 = arith.constant 0 : i32
        %dma_start3A_184 = tpu.memref_slice %arg5[%mul3A_174, %dma_start3A_183] : memref<80000x128xf32, #tpu.memory_space<hbm>> -> memref<128x128xf32, #tpu.memory_space<hbm>>
        %dma_start3A_185 = arith.constant 0 : i32
        %dma_start3A_186 = arith.constant 0 : i32
        %dma_start3A_187 = tpu.memref_slice %arg9[%and3A_80, %dma_start3A_185, %dma_start3A_186] : memref<2x128x128xf32, #tpu.memory_space<vmem>> -> memref<1x128x128xf32, #tpu.memory_space<vmem>>
        %dma_start3A_188 = tpu.memref_squeeze %dma_start3A_187 : memref<1x128x128xf32, #tpu.memory_space<vmem>> -> memref<128x128xf32, #tpu.memory_space<vmem>>
        tpu.enqueue_dma source(%dma_start3A_188 : memref<128x128xf32, #tpu.memory_space<vmem>>) target(%dma_start3A_184 : memref<128x128xf32, #tpu.memory_space<hbm>>) target_semaphore(%dma_start3A_182 : memref<!tpu.dma_semaphore, #tpu.memory_space<semaphore_mem>>)
        %dma_start3A_189 = arith.constant 0 : i32
        %dma_start3A_190 = arith.constant 0 : i32
        %dma_start3A_191 = tpu.memref_slice %arg10[%and3A_80, %dma_start3A_189, %dma_start3A_190] : memref<2x128x128xf32, #tpu.memory_space<vmem>> -> memref<1x128x128xf32, #tpu.memory_space<vmem>>
        %dma_start3A_192 = tpu.memref_squeeze %dma_start3A_191 : memref<1x128x128xf32, #tpu.memory_space<vmem>> -> memref<128x128xf32, #tpu.memory_space<vmem>>
        %dma_start3A_193 = arith.constant 0 : i32
        %dma_start3A_194 = tpu.memref_slice %arg6[%mul3A_174, %dma_start3A_193] : memref<80000x128xf32, #tpu.memory_space<hbm>> -> memref<128x128xf32, #tpu.memory_space<hbm>>
        %dma_start3A_195 = tpu.memref_slice %arg13[%and3A_80] : memref<2x!tpu.dma_semaphore, #tpu.memory_space<semaphore_mem>> -> memref<1x!tpu.dma_semaphore, #tpu.memory_space<semaphore_mem>>
        %dma_start3A_196 = tpu.memref_squeeze %dma_start3A_195 : memref<1x!tpu.dma_semaphore, #tpu.memory_space<semaphore_mem>> -> memref<!tpu.dma_semaphore, #tpu.memory_space<semaphore_mem>>
        %dma_start3A_197 = arith.constant 0 : i32
        %dma_start3A_198 = tpu.memref_slice %arg6[%mul3A_174, %dma_start3A_197] : memref<80000x128xf32, #tpu.memory_space<hbm>> -> memref<128x128xf32, #tpu.memory_space<hbm>>
        %dma_start3A_199 = arith.constant 0 : i32
        %dma_start3A_200 = arith.constant 0 : i32
        %dma_start3A_201 = tpu.memref_slice %arg10[%and3A_80, %dma_start3A_199, %dma_start3A_200] : memref<2x128x128xf32, #tpu.memory_space<vmem>> -> memref<1x128x128xf32, #tpu.memory_space<vmem>>
        %dma_start3A_202 = tpu.memref_squeeze %dma_start3A_201 : memref<1x128x128xf32, #tpu.memory_space<vmem>> -> memref<128x128xf32, #tpu.memory_space<vmem>>
        tpu.enqueue_dma source(%dma_start3A_202 : memref<128x128xf32, #tpu.memory_space<vmem>>) target(%dma_start3A_198 : memref<128x128xf32, #tpu.memory_space<hbm>>) target_semaphore(%dma_start3A_196 : memref<!tpu.dma_semaphore, #tpu.memory_space<semaphore_mem>>)
      } else {
      }
      %scan3A_172 = arith.constant 0 : i32
      scf.yield %scan3A_172 : i32
    }
    %scan3A_38 = arith.constant 20 : i32
    %dma_wait3A = arith.constant 0 : i32
    %dma_wait3A_39 = arith.constant 0 : i32
    %dma_wait3A_40 = arith.constant 0 : i32
    %dma_wait3A_41 = arith.constant 0 : i32
    %dma_wait3A_42 = tpu.memref_slice %arg9[%dma_wait3A, %dma_wait3A_40, %dma_wait3A_41] : memref<2x128x128xf32, #tpu.memory_space<vmem>> -> memref<1x128x128xf32, #tpu.memory_space<vmem>>
    %dma_wait3A_43 = tpu.memref_squeeze %dma_wait3A_42 : memref<1x128x128xf32, #tpu.memory_space<vmem>> -> memref<128x128xf32, #tpu.memory_space<vmem>>
    %dma_wait3A_44 = arith.constant 0 : i32
    %dma_wait3A_45 = arith.constant 0 : i32
    %dma_wait3A_46 = tpu.memref_slice %arg5[%dma_wait3A_44, %dma_wait3A_45] : memref<80000x128xf32, #tpu.memory_space<hbm>> -> memref<128x128xf32, #tpu.memory_space<hbm>>
    %dma_wait3A_47 = tpu.memref_slice %arg13[%dma_wait3A_39] : memref<2x!tpu.dma_semaphore, #tpu.memory_space<semaphore_mem>> -> memref<1x!tpu.dma_semaphore, #tpu.memory_space<semaphore_mem>>
    %dma_wait3A_48 = tpu.memref_squeeze %dma_wait3A_47 : memref<1x!tpu.dma_semaphore, #tpu.memory_space<semaphore_mem>> -> memref<!tpu.dma_semaphore, #tpu.memory_space<semaphore_mem>>
    %dma_wait3A_49 = arith.constant 0 : i32
    %dma_wait3A_50 = arith.constant 0 : i32
    %dma_wait3A_51 = tpu.memref_slice %arg5[%dma_wait3A_49, %dma_wait3A_50] : memref<80000x128xf32, #tpu.memory_space<hbm>> -> memref<128x128xf32, #tpu.memory_space<hbm>>
    %dma_wait3A_52 = arith.constant 0 : i32
    %dma_wait3A_53 = arith.constant 0 : i32
    %dma_wait3A_54 = tpu.memref_slice %arg9[%dma_wait3A, %dma_wait3A_52, %dma_wait3A_53] : memref<2x128x128xf32, #tpu.memory_space<vmem>> -> memref<1x128x128xf32, #tpu.memory_space<vmem>>
    %dma_wait3A_55 = tpu.memref_squeeze %dma_wait3A_54 : memref<1x128x128xf32, #tpu.memory_space<vmem>> -> memref<128x128xf32, #tpu.memory_space<vmem>>
    tpu.wait_dma2 semaphore(%dma_wait3A_48 : memref<!tpu.dma_semaphore, #tpu.memory_space<semaphore_mem>>) src(%dma_wait3A_55 : memref<128x128xf32, #tpu.memory_space<vmem>>) dst(%dma_wait3A_51 : memref<128x128xf32, #tpu.memory_space<hbm>>)
    %dma_wait3A_56 = arith.constant 0 : i32
    %dma_wait3A_57 = arith.constant 0 : i32
    %dma_wait3A_58 = arith.constant 0 : i32
    %dma_wait3A_59 = arith.constant 0 : i32
    %dma_wait3A_60 = tpu.memref_slice %arg10[%dma_wait3A_56, %dma_wait3A_58, %dma_wait3A_59] : memref<2x128x128xf32, #tpu.memory_space<vmem>> -> memref<1x128x128xf32, #tpu.memory_space<vmem>>
    %dma_wait3A_61 = tpu.memref_squeeze %dma_wait3A_60 : memref<1x128x128xf32, #tpu.memory_space<vmem>> -> memref<128x128xf32, #tpu.memory_space<vmem>>
    %dma_wait3A_62 = arith.constant 0 : i32
    %dma_wait3A_63 = arith.constant 0 : i32
    %dma_wait3A_64 = tpu.memref_slice %arg6[%dma_wait3A_62, %dma_wait3A_63] : memref<80000x128xf32, #tpu.memory_space<hbm>> -> memref<128x128xf32, #tpu.memory_space<hbm>>
    %dma_wait3A_65 = tpu.memref_slice %arg13[%dma_wait3A_57] : memref<2x!tpu.dma_semaphore, #tpu.memory_space<semaphore_mem>> -> memref<1x!tpu.dma_semaphore, #tpu.memory_space<semaphore_mem>>
    %dma_wait3A_66 = tpu.memref_squeeze %dma_wait3A_65 : memref<1x!tpu.dma_semaphore, #tpu.memory_space<semaphore_mem>> -> memref<!tpu.dma_semaphore, #tpu.memory_space<semaphore_mem>>
    %dma_wait3A_67 = arith.constant 0 : i32
    %dma_wait3A_68 = arith.constant 0 : i32
    %dma_wait3A_69 = tpu.memref_slice %arg6[%dma_wait3A_67, %dma_wait3A_68] : memref<80000x128xf32, #tpu.memory_space<hbm>> -> memref<128x128xf32, #tpu.memory_space<hbm>>
    %dma_wait3A_70 = arith.constant 0 : i32
    %dma_wait3A_71 = arith.constant 0 : i32
    %dma_wait3A_72 = tpu.memref_slice %arg10[%dma_wait3A_56, %dma_wait3A_70, %dma_wait3A_71] : memref<2x128x128xf32, #tpu.memory_space<vmem>> -> memref<1x128x128xf32, #tpu.memory_space<vmem>>
    %dma_wait3A_73 = tpu.memref_squeeze %dma_wait3A_72 : memref<1x128x128xf32, #tpu.memory_space<vmem>> -> memref<128x128xf32, #tpu.memory_space<vmem>>
    tpu.wait_dma2 semaphore(%dma_wait3A_66 : memref<!tpu.dma_semaphore, #tpu.memory_space<semaphore_mem>>) src(%dma_wait3A_73 : memref<128x128xf32, #tpu.memory_space<vmem>>) dst(%dma_wait3A_69 : memref<128x128xf32, #tpu.memory_space<hbm>>)
    %add3A_74 = arith.constant 608 : i32
    %add3A_75 = arith.addi %add3A, %add3A_74 : i32
    %lt3A = arith.constant 625 : i32
    %lt3A_76 = arith.cmpi slt, %add3A_75, %lt3A : i32
    %convert_element_type3A = arith.extui %lt3A_76 : i1 to i32
    %cond3A = arith.constant 0 : i32
    %cond3A_77 = arith.cmpi ne, %convert_element_type3A, %cond3A : i32
    scf.if %cond3A_77 {
      %dma_wait3A_78 = arith.constant 1 : i32
      %dma_wait3A_79 = arith.constant 1 : i32
      %dma_wait3A_80 = arith.constant 0 : i32
      %dma_wait3A_81 = arith.constant 0 : i32
      %dma_wait3A_82 = tpu.memref_slice %arg9[%dma_wait3A_78, %dma_wait3A_80, %dma_wait3A_81] : memref<2x128x128xf32, #tpu.memory_space<vmem>> -> memref<1x128x128xf32, #tpu.memory_space<vmem>>
      %dma_wait3A_83 = tpu.memref_squeeze %dma_wait3A_82 : memref<1x128x128xf32, #tpu.memory_space<vmem>> -> memref<128x128xf32, #tpu.memory_space<vmem>>
      %dma_wait3A_84 = arith.constant 0 : i32
      %dma_wait3A_85 = arith.constant 0 : i32
      %dma_wait3A_86 = tpu.memref_slice %arg5[%dma_wait3A_84, %dma_wait3A_85] : memref<80000x128xf32, #tpu.memory_space<hbm>> -> memref<128x128xf32, #tpu.memory_space<hbm>>
      %dma_wait3A_87 = tpu.memref_slice %arg13[%dma_wait3A_79] : memref<2x!tpu.dma_semaphore, #tpu.memory_space<semaphore_mem>> -> memref<1x!tpu.dma_semaphore, #tpu.memory_space<semaphore_mem>>
      %dma_wait3A_88 = tpu.memref_squeeze %dma_wait3A_87 : memref<1x!tpu.dma_semaphore, #tpu.memory_space<semaphore_mem>> -> memref<!tpu.dma_semaphore, #tpu.memory_space<semaphore_mem>>
      %dma_wait3A_89 = arith.constant 0 : i32
      %dma_wait3A_90 = arith.constant 0 : i32
      %dma_wait3A_91 = tpu.memref_slice %arg5[%dma_wait3A_89, %dma_wait3A_90] : memref<80000x128xf32, #tpu.memory_space<hbm>> -> memref<128x128xf32, #tpu.memory_space<hbm>>
      %dma_wait3A_92 = arith.constant 0 : i32
      %dma_wait3A_93 = arith.constant 0 : i32
      %dma_wait3A_94 = tpu.memref_slice %arg9[%dma_wait3A_78, %dma_wait3A_92, %dma_wait3A_93] : memref<2x128x128xf32, #tpu.memory_space<vmem>> -> memref<1x128x128xf32, #tpu.memory_space<vmem>>
      %dma_wait3A_95 = tpu.memref_squeeze %dma_wait3A_94 : memref<1x128x128xf32, #tpu.memory_space<vmem>> -> memref<128x128xf32, #tpu.memory_space<vmem>>
      tpu.wait_dma2 semaphore(%dma_wait3A_88 : memref<!tpu.dma_semaphore, #tpu.memory_space<semaphore_mem>>) src(%dma_wait3A_95 : memref<128x128xf32, #tpu.memory_space<vmem>>) dst(%dma_wait3A_91 : memref<128x128xf32, #tpu.memory_space<hbm>>)
      %dma_wait3A_96 = arith.constant 1 : i32
      %dma_wait3A_97 = arith.constant 1 : i32
      %dma_wait3A_98 = arith.constant 0 : i32
      %dma_wait3A_99 = arith.constant 0 : i32
      %dma_wait3A_100 = tpu.memref_slice %arg10[%dma_wait3A_96, %dma_wait3A_98, %dma_wait3A_99] : memref<2x128x128xf32, #tpu.memory_space<vmem>> -> memref<1x128x128xf32, #tpu.memory_space<vmem>>
      %dma_wait3A_101 = tpu.memref_squeeze %dma_wait3A_100 : memref<1x128x128xf32, #tpu.memory_space<vmem>> -> memref<128x128xf32, #tpu.memory_space<vmem>>
      %dma_wait3A_102 = arith.constant 0 : i32
      %dma_wait3A_103 = arith.constant 0 : i32
      %dma_wait3A_104 = tpu.memref_slice %arg6[%dma_wait3A_102, %dma_wait3A_103] : memref<80000x128xf32, #tpu.memory_space<hbm>> -> memref<128x128xf32, #tpu.memory_space<hbm>>
      %dma_wait3A_105 = tpu.memref_slice %arg13[%dma_wait3A_97] : memref<2x!tpu.dma_semaphore, #tpu.memory_space<semaphore_mem>> -> memref<1x!tpu.dma_semaphore, #tpu.memory_space<semaphore_mem>>
      %dma_wait3A_106 = tpu.memref_squeeze %dma_wait3A_105 : memref<1x!tpu.dma_semaphore, #tpu.memory_space<semaphore_mem>> -> memref<!tpu.dma_semaphore, #tpu.memory_space<semaphore_mem>>
      %dma_wait3A_107 = arith.constant 0 : i32
      %dma_wait3A_108 = arith.constant 0 : i32
      %dma_wait3A_109 = tpu.memref_slice %arg6[%dma_wait3A_107, %dma_wait3A_108] : memref<80000x128xf32, #tpu.memory_space<hbm>> -> memref<128x128xf32, #tpu.memory_space<hbm>>
      %dma_wait3A_110 = arith.constant 0 : i32
      %dma_wait3A_111 = arith.constant 0 : i32
      %dma_wait3A_112 = tpu.memref_slice %arg10[%dma_wait3A_96, %dma_wait3A_110, %dma_wait3A_111] : memref<2x128x128xf32, #tpu.memory_space<vmem>> -> memref<1x128x128xf32, #tpu.memory_space<vmem>>
      %dma_wait3A_113 = tpu.memref_squeeze %dma_wait3A_112 : memref<1x128x128xf32, #tpu.memory_space<vmem>> -> memref<128x128xf32, #tpu.memory_space<vmem>>
      tpu.wait_dma2 semaphore(%dma_wait3A_106 : memref<!tpu.dma_semaphore, #tpu.memory_space<semaphore_mem>>) src(%dma_wait3A_113 : memref<128x128xf32, #tpu.memory_space<vmem>>) dst(%dma_wait3A_109 : memref<128x128xf32, #tpu.memory_space<hbm>>)
    } else {
    }
    return
  }
}

module attributes {stable_mosaic.version = 14 : i64} {
  func.func @_msg_body(%arg0: i32, %arg1: memref<4000x128xf32, #tpu.memory_space<vmem>>, %arg2: memref<4000x128xf32, #tpu.memory_space<vmem>>, %arg3: memref<4000x16xbf16, #tpu.memory_space<vmem>>, %arg4: memref<4000x4xf32, #tpu.memory_space<vmem>>, %arg5: memref<128x512xbf16, #tpu.memory_space<vmem>>, %arg6: memref<128x512xbf16, #tpu.memory_space<vmem>>, %arg7: memref<16x512xbf16, #tpu.memory_space<vmem>>, %arg8: memref<128xf32, #tpu.memory_space<vmem>>, %arg9: memref<128x512xbf16, #tpu.memory_space<vmem>>, %arg10: memref<128xf32, #tpu.memory_space<vmem>>, %arg11: memref<4000x128xf32, #tpu.memory_space<vmem>>) attributes {dimension_semantics = [#tpu.dimension_semantics<arbitrary>], iteration_bounds = array<i64: 20>, scalar_prefetch = 0 : i64, scratch_operands = 0 : i64, tpu.core_type = #tpu.core_type<tc>, window_params = [{transform_indices = @transform_0, window_bounds = array<i64: 4000, 128>}, {transform_indices = @transform_1, window_bounds = array<i64: 4000, 128>}, {transform_indices = @transform_2, window_bounds = array<i64: 4000, 16>}, {transform_indices = @transform_3, window_bounds = array<i64: 4000, 4>}, {pipeline_mode = #tpu.pipeline_mode<synchronous>, transform_indices = @transform_4, window_bounds = array<i64: 128, 512>}, {pipeline_mode = #tpu.pipeline_mode<synchronous>, transform_indices = @transform_5, window_bounds = array<i64: 128, 512>}, {pipeline_mode = #tpu.pipeline_mode<synchronous>, transform_indices = @transform_6, window_bounds = array<i64: 16, 512>}, {pipeline_mode = #tpu.pipeline_mode<synchronous>, transform_indices = @transform_7, window_bounds = array<i64: 128>}, {pipeline_mode = #tpu.pipeline_mode<synchronous>, transform_indices = @transform_8, window_bounds = array<i64: 128, 512>}, {pipeline_mode = #tpu.pipeline_mode<synchronous>, transform_indices = @transform_9, window_bounds = array<i64: 128>}, {transform_indices = @transform_10, window_bounds = array<i64: 4000, 128>}]} {
    %get3A = arith.constant 0 : index
    %get3A_0 = arith.constant 0 : index
    %get3A_1 = vector.load %arg1[%get3A, %get3A_0] : memref<4000x128xf32, #tpu.memory_space<vmem>>, vector<4000x128xf32>
    %convert_element_type3A = arith.truncf %get3A_1 : vector<4000x128xf32> to vector<4000x128xbf16>
    %get3A_2 = arith.constant 0 : index
    %get3A_3 = arith.constant 0 : index
    %get3A_4 = vector.load %arg5[%get3A_2, %get3A_3] : memref<128x512xbf16, #tpu.memory_space<vmem>>, vector<128x512xbf16>
    %dot_general3A = arith.constant dense<0.000000e+00> : vector<4000x512xf32>
    %dot_general3A_5 = tpu.matmul %convert_element_type3A, %get3A_4, %dot_general3A {dimension_numbers = #tpu.dot_dimension_numbers<[1], [0], [0], [1], [0, 0, 1, 1], [], []>, transpose_lhs_hint = false} : vector<4000x128xbf16>, vector<128x512xbf16>, vector<4000x512xf32> -> vector<4000x512xf32>
    %get3A_6 = arith.constant 0 : index
    %get3A_7 = arith.constant 0 : index
    %get3A_8 = vector.load %arg2[%get3A_6, %get3A_7] : memref<4000x128xf32, #tpu.memory_space<vmem>>, vector<4000x128xf32>
    %convert_element_type3A_9 = arith.truncf %get3A_8 : vector<4000x128xf32> to vector<4000x128xbf16>
    %get3A_10 = arith.constant 0 : index
    %get3A_11 = arith.constant 0 : index
    %get3A_12 = vector.load %arg6[%get3A_10, %get3A_11] : memref<128x512xbf16, #tpu.memory_space<vmem>>, vector<128x512xbf16>
    %dot_general3A_13 = arith.constant dense<0.000000e+00> : vector<4000x512xf32>
    %dot_general3A_14 = tpu.matmul %convert_element_type3A_9, %get3A_12, %dot_general3A_13 {dimension_numbers = #tpu.dot_dimension_numbers<[1], [0], [0], [1], [0, 0, 1, 1], [], []>, transpose_lhs_hint = false} : vector<4000x128xbf16>, vector<128x512xbf16>, vector<4000x512xf32> -> vector<4000x512xf32>
    %add3A = arith.addf %dot_general3A_5, %dot_general3A_14 : vector<4000x512xf32>
    %get3A_15 = arith.constant 0 : index
    %get3A_16 = arith.constant 0 : index
    %get3A_17 = vector.load %arg3[%get3A_15, %get3A_16] : memref<4000x16xbf16, #tpu.memory_space<vmem>>, vector<4000x16xbf16>
    %get3A_18 = arith.constant 0 : index
    %get3A_19 = arith.constant 0 : index
    %get3A_20 = vector.load %arg7[%get3A_18, %get3A_19] : memref<16x512xbf16, #tpu.memory_space<vmem>>, vector<16x512xbf16>
    %dot_general3A_21 = arith.constant dense<0.000000e+00> : vector<4000x512xf32>
    %dot_general3A_22 = tpu.matmul %get3A_17, %get3A_20, %dot_general3A_21 {dimension_numbers = #tpu.dot_dimension_numbers<[1], [0], [0], [1], [0, 0, 1, 1], [], []>, transpose_lhs_hint = false} : vector<4000x16xbf16>, vector<16x512xbf16>, vector<4000x512xf32> -> vector<4000x512xf32>
    %add3A_23 = arith.addf %add3A, %dot_general3A_22 : vector<4000x512xf32>
    %get3A_24 = arith.constant 0 : index
    %get3A_25 = arith.constant 0 : index
    %get3A_26 = vector.load %arg4[%get3A_24, %get3A_25] : memref<4000x4xf32, #tpu.memory_space<vmem>>, vector<4000x4xf32>
    %get3A_27 = arith.constant 0 : index
    %get3A_28 = vector.load %arg8[%get3A_27] : memref<128xf32, #tpu.memory_space<vmem>>, vector<128xf32>
    %slice3A = vector.extract_strided_slice %add3A_23 {offsets = [0, 0], sizes = [4000, 128], strides = [1, 1]} : vector<4000x512xf32> to vector<4000x128xf32>
    %slice3A_29 = vector.extract_strided_slice %get3A_26 {offsets = [0, 0], sizes = [4000, 1], strides = [1, 1]} : vector<4000x4xf32> to vector<4000x1xf32>
    %mul3A = vector.broadcast %slice3A_29 : vector<4000x1xf32> to vector<4000x128xf32>
    %mul3A_30 = arith.mulf %slice3A, %mul3A : vector<4000x128xf32>
    %broadcast_in_dim3A = vector.shape_cast %get3A_28 : vector<128xf32> to vector<1x128xf32>
    %add3A_31 = vector.broadcast %broadcast_in_dim3A : vector<1x128xf32> to vector<4000x128xf32>
    %add3A_32 = arith.addf %add3A_31, %mul3A_30 : vector<4000x128xf32>
    %slice3A_33 = vector.extract_strided_slice %add3A_23 {offsets = [0, 128], sizes = [4000, 128], strides = [1, 1]} : vector<4000x512xf32> to vector<4000x128xf32>
    %slice3A_34 = vector.extract_strided_slice %get3A_26 {offsets = [0, 1], sizes = [4000, 1], strides = [1, 1]} : vector<4000x4xf32> to vector<4000x1xf32>
    %mul3A_35 = vector.broadcast %slice3A_34 : vector<4000x1xf32> to vector<4000x128xf32>
    %mul3A_36 = arith.mulf %slice3A_33, %mul3A_35 : vector<4000x128xf32>
    %add3A_37 = arith.addf %add3A_32, %mul3A_36 : vector<4000x128xf32>
    %slice3A_38 = vector.extract_strided_slice %add3A_23 {offsets = [0, 256], sizes = [4000, 128], strides = [1, 1]} : vector<4000x512xf32> to vector<4000x128xf32>
    %slice3A_39 = vector.extract_strided_slice %get3A_26 {offsets = [0, 2], sizes = [4000, 1], strides = [1, 1]} : vector<4000x4xf32> to vector<4000x1xf32>
    %mul3A_40 = vector.broadcast %slice3A_39 : vector<4000x1xf32> to vector<4000x128xf32>
    %mul3A_41 = arith.mulf %slice3A_38, %mul3A_40 : vector<4000x128xf32>
    %add3A_42 = arith.addf %add3A_37, %mul3A_41 : vector<4000x128xf32>
    %slice3A_43 = vector.extract_strided_slice %add3A_23 {offsets = [0, 384], sizes = [4000, 128], strides = [1, 1]} : vector<4000x512xf32> to vector<4000x128xf32>
    %slice3A_44 = vector.extract_strided_slice %get3A_26 {offsets = [0, 3], sizes = [4000, 1], strides = [1, 1]} : vector<4000x4xf32> to vector<4000x1xf32>
    %mul3A_45 = vector.broadcast %slice3A_44 : vector<4000x1xf32> to vector<4000x128xf32>
    %mul3A_46 = arith.mulf %slice3A_43, %mul3A_45 : vector<4000x128xf32>
    %add3A_47 = arith.addf %add3A_42, %mul3A_46 : vector<4000x128xf32>
    %neg3A = arith.constant 0.000000e+00 : f32
    %neg3A_48 = vector.broadcast %neg3A : f32 to vector<4000x128xf32>
    %neg3A_49 = arith.subf %neg3A_48, %add3A_47 : vector<4000x128xf32>
    %exp3A = math.exp %neg3A_49 : vector<4000x128xf32>
    %add3A_50 = arith.constant 1.000000e+00 : f32
    %add3A_51 = vector.broadcast %add3A_50 : f32 to vector<4000x128xf32>
    %add3A_52 = arith.addf %add3A_51, %exp3A : vector<4000x128xf32>
    %div3A = arith.divf %add3A_47, %add3A_52 : vector<4000x128xf32>
    %convert_element_type3A_53 = arith.truncf %div3A : vector<4000x128xf32> to vector<4000x128xbf16>
    %get3A_54 = arith.constant 0 : index
    %get3A_55 = arith.constant 0 : index
    %get3A_56 = vector.load %arg9[%get3A_54, %get3A_55] : memref<128x512xbf16, #tpu.memory_space<vmem>>, vector<128x512xbf16>
    %dot_general3A_57 = arith.constant dense<0.000000e+00> : vector<4000x512xf32>
    %dot_general3A_58 = tpu.matmul %convert_element_type3A_53, %get3A_56, %dot_general3A_57 {dimension_numbers = #tpu.dot_dimension_numbers<[1], [0], [0], [1], [0, 0, 1, 1], [], []>, transpose_lhs_hint = false} : vector<4000x128xbf16>, vector<128x512xbf16>, vector<4000x512xf32> -> vector<4000x512xf32>
    %get3A_59 = arith.constant 0 : index
    %get3A_60 = arith.constant 0 : index
    %get3A_61 = vector.load %arg4[%get3A_59, %get3A_60] : memref<4000x4xf32, #tpu.memory_space<vmem>>, vector<4000x4xf32>
    %get3A_62 = arith.constant 0 : index
    %get3A_63 = vector.load %arg10[%get3A_62] : memref<128xf32, #tpu.memory_space<vmem>>, vector<128xf32>
    %slice3A_64 = vector.extract_strided_slice %dot_general3A_58 {offsets = [0, 0], sizes = [4000, 128], strides = [1, 1]} : vector<4000x512xf32> to vector<4000x128xf32>
    %slice3A_65 = vector.extract_strided_slice %get3A_61 {offsets = [0, 0], sizes = [4000, 1], strides = [1, 1]} : vector<4000x4xf32> to vector<4000x1xf32>
    %mul3A_66 = vector.broadcast %slice3A_65 : vector<4000x1xf32> to vector<4000x128xf32>
    %mul3A_67 = arith.mulf %slice3A_64, %mul3A_66 : vector<4000x128xf32>
    %broadcast_in_dim3A_68 = vector.shape_cast %get3A_63 : vector<128xf32> to vector<1x128xf32>
    %add3A_69 = vector.broadcast %broadcast_in_dim3A_68 : vector<1x128xf32> to vector<4000x128xf32>
    %add3A_70 = arith.addf %add3A_69, %mul3A_67 : vector<4000x128xf32>
    %slice3A_71 = vector.extract_strided_slice %dot_general3A_58 {offsets = [0, 128], sizes = [4000, 128], strides = [1, 1]} : vector<4000x512xf32> to vector<4000x128xf32>
    %slice3A_72 = vector.extract_strided_slice %get3A_61 {offsets = [0, 1], sizes = [4000, 1], strides = [1, 1]} : vector<4000x4xf32> to vector<4000x1xf32>
    %mul3A_73 = vector.broadcast %slice3A_72 : vector<4000x1xf32> to vector<4000x128xf32>
    %mul3A_74 = arith.mulf %slice3A_71, %mul3A_73 : vector<4000x128xf32>
    %add3A_75 = arith.addf %add3A_70, %mul3A_74 : vector<4000x128xf32>
    %slice3A_76 = vector.extract_strided_slice %dot_general3A_58 {offsets = [0, 256], sizes = [4000, 128], strides = [1, 1]} : vector<4000x512xf32> to vector<4000x128xf32>
    %slice3A_77 = vector.extract_strided_slice %get3A_61 {offsets = [0, 2], sizes = [4000, 1], strides = [1, 1]} : vector<4000x4xf32> to vector<4000x1xf32>
    %mul3A_78 = vector.broadcast %slice3A_77 : vector<4000x1xf32> to vector<4000x128xf32>
    %mul3A_79 = arith.mulf %slice3A_76, %mul3A_78 : vector<4000x128xf32>
    %add3A_80 = arith.addf %add3A_75, %mul3A_79 : vector<4000x128xf32>
    %slice3A_81 = vector.extract_strided_slice %dot_general3A_58 {offsets = [0, 384], sizes = [4000, 128], strides = [1, 1]} : vector<4000x512xf32> to vector<4000x128xf32>
    %slice3A_82 = vector.extract_strided_slice %get3A_61 {offsets = [0, 3], sizes = [4000, 1], strides = [1, 1]} : vector<4000x4xf32> to vector<4000x1xf32>
    %mul3A_83 = vector.broadcast %slice3A_82 : vector<4000x1xf32> to vector<4000x128xf32>
    %mul3A_84 = arith.mulf %slice3A_81, %mul3A_83 : vector<4000x128xf32>
    %add3A_85 = arith.addf %add3A_80, %mul3A_84 : vector<4000x128xf32>
    %neg3A_86 = arith.constant 0.000000e+00 : f32
    %neg3A_87 = vector.broadcast %neg3A_86 : f32 to vector<4000x128xf32>
    %neg3A_88 = arith.subf %neg3A_87, %add3A_85 : vector<4000x128xf32>
    %exp3A_89 = math.exp %neg3A_88 : vector<4000x128xf32>
    %add3A_90 = arith.constant 1.000000e+00 : f32
    %add3A_91 = vector.broadcast %add3A_90 : f32 to vector<4000x128xf32>
    %add3A_92 = arith.addf %add3A_91, %exp3A_89 : vector<4000x128xf32>
    %div3A_93 = arith.divf %add3A_85, %add3A_92 : vector<4000x128xf32>
    %swap3A = arith.constant 0 : index
    %swap3A_94 = arith.constant 0 : index
    %swap3A_95 = vector.load %arg11[%swap3A, %swap3A_94] : memref<4000x128xf32, #tpu.memory_space<vmem>>, vector<4000x128xf32>
    tpu.vector_store %arg11[%swap3A, %swap3A_94], %div3A_93 {strides = array<i32>} : memref<4000x128xf32, #tpu.memory_space<vmem>>, vector<4000x128xf32>,
    return
  }
  func.func @transform_0(%arg0: i32) -> (i32, i32) {
    %c0_i32 = arith.constant 0 : i32
    %c0_i32_0 = arith.constant 0 : i32
    return %arg0, %c0_i32 : i32, i32
  }
  func.func @transform_1(%arg0: i32) -> (i32, i32) {
    %c0_i32 = arith.constant 0 : i32
    %c0_i32_0 = arith.constant 0 : i32
    return %arg0, %c0_i32 : i32, i32
  }
  func.func @transform_2(%arg0: i32) -> (i32, i32) {
    %add3A = arith.constant 20 : i32
    %add3A_0 = arith.addi %arg0, %add3A : i32
    %c0_i32 = arith.constant 0 : i32
    %c0_i32_1 = arith.constant 0 : i32
    return %add3A_0, %c0_i32 : i32, i32
  }
  func.func @transform_3(%arg0: i32) -> (i32, i32) {
    %add3A = arith.constant 20 : i32
    %add3A_0 = arith.addi %arg0, %add3A : i32
    %c0_i32 = arith.constant 0 : i32
    %c0_i32_1 = arith.constant 0 : i32
    return %add3A_0, %c0_i32 : i32, i32
  }
  func.func @transform_4(%arg0: i32) -> (i32, i32) {
    %c0_i32 = arith.constant 0 : i32
    %c0_i32_0 = arith.constant 0 : i32
    %c0_i32_1 = arith.constant 0 : i32
    return %c0_i32, %c0_i32_0 : i32, i32
  }
  func.func @transform_5(%arg0: i32) -> (i32, i32) {
    %c0_i32 = arith.constant 0 : i32
    %c0_i32_0 = arith.constant 0 : i32
    %c0_i32_1 = arith.constant 0 : i32
    return %c0_i32, %c0_i32_0 : i32, i32
  }
  func.func @transform_6(%arg0: i32) -> (i32, i32) {
    %c0_i32 = arith.constant 0 : i32
    %c0_i32_0 = arith.constant 0 : i32
    %c0_i32_1 = arith.constant 0 : i32
    return %c0_i32, %c0_i32_0 : i32, i32
  }
  func.func @transform_7(%arg0: i32) -> i32 {
    %c0_i32 = arith.constant 0 : i32
    %c0_i32_0 = arith.constant 0 : i32
    return %c0_i32 : i32
  }
  func.func @transform_8(%arg0: i32) -> (i32, i32) {
    %c0_i32 = arith.constant 0 : i32
    %c0_i32_0 = arith.constant 0 : i32
    %c0_i32_1 = arith.constant 0 : i32
    return %c0_i32, %c0_i32_0 : i32, i32
  }
  func.func @transform_9(%arg0: i32) -> i32 {
    %c0_i32 = arith.constant 0 : i32
    %c0_i32_0 = arith.constant 0 : i32
    return %c0_i32 : i32
  }
  func.func @transform_10(%arg0: i32) -> (i32, i32) {
    %c0_i32 = arith.constant 0 : i32
    %c0_i32_0 = arith.constant 0 : i32
    return %arg0, %c0_i32 : i32, i32
  }
}

module attributes {stable_mosaic.version = 14 : i64} {
  func.func @_msg_body(%arg0: i32, %arg1: memref<4000x128xf32, #tpu.memory_space<vmem>>, %arg2: memref<4000x128xf32, #tpu.memory_space<vmem>>, %arg3: memref<4000x16xbf16, #tpu.memory_space<vmem>>, %arg4: memref<4000x4xf32, #tpu.memory_space<vmem>>, %arg5: memref<128x512xbf16, #tpu.memory_space<vmem>>, %arg6: memref<128x512xbf16, #tpu.memory_space<vmem>>, %arg7: memref<16x512xbf16, #tpu.memory_space<vmem>>, %arg8: memref<128xf32, #tpu.memory_space<vmem>>, %arg9: memref<128x512xbf16, #tpu.memory_space<vmem>>, %arg10: memref<128xf32, #tpu.memory_space<vmem>>, %arg11: memref<4000x128xf32, #tpu.memory_space<vmem>>) attributes {dimension_semantics = [#tpu.dimension_semantics<arbitrary>], iteration_bounds = array<i64: 20>, scalar_prefetch = 0 : i64, scratch_operands = 0 : i64, tpu.core_type = #tpu.core_type<tc>, window_params = [{transform_indices = @transform_0, window_bounds = array<i64: 4000, 128>}, {transform_indices = @transform_1, window_bounds = array<i64: 4000, 128>}, {transform_indices = @transform_2, window_bounds = array<i64: 4000, 16>}, {transform_indices = @transform_3, window_bounds = array<i64: 4000, 4>}, {pipeline_mode = #tpu.pipeline_mode<synchronous>, transform_indices = @transform_4, window_bounds = array<i64: 128, 512>}, {pipeline_mode = #tpu.pipeline_mode<synchronous>, transform_indices = @transform_5, window_bounds = array<i64: 128, 512>}, {pipeline_mode = #tpu.pipeline_mode<synchronous>, transform_indices = @transform_6, window_bounds = array<i64: 16, 512>}, {pipeline_mode = #tpu.pipeline_mode<synchronous>, transform_indices = @transform_7, window_bounds = array<i64: 128>}, {pipeline_mode = #tpu.pipeline_mode<synchronous>, transform_indices = @transform_8, window_bounds = array<i64: 128, 512>}, {pipeline_mode = #tpu.pipeline_mode<synchronous>, transform_indices = @transform_9, window_bounds = array<i64: 128>}, {transform_indices = @transform_10, window_bounds = array<i64: 4000, 128>}]} {
    %get3A = arith.constant 0 : index
    %get3A_0 = arith.constant 0 : index
    %get3A_1 = vector.load %arg1[%get3A, %get3A_0] : memref<4000x128xf32, #tpu.memory_space<vmem>>, vector<4000x128xf32>
    %convert_element_type3A = arith.truncf %get3A_1 : vector<4000x128xf32> to vector<4000x128xbf16>
    %get3A_2 = arith.constant 0 : index
    %get3A_3 = arith.constant 0 : index
    %get3A_4 = vector.load %arg5[%get3A_2, %get3A_3] : memref<128x512xbf16, #tpu.memory_space<vmem>>, vector<128x512xbf16>
    %dot_general3A = arith.constant dense<0.000000e+00> : vector<4000x512xf32>
    %dot_general3A_5 = tpu.matmul %convert_element_type3A, %get3A_4, %dot_general3A {dimension_numbers = #tpu.dot_dimension_numbers<[1], [0], [0], [1], [0, 0, 1, 1], [], []>, transpose_lhs_hint = false} : vector<4000x128xbf16>, vector<128x512xbf16>, vector<4000x512xf32> -> vector<4000x512xf32>
    %get3A_6 = arith.constant 0 : index
    %get3A_7 = arith.constant 0 : index
    %get3A_8 = vector.load %arg2[%get3A_6, %get3A_7] : memref<4000x128xf32, #tpu.memory_space<vmem>>, vector<4000x128xf32>
    %convert_element_type3A_9 = arith.truncf %get3A_8 : vector<4000x128xf32> to vector<4000x128xbf16>
    %get3A_10 = arith.constant 0 : index
    %get3A_11 = arith.constant 0 : index
    %get3A_12 = vector.load %arg6[%get3A_10, %get3A_11] : memref<128x512xbf16, #tpu.memory_space<vmem>>, vector<128x512xbf16>
    %dot_general3A_13 = arith.constant dense<0.000000e+00> : vector<4000x512xf32>
    %dot_general3A_14 = tpu.matmul %convert_element_type3A_9, %get3A_12, %dot_general3A_13 {dimension_numbers = #tpu.dot_dimension_numbers<[1], [0], [0], [1], [0, 0, 1, 1], [], []>, transpose_lhs_hint = false} : vector<4000x128xbf16>, vector<128x512xbf16>, vector<4000x512xf32> -> vector<4000x512xf32>
    %add3A = arith.addf %dot_general3A_5, %dot_general3A_14 : vector<4000x512xf32>
    %get3A_15 = arith.constant 0 : index
    %get3A_16 = arith.constant 0 : index
    %get3A_17 = vector.load %arg3[%get3A_15, %get3A_16] : memref<4000x16xbf16, #tpu.memory_space<vmem>>, vector<4000x16xbf16>
    %get3A_18 = arith.constant 0 : index
    %get3A_19 = arith.constant 0 : index
    %get3A_20 = vector.load %arg7[%get3A_18, %get3A_19] : memref<16x512xbf16, #tpu.memory_space<vmem>>, vector<16x512xbf16>
    %dot_general3A_21 = arith.constant dense<0.000000e+00> : vector<4000x512xf32>
    %dot_general3A_22 = tpu.matmul %get3A_17, %get3A_20, %dot_general3A_21 {dimension_numbers = #tpu.dot_dimension_numbers<[1], [0], [0], [1], [0, 0, 1, 1], [], []>, transpose_lhs_hint = false} : vector<4000x16xbf16>, vector<16x512xbf16>, vector<4000x512xf32> -> vector<4000x512xf32>
    %add3A_23 = arith.addf %add3A, %dot_general3A_22 : vector<4000x512xf32>
    %get3A_24 = arith.constant 0 : index
    %get3A_25 = arith.constant 0 : index
    %get3A_26 = vector.load %arg4[%get3A_24, %get3A_25] : memref<4000x4xf32, #tpu.memory_space<vmem>>, vector<4000x4xf32>
    %get3A_27 = arith.constant 0 : index
    %get3A_28 = vector.load %arg8[%get3A_27] : memref<128xf32, #tpu.memory_space<vmem>>, vector<128xf32>
    %slice3A = vector.extract_strided_slice %add3A_23 {offsets = [0, 0], sizes = [4000, 128], strides = [1, 1]} : vector<4000x512xf32> to vector<4000x128xf32>
    %slice3A_29 = vector.extract_strided_slice %get3A_26 {offsets = [0, 0], sizes = [4000, 1], strides = [1, 1]} : vector<4000x4xf32> to vector<4000x1xf32>
    %mul3A = vector.broadcast %slice3A_29 : vector<4000x1xf32> to vector<4000x128xf32>
    %mul3A_30 = arith.mulf %slice3A, %mul3A : vector<4000x128xf32>
    %broadcast_in_dim3A = vector.shape_cast %get3A_28 : vector<128xf32> to vector<1x128xf32>
    %add3A_31 = vector.broadcast %broadcast_in_dim3A : vector<1x128xf32> to vector<4000x128xf32>
    %add3A_32 = arith.addf %add3A_31, %mul3A_30 : vector<4000x128xf32>
    %slice3A_33 = vector.extract_strided_slice %add3A_23 {offsets = [0, 128], sizes = [4000, 128], strides = [1, 1]} : vector<4000x512xf32> to vector<4000x128xf32>
    %slice3A_34 = vector.extract_strided_slice %get3A_26 {offsets = [0, 1], sizes = [4000, 1], strides = [1, 1]} : vector<4000x4xf32> to vector<4000x1xf32>
    %mul3A_35 = vector.broadcast %slice3A_34 : vector<4000x1xf32> to vector<4000x128xf32>
    %mul3A_36 = arith.mulf %slice3A_33, %mul3A_35 : vector<4000x128xf32>
    %add3A_37 = arith.addf %add3A_32, %mul3A_36 : vector<4000x128xf32>
    %slice3A_38 = vector.extract_strided_slice %add3A_23 {offsets = [0, 256], sizes = [4000, 128], strides = [1, 1]} : vector<4000x512xf32> to vector<4000x128xf32>
    %slice3A_39 = vector.extract_strided_slice %get3A_26 {offsets = [0, 2], sizes = [4000, 1], strides = [1, 1]} : vector<4000x4xf32> to vector<4000x1xf32>
    %mul3A_40 = vector.broadcast %slice3A_39 : vector<4000x1xf32> to vector<4000x128xf32>
    %mul3A_41 = arith.mulf %slice3A_38, %mul3A_40 : vector<4000x128xf32>
    %add3A_42 = arith.addf %add3A_37, %mul3A_41 : vector<4000x128xf32>
    %slice3A_43 = vector.extract_strided_slice %add3A_23 {offsets = [0, 384], sizes = [4000, 128], strides = [1, 1]} : vector<4000x512xf32> to vector<4000x128xf32>
    %slice3A_44 = vector.extract_strided_slice %get3A_26 {offsets = [0, 3], sizes = [4000, 1], strides = [1, 1]} : vector<4000x4xf32> to vector<4000x1xf32>
    %mul3A_45 = vector.broadcast %slice3A_44 : vector<4000x1xf32> to vector<4000x128xf32>
    %mul3A_46 = arith.mulf %slice3A_43, %mul3A_45 : vector<4000x128xf32>
    %add3A_47 = arith.addf %add3A_42, %mul3A_46 : vector<4000x128xf32>
    %neg3A = arith.constant 0.000000e+00 : f32
    %neg3A_48 = vector.broadcast %neg3A : f32 to vector<4000x128xf32>
    %neg3A_49 = arith.subf %neg3A_48, %add3A_47 : vector<4000x128xf32>
    %exp3A = math.exp %neg3A_49 : vector<4000x128xf32>
    %add3A_50 = arith.constant 1.000000e+00 : f32
    %add3A_51 = vector.broadcast %add3A_50 : f32 to vector<4000x128xf32>
    %add3A_52 = arith.addf %add3A_51, %exp3A : vector<4000x128xf32>
    %div3A = arith.divf %add3A_47, %add3A_52 : vector<4000x128xf32>
    %convert_element_type3A_53 = arith.truncf %div3A : vector<4000x128xf32> to vector<4000x128xbf16>
    %get3A_54 = arith.constant 0 : index
    %get3A_55 = arith.constant 0 : index
    %get3A_56 = vector.load %arg9[%get3A_54, %get3A_55] : memref<128x512xbf16, #tpu.memory_space<vmem>>, vector<128x512xbf16>
    %dot_general3A_57 = arith.constant dense<0.000000e+00> : vector<4000x512xf32>
    %dot_general3A_58 = tpu.matmul %convert_element_type3A_53, %get3A_56, %dot_general3A_57 {dimension_numbers = #tpu.dot_dimension_numbers<[1], [0], [0], [1], [0, 0, 1, 1], [], []>, transpose_lhs_hint = false} : vector<4000x128xbf16>, vector<128x512xbf16>, vector<4000x512xf32> -> vector<4000x512xf32>
    %get3A_59 = arith.constant 0 : index
    %get3A_60 = arith.constant 0 : index
    %get3A_61 = vector.load %arg4[%get3A_59, %get3A_60] : memref<4000x4xf32, #tpu.memory_space<vmem>>, vector<4000x4xf32>
    %get3A_62 = arith.constant 0 : index
    %get3A_63 = vector.load %arg10[%get3A_62] : memref<128xf32, #tpu.memory_space<vmem>>, vector<128xf32>
    %slice3A_64 = vector.extract_strided_slice %dot_general3A_58 {offsets = [0, 0], sizes = [4000, 128], strides = [1, 1]} : vector<4000x512xf32> to vector<4000x128xf32>
    %slice3A_65 = vector.extract_strided_slice %get3A_61 {offsets = [0, 0], sizes = [4000, 1], strides = [1, 1]} : vector<4000x4xf32> to vector<4000x1xf32>
    %mul3A_66 = vector.broadcast %slice3A_65 : vector<4000x1xf32> to vector<4000x128xf32>
    %mul3A_67 = arith.mulf %slice3A_64, %mul3A_66 : vector<4000x128xf32>
    %broadcast_in_dim3A_68 = vector.shape_cast %get3A_63 : vector<128xf32> to vector<1x128xf32>
    %add3A_69 = vector.broadcast %broadcast_in_dim3A_68 : vector<1x128xf32> to vector<4000x128xf32>
    %add3A_70 = arith.addf %add3A_69, %mul3A_67 : vector<4000x128xf32>
    %slice3A_71 = vector.extract_strided_slice %dot_general3A_58 {offsets = [0, 128], sizes = [4000, 128], strides = [1, 1]} : vector<4000x512xf32> to vector<4000x128xf32>
    %slice3A_72 = vector.extract_strided_slice %get3A_61 {offsets = [0, 1], sizes = [4000, 1], strides = [1, 1]} : vector<4000x4xf32> to vector<4000x1xf32>
    %mul3A_73 = vector.broadcast %slice3A_72 : vector<4000x1xf32> to vector<4000x128xf32>
    %mul3A_74 = arith.mulf %slice3A_71, %mul3A_73 : vector<4000x128xf32>
    %add3A_75 = arith.addf %add3A_70, %mul3A_74 : vector<4000x128xf32>
    %slice3A_76 = vector.extract_strided_slice %dot_general3A_58 {offsets = [0, 256], sizes = [4000, 128], strides = [1, 1]} : vector<4000x512xf32> to vector<4000x128xf32>
    %slice3A_77 = vector.extract_strided_slice %get3A_61 {offsets = [0, 2], sizes = [4000, 1], strides = [1, 1]} : vector<4000x4xf32> to vector<4000x1xf32>
    %mul3A_78 = vector.broadcast %slice3A_77 : vector<4000x1xf32> to vector<4000x128xf32>
    %mul3A_79 = arith.mulf %slice3A_76, %mul3A_78 : vector<4000x128xf32>
    %add3A_80 = arith.addf %add3A_75, %mul3A_79 : vector<4000x128xf32>
    %slice3A_81 = vector.extract_strided_slice %dot_general3A_58 {offsets = [0, 384], sizes = [4000, 128], strides = [1, 1]} : vector<4000x512xf32> to vector<4000x128xf32>
    %slice3A_82 = vector.extract_strided_slice %get3A_61 {offsets = [0, 3], sizes = [4000, 1], strides = [1, 1]} : vector<4000x4xf32> to vector<4000x1xf32>
    %mul3A_83 = vector.broadcast %slice3A_82 : vector<4000x1xf32> to vector<4000x128xf32>
    %mul3A_84 = arith.mulf %slice3A_81, %mul3A_83 : vector<4000x128xf32>
    %add3A_85 = arith.addf %add3A_80, %mul3A_84 : vector<4000x128xf32>
    %neg3A_86 = arith.constant 0.000000e+00 : f32
    %neg3A_87 = vector.broadcast %neg3A_86 : f32 to vector<4000x128xf32>
    %neg3A_88 = arith.subf %neg3A_87, %add3A_85 : vector<4000x128xf32>
    %exp3A_89 = math.exp %neg3A_88 : vector<4000x128xf32>
    %add3A_90 = arith.constant 1.000000e+00 : f32
    %add3A_91 = vector.broadcast %add3A_90 : f32 to vector<4000x128xf32>
    %add3A_92 = arith.addf %add3A_91, %exp3A_89 : vector<4000x128xf32>
    %div3A_93 = arith.divf %add3A_85, %add3A_92 : vector<4000x128xf32>
    %swap3A = arith.constant 0 : index
    %swap3A_94 = arith.constant 0 : index
    %swap3A_95 = vector.load %arg11[%swap3A, %swap3A_94] : memref<4000x128xf32, #tpu.memory_space<vmem>>, vector<4000x128xf32>
    tpu.vector_store %arg11[%swap3A, %swap3A_94], %div3A_93 {strides = array<i32>} : memref<4000x128xf32, #tpu.memory_space<vmem>>, vector<4000x128xf32>,
    return
  }
  func.func @transform_0(%arg0: i32) -> (i32, i32) {
    %c0_i32 = arith.constant 0 : i32
    %c0_i32_0 = arith.constant 0 : i32
    return %arg0, %c0_i32 : i32, i32
  }
  func.func @transform_1(%arg0: i32) -> (i32, i32) {
    %c0_i32 = arith.constant 0 : i32
    %c0_i32_0 = arith.constant 0 : i32
    return %arg0, %c0_i32 : i32, i32
  }
  func.func @transform_2(%arg0: i32) -> (i32, i32) {
    %add3A = arith.constant 0 : i32
    %add3A_0 = arith.addi %arg0, %add3A : i32
    %c0_i32 = arith.constant 0 : i32
    %c0_i32_1 = arith.constant 0 : i32
    return %add3A_0, %c0_i32 : i32, i32
  }
  func.func @transform_3(%arg0: i32) -> (i32, i32) {
    %add3A = arith.constant 0 : i32
    %add3A_0 = arith.addi %arg0, %add3A : i32
    %c0_i32 = arith.constant 0 : i32
    %c0_i32_1 = arith.constant 0 : i32
    return %add3A_0, %c0_i32 : i32, i32
  }
  func.func @transform_4(%arg0: i32) -> (i32, i32) {
    %c0_i32 = arith.constant 0 : i32
    %c0_i32_0 = arith.constant 0 : i32
    %c0_i32_1 = arith.constant 0 : i32
    return %c0_i32, %c0_i32_0 : i32, i32
  }
  func.func @transform_5(%arg0: i32) -> (i32, i32) {
    %c0_i32 = arith.constant 0 : i32
    %c0_i32_0 = arith.constant 0 : i32
    %c0_i32_1 = arith.constant 0 : i32
    return %c0_i32, %c0_i32_0 : i32, i32
  }
  func.func @transform_6(%arg0: i32) -> (i32, i32) {
    %c0_i32 = arith.constant 0 : i32
    %c0_i32_0 = arith.constant 0 : i32
    %c0_i32_1 = arith.constant 0 : i32
    return %c0_i32, %c0_i32_0 : i32, i32
  }
  func.func @transform_7(%arg0: i32) -> i32 {
    %c0_i32 = arith.constant 0 : i32
    %c0_i32_0 = arith.constant 0 : i32
    return %c0_i32 : i32
  }
  func.func @transform_8(%arg0: i32) -> (i32, i32) {
    %c0_i32 = arith.constant 0 : i32
    %c0_i32_0 = arith.constant 0 : i32
    %c0_i32_1 = arith.constant 0 : i32
    return %c0_i32, %c0_i32_0 : i32, i32
  }
  func.func @transform_9(%arg0: i32) -> i32 {
    %c0_i32 = arith.constant 0 : i32
    %c0_i32_0 = arith.constant 0 : i32
    return %c0_i32 : i32
  }
  func.func @transform_10(%arg0: i32) -> (i32, i32) {
    %c0_i32 = arith.constant 0 : i32
    %c0_i32_0 = arith.constant 0 : i32
    return %arg0, %c0_i32 : i32, i32
  }
}

module attributes {stable_mosaic.version = 14 : i64} {
  func.func @_upd_body(%arg0: i32, %arg1: memref<5000x128xf32, #tpu.memory_space<vmem>>, %arg2: memref<5000x128xf32, #tpu.memory_space<vmem>>, %arg3: memref<5000x4xf32, #tpu.memory_space<vmem>>, %arg4: memref<128x512xbf16, #tpu.memory_space<vmem>>, %arg5: memref<128x512xbf16, #tpu.memory_space<vmem>>, %arg6: memref<128xf32, #tpu.memory_space<vmem>>, %arg7: memref<128x512xbf16, #tpu.memory_space<vmem>>, %arg8: memref<128xf32, #tpu.memory_space<vmem>>, %arg9: memref<5000x128xf32, #tpu.memory_space<vmem>>) attributes {dimension_semantics = [#tpu.dimension_semantics<arbitrary>], iteration_bounds = array<i64: 2>, scalar_prefetch = 0 : i64, scratch_operands = 0 : i64, tpu.core_type = #tpu.core_type<tc>, window_params = [{transform_indices = @transform_0, window_bounds = array<i64: 5000, 128>}, {transform_indices = @transform_1, window_bounds = array<i64: 5000, 128>}, {transform_indices = @transform_2, window_bounds = array<i64: 5000, 4>}, {pipeline_mode = #tpu.pipeline_mode<synchronous>, transform_indices = @transform_3, window_bounds = array<i64: 128, 512>}, {pipeline_mode = #tpu.pipeline_mode<synchronous>, transform_indices = @transform_4, window_bounds = array<i64: 128, 512>}, {pipeline_mode = #tpu.pipeline_mode<synchronous>, transform_indices = @transform_5, window_bounds = array<i64: 128>}, {pipeline_mode = #tpu.pipeline_mode<synchronous>, transform_indices = @transform_6, window_bounds = array<i64: 128, 512>}, {pipeline_mode = #tpu.pipeline_mode<synchronous>, transform_indices = @transform_7, window_bounds = array<i64: 128>}, {transform_indices = @transform_8, window_bounds = array<i64: 5000, 128>}]} {
    %get3A = arith.constant 0 : index
    %get3A_0 = arith.constant 0 : index
    %get3A_1 = vector.load %arg1[%get3A, %get3A_0] : memref<5000x128xf32, #tpu.memory_space<vmem>>, vector<5000x128xf32>
    %convert_element_type3A = arith.truncf %get3A_1 : vector<5000x128xf32> to vector<5000x128xbf16>
    %get3A_2 = arith.constant 0 : index
    %get3A_3 = arith.constant 0 : index
    %get3A_4 = vector.load %arg4[%get3A_2, %get3A_3] : memref<128x512xbf16, #tpu.memory_space<vmem>>, vector<128x512xbf16>
    %dot_general3A = arith.constant dense<0.000000e+00> : vector<5000x512xf32>
    %dot_general3A_5 = tpu.matmul %convert_element_type3A, %get3A_4, %dot_general3A {dimension_numbers = #tpu.dot_dimension_numbers<[1], [0], [0], [1], [0, 0, 1, 1], [], []>, transpose_lhs_hint = false} : vector<5000x128xbf16>, vector<128x512xbf16>, vector<5000x512xf32> -> vector<5000x512xf32>
    %get3A_6 = arith.constant 0 : index
    %get3A_7 = arith.constant 0 : index
    %get3A_8 = vector.load %arg2[%get3A_6, %get3A_7] : memref<5000x128xf32, #tpu.memory_space<vmem>>, vector<5000x128xf32>
    %convert_element_type3A_9 = arith.truncf %get3A_8 : vector<5000x128xf32> to vector<5000x128xbf16>
    %get3A_10 = arith.constant 0 : index
    %get3A_11 = arith.constant 0 : index
    %get3A_12 = vector.load %arg5[%get3A_10, %get3A_11] : memref<128x512xbf16, #tpu.memory_space<vmem>>, vector<128x512xbf16>
    %dot_general3A_13 = arith.constant dense<0.000000e+00> : vector<5000x512xf32>
    %dot_general3A_14 = tpu.matmul %convert_element_type3A_9, %get3A_12, %dot_general3A_13 {dimension_numbers = #tpu.dot_dimension_numbers<[1], [0], [0], [1], [0, 0, 1, 1], [], []>, transpose_lhs_hint = false} : vector<5000x128xbf16>, vector<128x512xbf16>, vector<5000x512xf32> -> vector<5000x512xf32>
    %add3A = arith.addf %dot_general3A_5, %dot_general3A_14 : vector<5000x512xf32>
    %get3A_15 = arith.constant 0 : index
    %get3A_16 = arith.constant 0 : index
    %get3A_17 = vector.load %arg3[%get3A_15, %get3A_16] : memref<5000x4xf32, #tpu.memory_space<vmem>>, vector<5000x4xf32>
    %get3A_18 = arith.constant 0 : index
    %get3A_19 = vector.load %arg6[%get3A_18] : memref<128xf32, #tpu.memory_space<vmem>>, vector<128xf32>
    %slice3A = vector.extract_strided_slice %add3A {offsets = [0, 0], sizes = [5000, 128], strides = [1, 1]} : vector<5000x512xf32> to vector<5000x128xf32>
    %slice3A_20 = vector.extract_strided_slice %get3A_17 {offsets = [0, 0], sizes = [5000, 1], strides = [1, 1]} : vector<5000x4xf32> to vector<5000x1xf32>
    %mul3A = vector.broadcast %slice3A_20 : vector<5000x1xf32> to vector<5000x128xf32>
    %mul3A_21 = arith.mulf %slice3A, %mul3A : vector<5000x128xf32>
    %broadcast_in_dim3A = vector.shape_cast %get3A_19 : vector<128xf32> to vector<1x128xf32>
    %add3A_22 = vector.broadcast %broadcast_in_dim3A : vector<1x128xf32> to vector<5000x128xf32>
    %add3A_23 = arith.addf %add3A_22, %mul3A_21 : vector<5000x128xf32>
    %slice3A_24 = vector.extract_strided_slice %add3A {offsets = [0, 128], sizes = [5000, 128], strides = [1, 1]} : vector<5000x512xf32> to vector<5000x128xf32>
    %slice3A_25 = vector.extract_strided_slice %get3A_17 {offsets = [0, 1], sizes = [5000, 1], strides = [1, 1]} : vector<5000x4xf32> to vector<5000x1xf32>
    %mul3A_26 = vector.broadcast %slice3A_25 : vector<5000x1xf32> to vector<5000x128xf32>
    %mul3A_27 = arith.mulf %slice3A_24, %mul3A_26 : vector<5000x128xf32>
    %add3A_28 = arith.addf %add3A_23, %mul3A_27 : vector<5000x128xf32>
    %slice3A_29 = vector.extract_strided_slice %add3A {offsets = [0, 256], sizes = [5000, 128], strides = [1, 1]} : vector<5000x512xf32> to vector<5000x128xf32>
    %slice3A_30 = vector.extract_strided_slice %get3A_17 {offsets = [0, 2], sizes = [5000, 1], strides = [1, 1]} : vector<5000x4xf32> to vector<5000x1xf32>
    %mul3A_31 = vector.broadcast %slice3A_30 : vector<5000x1xf32> to vector<5000x128xf32>
    %mul3A_32 = arith.mulf %slice3A_29, %mul3A_31 : vector<5000x128xf32>
    %add3A_33 = arith.addf %add3A_28, %mul3A_32 : vector<5000x128xf32>
    %slice3A_34 = vector.extract_strided_slice %add3A {offsets = [0, 384], sizes = [5000, 128], strides = [1, 1]} : vector<5000x512xf32> to vector<5000x128xf32>
    %slice3A_35 = vector.extract_strided_slice %get3A_17 {offsets = [0, 3], sizes = [5000, 1], strides = [1, 1]} : vector<5000x4xf32> to vector<5000x1xf32>
    %mul3A_36 = vector.broadcast %slice3A_35 : vector<5000x1xf32> to vector<5000x128xf32>
    %mul3A_37 = arith.mulf %slice3A_34, %mul3A_36 : vector<5000x128xf32>
    %add3A_38 = arith.addf %add3A_33, %mul3A_37 : vector<5000x128xf32>
    %neg3A = arith.constant 0.000000e+00 : f32
    %neg3A_39 = vector.broadcast %neg3A : f32 to vector<5000x128xf32>
    %neg3A_40 = arith.subf %neg3A_39, %add3A_38 : vector<5000x128xf32>
    %exp3A = math.exp %neg3A_40 : vector<5000x128xf32>
    %add3A_41 = arith.constant 1.000000e+00 : f32
    %add3A_42 = vector.broadcast %add3A_41 : f32 to vector<5000x128xf32>
    %add3A_43 = arith.addf %add3A_42, %exp3A : vector<5000x128xf32>
    %div3A = arith.divf %add3A_38, %add3A_43 : vector<5000x128xf32>
    %convert_element_type3A_44 = arith.truncf %div3A : vector<5000x128xf32> to vector<5000x128xbf16>
    %get3A_45 = arith.constant 0 : index
    %get3A_46 = arith.constant 0 : index
    %get3A_47 = vector.load %arg7[%get3A_45, %get3A_46] : memref<128x512xbf16, #tpu.memory_space<vmem>>, vector<128x512xbf16>
    %dot_general3A_48 = arith.constant dense<0.000000e+00> : vector<5000x512xf32>
    %dot_general3A_49 = tpu.matmul %convert_element_type3A_44, %get3A_47, %dot_general3A_48 {dimension_numbers = #tpu.dot_dimension_numbers<[1], [0], [0], [1], [0, 0, 1, 1], [], []>, transpose_lhs_hint = false} : vector<5000x128xbf16>, vector<128x512xbf16>, vector<5000x512xf32> -> vector<5000x512xf32>
    %get3A_50 = arith.constant 0 : index
    %get3A_51 = arith.constant 0 : index
    %get3A_52 = vector.load %arg1[%get3A_50, %get3A_51] : memref<5000x128xf32, #tpu.memory_space<vmem>>, vector<5000x128xf32>
    %get3A_53 = arith.constant 0 : index
    %get3A_54 = arith.constant 0 : index
    %get3A_55 = vector.load %arg3[%get3A_53, %get3A_54] : memref<5000x4xf32, #tpu.memory_space<vmem>>, vector<5000x4xf32>
    %get3A_56 = arith.constant 0 : index
    %get3A_57 = vector.load %arg8[%get3A_56] : memref<128xf32, #tpu.memory_space<vmem>>, vector<128xf32>
    %slice3A_58 = vector.extract_strided_slice %dot_general3A_49 {offsets = [0, 0], sizes = [5000, 128], strides = [1, 1]} : vector<5000x512xf32> to vector<5000x128xf32>
    %slice3A_59 = vector.extract_strided_slice %get3A_55 {offsets = [0, 0], sizes = [5000, 1], strides = [1, 1]} : vector<5000x4xf32> to vector<5000x1xf32>
    %mul3A_60 = vector.broadcast %slice3A_59 : vector<5000x1xf32> to vector<5000x128xf32>
    %mul3A_61 = arith.mulf %slice3A_58, %mul3A_60 : vector<5000x128xf32>
    %broadcast_in_dim3A_62 = vector.shape_cast %get3A_57 : vector<128xf32> to vector<1x128xf32>
    %add3A_63 = vector.broadcast %broadcast_in_dim3A_62 : vector<1x128xf32> to vector<5000x128xf32>
    %add3A_64 = arith.addf %add3A_63, %mul3A_61 : vector<5000x128xf32>
    %slice3A_65 = vector.extract_strided_slice %dot_general3A_49 {offsets = [0, 128], sizes = [5000, 128], strides = [1, 1]} : vector<5000x512xf32> to vector<5000x128xf32>
    %slice3A_66 = vector.extract_strided_slice %get3A_55 {offsets = [0, 1], sizes = [5000, 1], strides = [1, 1]} : vector<5000x4xf32> to vector<5000x1xf32>
    %mul3A_67 = vector.broadcast %slice3A_66 : vector<5000x1xf32> to vector<5000x128xf32>
    %mul3A_68 = arith.mulf %slice3A_65, %mul3A_67 : vector<5000x128xf32>
    %add3A_69 = arith.addf %add3A_64, %mul3A_68 : vector<5000x128xf32>
    %slice3A_70 = vector.extract_strided_slice %dot_general3A_49 {offsets = [0, 256], sizes = [5000, 128], strides = [1, 1]} : vector<5000x512xf32> to vector<5000x128xf32>
    %slice3A_71 = vector.extract_strided_slice %get3A_55 {offsets = [0, 2], sizes = [5000, 1], strides = [1, 1]} : vector<5000x4xf32> to vector<5000x1xf32>
    %mul3A_72 = vector.broadcast %slice3A_71 : vector<5000x1xf32> to vector<5000x128xf32>
    %mul3A_73 = arith.mulf %slice3A_70, %mul3A_72 : vector<5000x128xf32>
    %add3A_74 = arith.addf %add3A_69, %mul3A_73 : vector<5000x128xf32>
    %slice3A_75 = vector.extract_strided_slice %dot_general3A_49 {offsets = [0, 384], sizes = [5000, 128], strides = [1, 1]} : vector<5000x512xf32> to vector<5000x128xf32>
    %slice3A_76 = vector.extract_strided_slice %get3A_55 {offsets = [0, 3], sizes = [5000, 1], strides = [1, 1]} : vector<5000x4xf32> to vector<5000x1xf32>
    %mul3A_77 = vector.broadcast %slice3A_76 : vector<5000x1xf32> to vector<5000x128xf32>
    %mul3A_78 = arith.mulf %slice3A_75, %mul3A_77 : vector<5000x128xf32>
    %add3A_79 = arith.addf %add3A_74, %mul3A_78 : vector<5000x128xf32>
    %add3A_80 = arith.addf %get3A_52, %add3A_79 : vector<5000x128xf32>
    %swap3A = arith.constant 0 : index
    %swap3A_81 = arith.constant 0 : index
    %swap3A_82 = vector.load %arg9[%swap3A, %swap3A_81] : memref<5000x128xf32, #tpu.memory_space<vmem>>, vector<5000x128xf32>
    tpu.vector_store %arg9[%swap3A, %swap3A_81], %add3A_80 {strides = array<i32>} : memref<5000x128xf32, #tpu.memory_space<vmem>>, vector<5000x128xf32>,
    return
  }
  func.func @transform_0(%arg0: i32) -> (i32, i32) {
    %c0_i32 = arith.constant 0 : i32
    %c0_i32_0 = arith.constant 0 : i32
    return %arg0, %c0_i32 : i32, i32
  }
  func.func @transform_1(%arg0: i32) -> (i32, i32) {
    %c0_i32 = arith.constant 0 : i32
    %c0_i32_0 = arith.constant 0 : i32
    return %arg0, %c0_i32 : i32, i32
  }
  func.func @transform_2(%arg0: i32) -> (i32, i32) {
    %c0_i32 = arith.constant 0 : i32
    %c0_i32_0 = arith.constant 0 : i32
    return %arg0, %c0_i32 : i32, i32
  }
  func.func @transform_3(%arg0: i32) -> (i32, i32) {
    %c0_i32 = arith.constant 0 : i32
    %c0_i32_0 = arith.constant 0 : i32
    %c0_i32_1 = arith.constant 0 : i32
    return %c0_i32, %c0_i32_0 : i32, i32
  }
  func.func @transform_4(%arg0: i32) -> (i32, i32) {
    %c0_i32 = arith.constant 0 : i32
    %c0_i32_0 = arith.constant 0 : i32
    %c0_i32_1 = arith.constant 0 : i32
    return %c0_i32, %c0_i32_0 : i32, i32
  }
  func.func @transform_5(%arg0: i32) -> i32 {
    %c0_i32 = arith.constant 0 : i32
    %c0_i32_0 = arith.constant 0 : i32
    return %c0_i32 : i32
  }
  func.func @transform_6(%arg0: i32) -> (i32, i32) {
    %c0_i32 = arith.constant 0 : i32
    %c0_i32_0 = arith.constant 0 : i32
    %c0_i32_1 = arith.constant 0 : i32
    return %c0_i32, %c0_i32_0 : i32, i32
  }
  func.func @transform_7(%arg0: i32) -> i32 {
    %c0_i32 = arith.constant 0 : i32
    %c0_i32_0 = arith.constant 0 : i32
    return %c0_i32 : i32
  }
  func.func @transform_8(%arg0: i32) -> (i32, i32) {
    %c0_i32 = arith.constant 0 : i32
    %c0_i32_0 = arith.constant 0 : i32
    return %arg0, %c0_i32 : i32, i32
  }
}

</mosaic_0001>

<sc_bundles>
// kernel: kernel.11.cloned.1.call-start
scs
__scs_entry_jumppad:
0x0: {  	(pc) =	sbr.rel $0x88, $3  }
0x1: {  	(tag) =	ssettag $0x0;
	lr =	simm.s32 $0x1  }
0x2: {  	[smem:$0x3F94] =	sst lr;
	_ =	strace $0xD0000000  }
0x3: {  	_ = 	snop  }
0x4: {  	_ = 	snop  }
0x5: {  	_ = 	snop  }
0x6: {  	_ = 	snop  }
0x7: {  	_ = 	snop  }
__scs_overlays_trampoline_lowered:
0x8: {  	[smem:$0x3FA3] =	sst s0  }
0x9: {  	[smem:$0x3FA4] =	sst s1  }
0xa: {  	[smem:$0x3FA5] =	sst s2  }
0xb: {  	[smem:$0x3FA6] =	sst s3  }
0xc: {  	[smem:$0x3FA7] =	sst s4  }
0xd: {  	[smem:$0x3FA8] =	sst s5  }
0xe: {  	[smem:$0x3FA9] =	sst s6  }
0xf: {  	[smem:$0x3FAA] =	sst s7  }
0x10: {  	[smem:$0x3FAB] =	sst s8  }
0x11: {  	[smem:$0x3FAC] =	sst s9;
	s0 =	simm.s32 @!p0 $0x0  }
0x12: {  	s1 =	sld [smem:$0x3F92];
	s0 =	simm.s32 @p0 $0x1  }
0x13: {  	[smem:$0x3FAD] =	sst s0;
	s0 =	simm.s32 @!p1 $0x0  }
0x14: {  	s2 =	sld [smem:$0x3F91];
	s0 =	simm.s32 @p1 $0x1  }
0x15: {  	[smem:$0x3FAE] =	sst s0;
	s0 =	simm.s32 @!p2 $0x0  }
0x16: {  	s3 =	sld [smem:$0x3FDB];
	s0 =	simm.s32 @p2 $0x1  }
0x17: {  	s4 =	simm.s32 $0x1BF5;
	[smem:$0x3FB0] =	sst s0  }
0x18: {  	s0 =	sld [smem:$0x3F93];
	_ =	swait.ge [sflag:s4], $0x0  }
0x19: {  	s7 =	sld [smem:$0x3F94]  }
0x1a: {  	s8 =	sadd.s32 $0xFFFFE003, lr  }
0x1b: {  	s9 =	sadd.s32 $0xFFFFFEF7, lr;
	s5 =	simm.s32 $0xFFFFFFFF;
	p2 =	slt.u32 s8, $0xFFFFF086  }
0x1c: {  	p1 =	slt.u32 s9, $0xF7A;
	s5 =	simm.s32 @!p2 $0x0  }
0x1d: {  	s5 =	simm.s32 @p1 $0x1;
	p0 =	seq.s32 s7, s2  }
0x1e: {  	s7 =	smul.u32 @!p0 $0xF7A, s2;
	p2 =	seq.s32 @!p0 s5, $0x0  }
0x1f: {  	s9 =	smul.u32 $0xF7A, s1;
	s8 =	simm.s32 @!p0 $0x1BF5;
	p2 =	por !p2, p0  }
0x20: {  	[sflag:s8] =	ssyncset.s32 @!p0 $0xFFFFF086;
	s6 =	sadd.s32 @!p0 s3, s7;
	s7 =	simm.s32 @!p0 $0x108  }
0x21: {  	s3 =	sadd.s32 s3, s9;
	s6 =	sadd.s32 @!p0 $0x88, s6;
	s7 =	simm.s32 @p2 $0x1082  }
0x22: {  	[simem:s7], [sflag:s8] =	dma.local @!p0 [hbm:s6], $0xF7A  }
0x23: {  	s9 =	sor.u32 $0xD0000000, s2;
	s6 =	simm.s32 $0x108;
	_ =	swait.ge @!p0 [sflag:s8], $0x0  }
0x24: {  	s3 =	sadd.s32 $0x88, s3;
	s6 =	simm.s32 @!p1 $0x1082;
	[sflag:s4] =	ssyncset.s32 $0xFFFFF086  }
0x25: {  	[simem:s6], [sflag:s4] =	dma.local [hbm:s3], $0xF7A  }
0x26: {  	[smem:$0x3F94] =	sst s1;
	(tag) =	ssettag s2;
	_ =	strace s9  }
0x27: {  	s1 =	sld [smem:$0x3FA4]  }
0x28: {  	s2 =	sld [smem:$0x3FA5]  }
0x29: {  	s4 =	sld [smem:$0x3FA7]  }
0x2a: {  	p0 =	seq.s32 s5, $0x0;
	s5 =	sld [smem:$0x3FA8]  }
0x2b: {  	s6 =	sld [smem:$0x3FA9]  }
0x2c: {  	s7 =	sld [smem:$0x3FAA]  }
0x2d: {  	s3 =	simm.s32 $0x108;
	s8 =	sld [smem:$0x3FAB]  }
0x2e: {  	s3 =	simm.s32 @!p0 $0x1082;
	s9 =	sld [smem:$0x3FAC]  }
0x2f: {  	lr =	sadd.s32 s0, s3;
	s0 =	sld [smem:$0x3FA3]  }
0x30: {  	s3 =	sld [smem:$0x3FA6]  }
0x31: {  	[smem:$0x3FAF] =	sst s10  }
0x32: {  	s10 =	sld [smem:$0x3FAD];
	_ =	sdelay $0x3  }
0x33: {  	p0 =	seq.s32 s10, $0x1;
	s10 =	sld [smem:$0x3FAF];
	_ =	sdelay $0x3  }
0x34: {  	[smem:$0x3FAF] =	sst s10  }
0x35: {  	s10 =	sld [smem:$0x3FAE];
	_ =	sdelay $0x3  }
0x36: {  	p1 =	seq.s32 s10, $0x1;
	s10 =	sld [smem:$0x3FAF];
	_ =	sdelay $0x3  }
0x37: {  	[smem:$0x3FAF] =	sst s10  }
0x38: {  	s10 =	sld [smem:$0x3FB0]  }
0x39: {  	_ = 	snop;
	(pc) =	sbr.ind lr, $3  }
0x3a: {  	_ = 	snop  }
0x3b: {  	_ = 	snop  }
0x3c: {  	p2 =	seq.s32 s10, $0x1;
	s10 =	sld [smem:$0x3FAF]  }
0x3d: {  	_ =	shalt  }
0x3e: {  	_ =	shalt  }
0x3f: {  	_ =	shalt  }
0x40: {  	_ =	shalt  }
0x41: {  	_ =	shalt  }
0x42: {  	_ =	shalt  }
0x43: {  	_ =	shalt  }
0x44: {  	_ =	shalt  }
0x45: {  	_ =	shalt  }
0x46: {  	_ =	shalt  }
0x47: {  	_ =	shalt  }
0x48: {  	_ =	shalt  }
0x49: {  	_ =	shalt  }
0x4a: {  	_ =	shalt  }
0x4b: {  	_ =	shalt  }
0x4c: {  	_ =	shalt  }
0x4d: {  	_ =	shalt  }
0x4e: {  	_ =	shalt  }
0x4f: {  	_ =	shalt  }
0x50: {  	_ =	shalt  }
0x51: {  	_ =	shalt  }
0x52: {  	_ =	shalt  }
0x53: {  	_ =	shalt  }
0x54: {  	_ =	shalt  }
0x55: {  	_ =	shalt  }
0x56: {  	_ =	shalt  }
0x57: {  	_ =	shalt  }
0x58: {  	_ =	shalt  }
0x59: {  	_ =	shalt  }
0x5a: {  	_ =	shalt  }
0x5b: {  	_ =	shalt  }
0x5c: {  	_ =	shalt  }
0x5d: {  	_ =	shalt  }
0x5e: {  	_ =	shalt  }
0x5f: {  	_ =	shalt  }
0x60: {  	_ =	shalt  }
0x61: {  	_ =	shalt  }
0x62: {  	_ =	shalt  }
0x63: {  	_ =	shalt  }
0x64: {  	_ =	shalt  }
0x65: {  	_ =	shalt  }
0x66: {  	_ =	shalt  }
0x67: {  	_ =	shalt  }
0x68: {  	_ =	shalt  }
0x69: {  	_ =	shalt  }
0x6a: {  	_ =	shalt  }
0x6b: {  	_ =	shalt  }
0x6c: {  	_ =	shalt  }
0x6d: {  	_ =	shalt  }
0x6e: {  	_ =	shalt  }
0x6f: {  	_ =	shalt  }
0x70: {  	_ =	shalt  }
0x71: {  	_ =	shalt  }
0x72: {  	_ =	shalt  }
0x73: {  	_ =	shalt  }
0x74: {  	_ =	shalt  }
0x75: {  	_ =	shalt  }
0x76: {  	_ =	shalt  }
0x77: {  	_ =	shalt  }
0x78: {  	_ =	shalt  }
0x79: {  	_ =	shalt  }
0x7a: {  	_ =	shalt  }
0x7b: {  	_ =	shalt  }
0x7c: {  	_ =	shalt  }
0x7d: {  	_ =	shalt  }
0x7e: {  	_ =	shalt  }
0x7f: {  	_ =	shalt  }
0x80: {  	_ =	shalt  }
0x81: {  	_ =	shalt  }
0x82: {  	_ =	shalt  }
0x83: {  	_ =	shalt  }
0x84: {  	_ =	shalt  }
0x85: {  	_ =	shalt  }
0x86: {  	_ =	shalt  }
0x87: {  	_ =	shalt  }
.Lfunc_end0:
.L_simem_size_0:
called_computation.1_lowered:
.L_overlay_start_0:
0x88: {  	s2 =	sld [smem:$0x3FD9]  }
0x89: {  	s3 =	sld [smem:$0x3FFE];
	_ =	sdelay $0x1  }
0x8a: {  	s1 =	srdreg.scid  }
0x8b: {  	s0 =	sand.u32 $0x1, s1  }
0x8c: {  	s17 =	sshll.u32 s0, $0xA;
	s2 =	sadd.s32 s3, s2  }
0x8d: {  	s2 =	sadd.s32 s2, s17  }
0x8e: {  	[smem:$0x3FBB] =	sst s2  }
0x8f: {  	_ = 	snop  }
0x90: {  	s2 =	sld [smem:$0x3FC9];
	(tm) =	ssettm $0x1  }
0x91: {  	s18 =	sld [smem:$0x3FFB];
	_ =	sdelay $0x3  }
0x92: {  	_ =	strace s18  }
0x93: {  	s3 =	sld [smem:$0x3FFC];
	_ =	sdelay $0x3  }
0x94: {  	_ =	strace s3  }
0x95: {  	s3 =	sld [smem:$0x3FFD];
	_ =	sdelay $0x3  }
0x96: {  	_ =	strace s3  }
0x97: {  	_ =	strace $0x8FFFFFFF  }
0x98: {  	s19 =	sld [smem:$0x3FDB];
	_ =	sdelay $0x1  }
0x99: {  	s4 =	simm.s32 $_scs_section_size  }
0x9a: {  	s5 =	simm.s32 $_size__tile_overlayer_lowered;
	s6 =	simm.s32 $_tile_overlayer_lowered  }
0x9b: {  	s22 =	simm.s32 $0x1BFF;
	s21 =	sshll.u32 s6, $0x1;
	s3 =	sadd.s32 s4, s19  }
0x9c: {  	s7 =	simm.s32 $0x0;
	s20 =	sshll.u32 s5, $0x1;
	s5 =	sadd.s32 s21, s3  }
0x9d: {  	[timem:s7], [sflag:s22] =	dma.local [hbm:s5], s20  }
0x9e: {  	_ =	swait.ge [sflag:s22], s20  }
0x9f: {  	s4 =	ssub.s32 $0x0, s20;
	[sflag:s22] =	ssyncset.done $0x0  }
0xa0: {  	[sflag:s22] =	ssyncadd.s32 s4;
	_ =	sdelay $0x1  }
0xa1: {  	s23 =	simm.s32 $0x1B8B  }
0xa2: {  	_ =	swait.ge [sflag:s23], $0x1  }
0xa3: {  	[sflag:s23] =	ssyncset.done $0x0  }
0xa4: {  	s25 =	simm.s32 $0x1B8E;
	s24 =	sld [smem:$0x3FFE];
	[sflag:s23] =	ssyncadd.s32 $0xFFFFFFFF  }
0xa5: {  	s26 =	simm.s32 $execute0_lowered;
	[smem:$0x3FD2] =	sst s25  }
0xa6: {  	s5 =	sshll.u32 s26, $0x1;
	_ =	strace $0x80000046;
	[dreg:$0x1] =	wrdreg $0xFFFFFFFF  }
0xa7: {  	s28 =	simm.s32 $_size_execute0_lowered;
	s3 =	sadd.s32 s3, s5;
	[dreg:$0x0] =	wrdreg $0x0  }
0xa8: {  	s5 =	sshll.u32 s28, $0x1;
	[dreg:$0x2] =	wrdreg s3  }
0xa9: {  	[dreg:$0x3] =	wrdreg s5  }
0xaa: {  	[dreg:$0x4] =	wrdreg $0xC0  }
0xab: {  	_ =	task [dreg:s7], $0x5FFFF  }
0xac: {  	[dreg:$0x1] =	wrdreg $0xFFFFFFFF  }
0xad: {  	[dreg:$0x0] =	wrdreg $0x60  }
0xae: {  	[dreg:$0x2] =	wrdreg s2  }
0xaf: {  	[dreg:$0x3] =	wrdreg s24  }
0xb0: {  	[dreg:$0x4] =	wrdreg $0xA  }
0xb1: {  	_ =	task.clear_ibuf [dreg:s7], $0x5FFFF;
	_ =	strace $0x90000046  }
0xb2: {  	s29 =	simm.s32 $0xA;
	_ =	strace $0x80000048  }
0xb3: {  	_ =	swait.ge [sflag:s29], $0x1  }
0xb4: {  	[sflag:s29] =	ssyncadd.s32 $0xFFFFFFFF  }
0xb5: {  	_ =	strace $0x90000048  }
0xb6: {  	_ =	sfence  }
0xb7: {  	s30 =	sld [smem:$0x0];
	_ =	sdelay $0x2  }
0xb8: {  	s31 =	sshll.u32 s1, $0xD;
	s1 =	sshrl.u32 s1, $0x2  }
0xb9: {  	s3 =	sand.u32 $0x4000, s31;
	s1 =	sadd.s32 s1, s30  }
0xba: {  	s0 =	sor.u32 s3, s0;
	s1 =	sshll.u32 s1, $0x11  }
0xbb: {  	s0 =	sor.u32 s1, s0  }
0xbc: {  	s0 =	sadd.s32 $0x8F2B, s0  }
0xbd: {  	[sflag:s0] =	ssyncadd.remote.s32 $0x1  }
0xbe: {  	_ =	sfence.sel $0xFFFF  }
0xbf: {  	[dreg:$0x0] =	wrdreg $0xFFFFFFFF;
	(pc) =	sbr.abs _section_cstart, $3  }
0xc0: {  	[dreg:$0x1] =	wrdreg $0xFFFFFFFF  }
0xc1: {  	_ =	task.clear_ibuf [dreg:s7], $0x2FFFF;
	_ =	strace $0x9FFFFFFF  }
0xc2: {  	(tm) =	ssettm $0x7FFFFFFF  }
0xc3: {  	_ =	shalt  }
tec
execute0_lowered:
.L_overlay_start_1:
0x0: {  	(tag) =	ssettag $0x1  }
0x1: {  	s1 =	rddreg [dreg:$0x0]  }
0x2: {  	s6 =	rddreg [dreg:$0x1];
	s2 =	simm.s32 $0x0  }
0x3: {  	s0 =	stileid.u32;
	s7 =	srdreg.scid;
	s13 =	simm.s32 $0x80  }
0x4: {  	s14 =	simm.s32 $0x5;
	s15 =	simm.s32 $0x0;
	[smem:$0x7FF] =	sst s2  }
0x5: {  	s4 =	sadd.s32 $0x3600, s6;
	s5 =	sadd.s32 $0x5E00, s6;
	s8 =	sshll.u32 s0, $0xC  }
0x6: {  	s7 =	sand.u32 $0x1, s7;
	s9 =	sshll.u32 s0, $0x1;
	_ =	strace $0x80000047  }
0x7: {  	s8 =	sadd.s32 s8, s6;
	s10 =	ssub.s32 $0x2, s7;
	s6 =	sor.u32 s7, s9  }
0x8: {  	s12 =	sshll.u32 s7, $0xB;
	s30 =	sshrl.u32 s10, $0x1;
	s11 =	sshll.u32 s6, $0x4  }
0x9: {  	s12 =	sadd.s32 s12, s8;
	p0 =	sgt.u32 s6, $0x10;
	s9 =	ssub.s32 s10, s30  }
0xa: {  	s31 =	sadd.s32 s4, s11;
	s8 =	sadd.s32 s5, s11;
	s10 =	sadd.s32 $0x140E00, s12  }
0xb: {  	s11 =	sadd.s32 $0x8600, s12;
	[dreg:$0x3] =	wrdreg s31;
	s9 =	smax.u32 s9, $0x1  }
.LBB2_1:
0xc: {  	s0 =	rddreg [dreg:$0x3];
	s24 =	sand.u32 $0x1, s2;
	p1 =	por $0x1, $0x1  }
0xd: {  	[tilespmem:s2], [sflag:$0x1] =	stream.linear.gather [hbm4b:s0+s2], $0x80, $0x38;
	[tilespmem:$0x10200] =	vst v63  }
0xe: {  	s26 =	simm.s32 $0x100;
	s16 =	sadd.s32 @!p1 $0x5, s24  }
0xf: {  	[tilespmem:s26], [sflag:$0x1] =	stream.linear.gather [hbm4b:s8+s2], $0x80, $0x38;
	[tilespmem:$0x10200] =	vst v63  }
0x10: {  	_ =	swait.ge @!p1 [sflag:s16], $0x4000  }
0x11: {  	[sflag:s16] =	ssyncset.done @!p1 $0x0  }
0x12: {  	[sflag:s16] =	ssyncadd.s32 @!p1 $0xFFFFC000  }
0x13: {  	_ =	swait.ge @!p1 [sflag:s16], $0x4000  }
0x14: {  	[sflag:s16] =	ssyncset.done @!p1 $0x0  }
0x15: {  	s17 =	sadd.s32 $0x1, s24;
	[sflag:s16] =	ssyncadd.s32 @!p1 $0xFFFFC000  }
0x16: {  	s28 =	sshll.u32 s24, $0xE;
	p1 =	por $0x0, $0x0;
	_ =	swait.ge [sflag:s17], $0x80  }
0x17: {  	s22 =	sadd.s32 $0x3, s24;
	s18 =	sadd.s32 @!p1 $0x0, s6;
	[sflag:s17] =	ssyncset.done $0x0  }
0x18: {  	s21 =	sshll.u32 s24, $0x7;
	s18 =	sadd.s32 @!p1 $0x20, s18;
	[sflag:s17] =	ssyncadd.s32 $0xFFFFFF80  }
0x19: {  	s19 =	sor.u32 $0x8200, s28;
	p2 =	slt.s32 @!p1 s18, $0x270;
	_ =	swait.ge [sflag:s17], $0x80  }
0x1a: {  	s26 =	sor.u32 $0x200, s28;
	p2 =	por !p2, p1;
	[sflag:s17] =	ssyncset.done $0x0  }
0x1b: {  	s20 =	sxor.u32 @!p1 $0x1, s24;
	s18 =	simm.s32 @p2 $0x270;
	[sflag:s17] =	ssyncadd.s32 $0xFFFFFF80  }
0x1c: {  	[tilespmem:s26], [sflag:s22] =	stream.indirect.gather [hbm4b:s1+s13], $0x80, s21, s13, $0xb8;
	[tilespmem:$0x10200] =	vst v63  }
0x1d: {  	s29 =	sor.u32 $0x100, s21;
	s16 =	sshll.u32 @!p1 s20, $0x7;
	s17 =	sshll.u32 @!p1 s18, $0x4  }
0x1e: {  	[tilespmem:s19], [sflag:s22] =	stream.indirect.gather [hbm4b:s1+s13], $0x80, s29, s13, $0xb8;
	[tilespmem:$0x10200] =	vst v63  }
0x1f: {  	s20 =	sadd.s32 @!p1 $0x1, s20;
	s18 =	sadd.s32 @!p1 s4, s17;
	s21 =	simm.s32 @!p1 $0x0  }
0x20: {  	[tilespmem:s16], [sflag:s20] =	stream.linear.gather @!p1 [hbm4b:s18+s21], $0x80, $0x38;
	[tilespmem:$0x10200] =	vst v63  }
0x21: {  	s31 =	sadd.s32 $0x0, s6;
	s17 =	sadd.s32 @!p1 s5, s17;
	s16 =	sor.u32 @!p1 $0x100, s16  }
0x22: {  	[tilespmem:s16], [sflag:s20] =	stream.linear.gather @!p1 [hbm4b:s17+s21], $0x80, $0x38;
	[tilespmem:$0x10200] =	vst v63  }
0x23: {  	s23 =	simm.s32 $0x2;
	p2 =	sgt.u32 s31, $0x270;
	_ =	swait.ge [sflag:s22], $0x4000  }
0x24: {  	s25 =	smov.u32 s11;
	s30 =	sadd.s32 @!p2 $0x5, s24;
	[sflag:s22] =	ssyncset.done $0x0  }
0x25: {  	s24 =	smov.u32 s10;
	s18 =	sadd.s32 $0x10000, s10;
	[sflag:s22] =	ssyncadd.s32 $0xFFFFC000  }
0x26: {  	s17 =	simm.s32 $0x20;
	s21 =	simm.s32 $0x1;
	_ =	swait.ge [sflag:s22], $0x4000  }
0x27: {  	s20 =	simm.s32 $0x40;
	s16 =	sadd.s32 $0x10000, s11;
	[sflag:s22] =	ssyncset.done $0x0  }
.LBB2_2:
0x28: {  	[sflag:s22] =	ssyncadd.s32 $0xFFFFC000;
	s22 =	simm.s32 @!p2 $0x0  }
0x29: {  	s29 =	smov.u32 s17;
	s17 =	smov.u32 s20;
	s20 =	sadd.s32 $0x20, s20  }
0x2a: {  	[hbm4b:s25+s22] =	stream.linear.scatter @!p2 [tilespmem:s26], [sflag:s30], $0x4000, $0x38;
	[tilespmem:$0x10200] =	vst v63  }
0x2b: {  	s28 =	sand.u32 $0x1, s21;
	p3 =	slt.u32 s21, $0x2;
	p1 =	sne.s32 s20, $0x280  }
0x2c: {  	[hbm4b:s24+s22] =	stream.linear.scatter @!p2 [tilespmem:s19], [sflag:s30], $0x4000, $0x38;
	[tilespmem:$0x10200] =	vst v63  }
0x2d: {  	s25 =	smov.u32 s16;
	s22 =	sadd.s32 @!p3 $0x5, s28;
	s24 =	smov.u32 s18  }
0x2e: {  	s21 =	smov.u32 s23;
	_ =	swait.ge @!p3 [sflag:s22], $0x4000  }
0x2f: {  	[sflag:s22] =	ssyncset.done @!p3 $0x0  }
0x30: {  	s30 =	sadd.s32 $0x1, s28;
	[sflag:s22] =	ssyncadd.s32 @!p3 $0xFFFFC000  }
0x31: {  	s26 =	sshll.u32 s28, $0xE;
	_ =	swait.ge @!p3 [sflag:s22], $0x4000  }
0x32: {  	s19 =	sor.u32 $0x8200, s26;
	[sflag:s22] =	ssyncset.done @!p3 $0x0  }
0x33: {  	p2 =	seq.s32 s29, $0x260;
	[sflag:s22] =	ssyncadd.s32 @!p3 $0xFFFFC000;
	s22 =	sadd.s32 $0x3, s28  }
0x34: {  	s31 =	sxor.u32 @!p2 $0x1, s28;
	s0 =	sadd.s32 @!p2 s29, s6;
	_ =	swait.ge [sflag:s30], $0x80  }
0x35: {  	s3 =	sshll.u32 @!p2 s31, $0x7;
	s0 =	sadd.s32 @!p2 $0x20, s0;
	[sflag:s30] =	ssyncset.done $0x0  }
0x36: {  	s12 =	sor.u32 @!p2 $0x100, s3;
	p3 =	slt.s32 @!p2 s0, $0x270;
	[sflag:s30] =	ssyncadd.s32 $0xFFFFFF80  }
0x37: {  	s7 =	sshll.u32 s28, $0x7;
	p3 =	por !p3, p2;
	_ =	swait.ge [sflag:s30], $0x80  }
0x38: {  	s26 =	sor.u32 $0x200, s26;
	s0 =	simm.s32 @p3 $0x270;
	[sflag:s30] =	ssyncset.done $0x0  }
0x39: {  	s0 =	sshll.u32 @!p2 s0, $0x4;
	[sflag:s30] =	ssyncadd.s32 $0xFFFFFF80  }
0x3a: {  	[tilespmem:s26], [sflag:s22] =	stream.indirect.gather [hbm4b:s1+s13], $0x80, s7, s13, $0xb8;
	[tilespmem:$0x10200] =	vst v63  }
0x3b: {  	s30 =	sadd.s32 @!p2 s4, s0;
	s0 =	sadd.s32 @!p2 s5, s0;
	s7 =	sor.u32 $0x100, s7  }
0x3c: {  	[tilespmem:s19], [sflag:s22] =	stream.indirect.gather [hbm4b:s1+s13], $0x80, s7, s13, $0xb8;
	[tilespmem:$0x10200] =	vst v63  }
0x3d: {  	s7 =	sadd.s32 @!p2 $0x1, s31;
	s31 =	simm.s32 @!p2 $0x0  }
0x3e: {  	[tilespmem:s3], [sflag:s7] =	stream.linear.gather @!p2 [hbm4b:s30+s31], $0x80, $0x38;
	[tilespmem:$0x10200] =	vst v63  }
0x3f: {  	_ = 	snop  }
0x40: {  	[tilespmem:s12], [sflag:s7] =	stream.linear.gather @!p2 [hbm4b:s0+s31], $0x80, $0x38;
	[tilespmem:$0x10200] =	vst v63  }
.Ltmp0:
0x41: {  	_ =	swait.ge [sflag:s22], $0x4000;
	(pc) =	sbr.rel @p1 .LBB2_2-.Ltmp0, $4  }
0x42: {  	[sflag:s22] =	ssyncset.done $0x0  }
0x43: {  	s16 =	sadd.s32 $0x10000, s16;
	s0 =	sadd.s32 s29, s6;
	[sflag:s22] =	ssyncadd.s32 $0xFFFFC000  }
0x44: {  	s18 =	sadd.s32 $0x10000, s18;
	p2 =	sgt.u32 s0, $0x270;
	_ =	swait.ge [sflag:s22], $0x4000  }
0x45: {  	s23 =	sadd.s32 $0x1, s23;
	s30 =	sadd.s32 @!p2 $0x5, s28;
	[sflag:s22] =	ssyncset.done $0x0  }
0x46: {  	[sflag:s22] =	ssyncadd.s32 $0xFFFFC000;
	s0 =	simm.s32 @!p2 $0x0  }
0x47: {  	[hbm4b:s25+s0] =	stream.linear.scatter @!p2 [tilespmem:s26], [sflag:s30], $0x4000, $0x38;
	[tilespmem:$0x10200] =	vst v63  }
0x48: {  	s3 =	sand.u32 $0x1, s21;
	p1 =	slt.u32 s21, $0x2  }
0x49: {  	[hbm4b:s24+s0] =	stream.linear.scatter @!p2 [tilespmem:s19], [sflag:s30], $0x4000, $0x38;
	[tilespmem:$0x10200] =	vst v63  }
0x4a: {  	s0 =	sadd.s32 @!p1 $0x5, s3  }
0x4b: {  	_ =	swait.ge @!p1 [sflag:s0], $0x4000  }
0x4c: {  	[sflag:s0] =	ssyncset.done @!p1 $0x0  }
0x4d: {  	[sflag:s0] =	ssyncadd.s32 @!p1 $0xFFFFC000  }
0x4e: {  	_ =	swait.ge @!p1 [sflag:s0], $0x4000  }
0x4f: {  	[sflag:s0] =	ssyncset.done @!p1 $0x0  }
0x50: {  	s7 =	sadd.s32 $0x1, s3;
	[sflag:s0] =	ssyncadd.s32 @!p1 $0xFFFFC000  }
0x51: {  	s29 =	sshll.u32 s3, $0xE;
	p1 =	seq.s32 s17, $0x260;
	_ =	swait.ge [sflag:s7], $0x80  }
0x52: {  	s20 =	sadd.s32 $0x3, s3;
	s19 =	sadd.s32 @!p1 s17, s6;
	[sflag:s7] =	ssyncset.done $0x0  }
0x53: {  	s12 =	sor.u32 $0x8200, s29;
	s19 =	sadd.s32 @!p1 $0x20, s19;
	[sflag:s7] =	ssyncadd.s32 $0xFFFFFF80  }
0x54: {  	s30 =	sshll.u32 s3, $0x7;
	p2 =	slt.s32 @!p1 s19, $0x270;
	_ =	swait.ge [sflag:s7], $0x80  }
0x55: {  	s22 =	sor.u32 $0x100, s30;
	p2 =	por !p2, p1;
	[sflag:s7] =	ssyncset.done $0x0  }
0x56: {  	s0 =	sor.u32 $0x200, s29;
	s19 =	simm.s32 @p2 $0x270;
	[sflag:s7] =	ssyncadd.s32 $0xFFFFFF80  }
0x57: {  	[tilespmem:s0], [sflag:s20] =	stream.indirect.gather [hbm4b:s1+s13], $0x80, s30, s13, $0xb8;
	[tilespmem:$0x10200] =	vst v63  }
0x58: {  	s21 =	sxor.u32 @!p1 $0x1, s3;
	s23 =	simm.s32 @!p1 $0x0;
	s19 =	sshll.u32 @!p1 s19, $0x4  }
0x59: {  	[tilespmem:s12], [sflag:s20] =	stream.indirect.gather [hbm4b:s1+s13], $0x80, s22, s13, $0xb8;
	[tilespmem:$0x10200] =	vst v63  }
0x5a: {  	s7 =	sshll.u32 @!p1 s21, $0x7;
	s21 =	sadd.s32 @!p1 $0x1, s21;
	s22 =	sadd.s32 @!p1 s4, s19  }
0x5b: {  	[tilespmem:s7], [sflag:s21] =	stream.linear.gather @!p1 [hbm4b:s22+s23], $0x80, $0x38;
	[tilespmem:$0x10200] =	vst v63  }
0x5c: {  	s19 =	sadd.s32 @!p1 s5, s19;
	s7 =	sor.u32 @!p1 $0x100, s7  }
0x5d: {  	[tilespmem:s7], [sflag:s21] =	stream.linear.gather @!p1 [hbm4b:s19+s23], $0x80, $0x38;
	[tilespmem:$0x10200] =	vst v63  }
0x5e: {  	_ =	swait.ge [sflag:s20], $0x4000  }
0x5f: {  	[sflag:s20] =	ssyncset.done $0x0  }
0x60: {  	[sflag:s20] =	ssyncadd.s32 $0xFFFFC000  }
0x61: {  	s31 =	sadd.s32 s17, s6;
	_ =	swait.ge [sflag:s20], $0x4000  }
0x62: {  	p1 =	sgt.u32 s31, $0x270;
	[sflag:s20] =	ssyncset.done $0x0  }
0x63: {  	s3 =	sadd.s32 @!p1 $0x5, s3;
	s7 =	simm.s32 @!p1 $0x0;
	[sflag:s20] =	ssyncadd.s32 $0xFFFFC000  }
0x64: {  	[hbm4b:s16+s7] =	stream.linear.scatter @!p1 [tilespmem:s0], [sflag:s3], $0x4000, $0x38;
	[tilespmem:$0x10200] =	vst v63  }
0x65: {  	_ = 	snop  }
0x66: {  	[hbm4b:s18+s7] =	stream.linear.scatter @!p1 [tilespmem:s12], [sflag:s3], $0x4000, $0x38;
	[tilespmem:$0x10200] =	vst v63  }
0x67: {  	_ =	swait.ge [sflag:s14], $0x4000  }
0x68: {  	[sflag:s14] =	ssyncset.done $0x0  }
0x69: {  	[sflag:s14] =	ssyncadd.s32 $0xFFFFC000  }
0x6a: {  	_ =	swait.ge [sflag:s14], $0x4000  }
0x6b: {  	[sflag:s14] =	ssyncset.done $0x0  }
0x6c: {  	s15 =	sadd.s32 $0x1, s15;
	s0 =	simm.s32 @!p0 $0x6;
	[sflag:s14] =	ssyncadd.s32 $0xFFFFC000  }
0x6d: {  	p1 =	sne.s32 s15, s9;
	_ =	swait.ge @!p0 [sflag:s0], $0x4000  }
.Ltmp1:
0x6e: {  	[sflag:s0] =	ssyncset.done @!p0 $0x0;
	(pc) =	sbr.rel @p1 .LBB2_1-.Ltmp1, $4  }
0x6f: {  	[sflag:s0] =	ssyncadd.s32 @!p0 $0xFFFFC000  }
0x70: {  	_ =	swait.ge @!p0 [sflag:s0], $0x4000  }
0x71: {  	[sflag:s0] =	ssyncset.done @!p0 $0x0  }
0x72: {  	[sflag:s0] =	ssyncadd.s32 @!p0 $0xFFFFC000  }
0x73: {  	_ =	sfence.sel $0x180000  }
0x74: {  	[bflag:$0x0] =	sbarrier.arrive $0xFFFF  }
0x75: {  	_ =	strace $0x90000047  }
0x76: {  	s0 =	stileid.u32;
	[bflag:$0x2] =	sbarrier.arrive $0xFFFF  }
0x77: {  	p0 =	sne.s32 s0, $0x0;
	s0 =	rddreg [dreg:$0x2]  }
0x78: {  	s0 =	sadd.s32 @!p0 $0x100000, s0  }
0x79: {  	[sflag:s0] =	ssyncadd.tile.s32 @!p0 $0x1;
	_ =	shalt  }
.Lfunc_end2:
_tile_overlayer_lowered:
.L_overlay_start_2:
0x7a: {  	(tag) =	ssettag $0x2  }
0x7b: {  	s0 =	rddreg [dreg:$0x0];
	s2 =	stileid.u32  }
0x7c: {  	s1 =	rddreg [dreg:$0x1];
	p0 =	sne.s32 s2, $0x0  }
0x7d: {  	s3 =	rddreg [dreg:$0x2];
	[bflag:$0x3] =	sbarrier.arrive $0xFFFF;
	s2 =	simm.s32 @!p0 $0x1C07  }
0x7e: {  	[timem:s3], [sflag:s2] =	dma.local @!p0 [hbm:s0], s1  }
0x7f: {  	s0 =	simm.s32 @!p0 $0x7  }
0x80: {  	_ =	swait.ge @!p0 [sflag:s0], s1  }
0x81: {  	s1 =	ssub.s32 @!p0 $0x0, s1;
	[sflag:s0] =	ssyncset.done @!p0 $0x0  }
0x82: {  	[sflag:s0] =	ssyncadd.s32 @!p0 s1  }
0x83: {  	[bflag:$0x3] =	sbarrier.arrive $0xFFFF  }
0x84: {  	_ =	shalt  }

// kernel: kernel.14.cloned.1.call-start
scs
__scs_entry_jumppad:
0x0: {  	(pc) =	sbr.rel $0x88, $3  }
0x1: {  	(tag) =	ssettag $0x0;
	lr =	simm.s32 $0x1  }
0x2: {  	[smem:$0x3F94] =	sst lr;
	_ =	strace $0xD0000000  }
0x3: {  	_ = 	snop  }
0x4: {  	_ = 	snop  }
0x5: {  	_ = 	snop  }
0x6: {  	_ = 	snop  }
0x7: {  	_ = 	snop  }
__scs_overlays_trampoline_lowered:
0x8: {  	[smem:$0x3FA3] =	sst s0  }
0x9: {  	[smem:$0x3FA4] =	sst s1  }
0xa: {  	[smem:$0x3FA5] =	sst s2  }
0xb: {  	[smem:$0x3FA6] =	sst s3  }
0xc: {  	[smem:$0x3FA7] =	sst s4  }
0xd: {  	[smem:$0x3FA8] =	sst s5  }
0xe: {  	[smem:$0x3FA9] =	sst s6  }
0xf: {  	[smem:$0x3FAA] =	sst s7  }
0x10: {  	[smem:$0x3FAB] =	sst s8  }
0x11: {  	[smem:$0x3FAC] =	sst s9;
	s0 =	simm.s32 @!p0 $0x0  }
0x12: {  	s1 =	sld [smem:$0x3F92];
	s0 =	simm.s32 @p0 $0x1  }
0x13: {  	[smem:$0x3FAD] =	sst s0;
	s0 =	simm.s32 @!p1 $0x0  }
0x14: {  	s2 =	sld [smem:$0x3F91];
	s0 =	simm.s32 @p1 $0x1  }
0x15: {  	[smem:$0x3FAE] =	sst s0;
	s0 =	simm.s32 @!p2 $0x0  }
0x16: {  	s3 =	sld [smem:$0x3FDB];
	s0 =	simm.s32 @p2 $0x1  }
0x17: {  	s4 =	simm.s32 $0x1BF5;
	[smem:$0x3FB0] =	sst s0  }
0x18: {  	s0 =	sld [smem:$0x3F93];
	_ =	swait.ge [sflag:s4], $0x0  }
0x19: {  	s7 =	sld [smem:$0x3F94]  }
0x1a: {  	s8 =	sadd.s32 $0xFFFFE003, lr  }
0x1b: {  	s9 =	sadd.s32 $0xFFFFFEF7, lr;
	s5 =	simm.s32 $0xFFFFFFFF;
	p2 =	slt.u32 s8, $0xFFFFF086  }
0x1c: {  	p1 =	slt.u32 s9, $0xF7A;
	s5 =	simm.s32 @!p2 $0x0  }
0x1d: {  	s5 =	simm.s32 @p1 $0x1;
	p0 =	seq.s32 s7, s2  }
0x1e: {  	s7 =	smul.u32 @!p0 $0xF7A, s2;
	p2 =	seq.s32 @!p0 s5, $0x0  }
0x1f: {  	s9 =	smul.u32 $0xF7A, s1;
	s8 =	simm.s32 @!p0 $0x1BF5;
	p2 =	por !p2, p0  }
0x20: {  	[sflag:s8] =	ssyncset.s32 @!p0 $0xFFFFF086;
	s6 =	sadd.s32 @!p0 s3, s7;
	s7 =	simm.s32 @!p0 $0x108  }
0x21: {  	s3 =	sadd.s32 s3, s9;
	s6 =	sadd.s32 @!p0 $0x88, s6;
	s7 =	simm.s32 @p2 $0x1082  }
0x22: {  	[simem:s7], [sflag:s8] =	dma.local @!p0 [hbm:s6], $0xF7A  }
0x23: {  	s9 =	sor.u32 $0xD0000000, s2;
	s6 =	simm.s32 $0x108;
	_ =	swait.ge @!p0 [sflag:s8], $0x0  }
0x24: {  	s3 =	sadd.s32 $0x88, s3;
	s6 =	simm.s32 @!p1 $0x1082;
	[sflag:s4] =	ssyncset.s32 $0xFFFFF086  }
0x25: {  	[simem:s6], [sflag:s4] =	dma.local [hbm:s3], $0xF7A  }
0x26: {  	[smem:$0x3F94] =	sst s1;
	(tag) =	ssettag s2;
	_ =	strace s9  }
0x27: {  	s1 =	sld [smem:$0x3FA4]  }
0x28: {  	s2 =	sld [smem:$0x3FA5]  }
0x29: {  	s4 =	sld [smem:$0x3FA7]  }
0x2a: {  	p0 =	seq.s32 s5, $0x0;
	s5 =	sld [smem:$0x3FA8]  }
0x2b: {  	s6 =	sld [smem:$0x3FA9]  }
0x2c: {  	s7 =	sld [smem:$0x3FAA]  }
0x2d: {  	s3 =	simm.s32 $0x108;
	s8 =	sld [smem:$0x3FAB]  }
0x2e: {  	s3 =	simm.s32 @!p0 $0x1082;
	s9 =	sld [smem:$0x3FAC]  }
0x2f: {  	lr =	sadd.s32 s0, s3;
	s0 =	sld [smem:$0x3FA3]  }
0x30: {  	s3 =	sld [smem:$0x3FA6]  }
0x31: {  	[smem:$0x3FAF] =	sst s10  }
0x32: {  	s10 =	sld [smem:$0x3FAD];
	_ =	sdelay $0x3  }
0x33: {  	p0 =	seq.s32 s10, $0x1;
	s10 =	sld [smem:$0x3FAF];
	_ =	sdelay $0x3  }
0x34: {  	[smem:$0x3FAF] =	sst s10  }
0x35: {  	s10 =	sld [smem:$0x3FAE];
	_ =	sdelay $0x3  }
0x36: {  	p1 =	seq.s32 s10, $0x1;
	s10 =	sld [smem:$0x3FAF];
	_ =	sdelay $0x3  }
0x37: {  	[smem:$0x3FAF] =	sst s10  }
0x38: {  	s10 =	sld [smem:$0x3FB0]  }
0x39: {  	_ = 	snop;
	(pc) =	sbr.ind lr, $3  }
0x3a: {  	_ = 	snop  }
0x3b: {  	_ = 	snop  }
0x3c: {  	p2 =	seq.s32 s10, $0x1;
	s10 =	sld [smem:$0x3FAF]  }
0x3d: {  	_ =	shalt  }
0x3e: {  	_ =	shalt  }
0x3f: {  	_ =	shalt  }
0x40: {  	_ =	shalt  }
0x41: {  	_ =	shalt  }
0x42: {  	_ =	shalt  }
0x43: {  	_ =	shalt  }
0x44: {  	_ =	shalt  }
0x45: {  	_ =	shalt  }
0x46: {  	_ =	shalt  }
0x47: {  	_ =	shalt  }
0x48: {  	_ =	shalt  }
0x49: {  	_ =	shalt  }
0x4a: {  	_ =	shalt  }
0x4b: {  	_ =	shalt  }
0x4c: {  	_ =	shalt  }
0x4d: {  	_ =	shalt  }
0x4e: {  	_ =	shalt  }
0x4f: {  	_ =	shalt  }
0x50: {  	_ =	shalt  }
0x51: {  	_ =	shalt  }
0x52: {  	_ =	shalt  }
0x53: {  	_ =	shalt  }
0x54: {  	_ =	shalt  }
0x55: {  	_ =	shalt  }
0x56: {  	_ =	shalt  }
0x57: {  	_ =	shalt  }
0x58: {  	_ =	shalt  }
0x59: {  	_ =	shalt  }
0x5a: {  	_ =	shalt  }
0x5b: {  	_ =	shalt  }
0x5c: {  	_ =	shalt  }
0x5d: {  	_ =	shalt  }
0x5e: {  	_ =	shalt  }
0x5f: {  	_ =	shalt  }
0x60: {  	_ =	shalt  }
0x61: {  	_ =	shalt  }
0x62: {  	_ =	shalt  }
0x63: {  	_ =	shalt  }
0x64: {  	_ =	shalt  }
0x65: {  	_ =	shalt  }
0x66: {  	_ =	shalt  }
0x67: {  	_ =	shalt  }
0x68: {  	_ =	shalt  }
0x69: {  	_ =	shalt  }
0x6a: {  	_ =	shalt  }
0x6b: {  	_ =	shalt  }
0x6c: {  	_ =	shalt  }
0x6d: {  	_ =	shalt  }
0x6e: {  	_ =	shalt  }
0x6f: {  	_ =	shalt  }
0x70: {  	_ =	shalt  }
0x71: {  	_ =	shalt  }
0x72: {  	_ =	shalt  }
0x73: {  	_ =	shalt  }
0x74: {  	_ =	shalt  }
0x75: {  	_ =	shalt  }
0x76: {  	_ =	shalt  }
0x77: {  	_ =	shalt  }
0x78: {  	_ =	shalt  }
0x79: {  	_ =	shalt  }
0x7a: {  	_ =	shalt  }
0x7b: {  	_ =	shalt  }
0x7c: {  	_ =	shalt  }
0x7d: {  	_ =	shalt  }
0x7e: {  	_ =	shalt  }
0x7f: {  	_ =	shalt  }
0x80: {  	_ =	shalt  }
0x81: {  	_ =	shalt  }
0x82: {  	_ =	shalt  }
0x83: {  	_ =	shalt  }
0x84: {  	_ =	shalt  }
0x85: {  	_ =	shalt  }
0x86: {  	_ =	shalt  }
0x87: {  	_ =	shalt  }
.Lfunc_end0:
.L_simem_size_0:
called_computation.2_lowered:
.L_overlay_start_0:
0x88: {  	s2 =	sld [smem:$0x3FD9]  }
0x89: {  	s3 =	sld [smem:$0x3FFE];
	_ =	sdelay $0x1  }
0x8a: {  	s1 =	srdreg.scid  }
0x8b: {  	s0 =	sand.u32 $0x1, s1  }
0x8c: {  	s17 =	sshll.u32 s0, $0xA;
	s2 =	sadd.s32 s3, s2  }
0x8d: {  	s2 =	sadd.s32 s2, s17  }
0x8e: {  	[smem:$0x3FBB] =	sst s2  }
0x8f: {  	_ = 	snop  }
0x90: {  	s2 =	sld [smem:$0x3FD0];
	(tm) =	ssettm $0x1  }
0x91: {  	s18 =	sld [smem:$0x3FFB];
	_ =	sdelay $0x3  }
0x92: {  	_ =	strace s18  }
0x93: {  	s3 =	sld [smem:$0x3FFC];
	_ =	sdelay $0x3  }
0x94: {  	_ =	strace s3  }
0x95: {  	s3 =	sld [smem:$0x3FFD];
	_ =	sdelay $0x3  }
0x96: {  	_ =	strace s3  }
0x97: {  	_ =	strace $0x8FFFFFFF  }
0x98: {  	s19 =	sld [smem:$0x3FDB];
	_ =	sdelay $0x1  }
0x99: {  	s4 =	simm.s32 $_scs_section_size  }
0x9a: {  	s5 =	simm.s32 $_size__tile_overlayer_lowered;
	s6 =	simm.s32 $_tile_overlayer_lowered  }
0x9b: {  	s22 =	simm.s32 $0x1BFF;
	s21 =	sshll.u32 s6, $0x1;
	s3 =	sadd.s32 s4, s19  }
0x9c: {  	s7 =	simm.s32 $0x0;
	s20 =	sshll.u32 s5, $0x1;
	s5 =	sadd.s32 s21, s3  }
0x9d: {  	[timem:s7], [sflag:s22] =	dma.local [hbm:s5], s20  }
0x9e: {  	_ =	swait.ge [sflag:s22], s20  }
0x9f: {  	s4 =	ssub.s32 $0x0, s20;
	[sflag:s22] =	ssyncset.done $0x0  }
0xa0: {  	[sflag:s22] =	ssyncadd.s32 s4;
	_ =	sdelay $0x1  }
0xa1: {  	s23 =	simm.s32 $0x1B8B  }
0xa2: {  	_ =	swait.ge [sflag:s23], $0x1  }
0xa3: {  	[sflag:s23] =	ssyncset.done $0x0  }
0xa4: {  	s25 =	simm.s32 $0x1B8E;
	s24 =	sld [smem:$0x3FFE];
	[sflag:s23] =	ssyncadd.s32 $0xFFFFFFFF  }
0xa5: {  	s26 =	simm.s32 $execute0_lowered;
	[smem:$0x3FD2] =	sst s25  }
0xa6: {  	s5 =	sshll.u32 s26, $0x1;
	_ =	strace $0x8000004C;
	[dreg:$0x1] =	wrdreg $0xFFFFFFFF  }
0xa7: {  	s28 =	simm.s32 $_size_execute0_lowered;
	s3 =	sadd.s32 s3, s5;
	[dreg:$0x0] =	wrdreg $0x0  }
0xa8: {  	s5 =	sshll.u32 s28, $0x1;
	[dreg:$0x2] =	wrdreg s3  }
0xa9: {  	[dreg:$0x3] =	wrdreg s5  }
0xaa: {  	[dreg:$0x4] =	wrdreg $0xC0  }
0xab: {  	_ =	task [dreg:s7], $0x5FFFF  }
0xac: {  	[dreg:$0x1] =	wrdreg $0xFFFFFFFF  }
0xad: {  	[dreg:$0x0] =	wrdreg $0x60  }
0xae: {  	[dreg:$0x2] =	wrdreg s24  }
0xaf: {  	[dreg:$0x3] =	wrdreg s2  }
0xb0: {  	[dreg:$0x4] =	wrdreg $0x121000  }
0xb1: {  	[dreg:$0x5] =	wrdreg $0x9  }
0xb2: {  	_ =	task.clear_ibuf [dreg:s7], $0x6FFFF;
	_ =	strace $0x9000004C  }
0xb3: {  	s29 =	simm.s32 $0x9;
	_ =	strace $0x8000004E  }
0xb4: {  	_ =	swait.ge [sflag:s29], $0x1  }
0xb5: {  	[sflag:s29] =	ssyncadd.s32 $0xFFFFFFFF  }
0xb6: {  	_ =	strace $0x9000004E  }
0xb7: {  	_ =	sfence  }
0xb8: {  	s30 =	sld [smem:$0x0];
	_ =	sdelay $0x2  }
0xb9: {  	s31 =	sshll.u32 s1, $0xD;
	s1 =	sshrl.u32 s1, $0x2  }
0xba: {  	s3 =	sand.u32 $0x4000, s31;
	s1 =	sadd.s32 s1, s30  }
0xbb: {  	s0 =	sor.u32 s3, s0;
	s1 =	sshll.u32 s1, $0x11  }
0xbc: {  	s0 =	sor.u32 s1, s0  }
0xbd: {  	s0 =	sadd.s32 $0x8F2B, s0  }
0xbe: {  	[sflag:s0] =	ssyncadd.remote.s32 $0x1  }
0xbf: {  	_ =	sfence.sel $0xFFFF  }
0xc0: {  	[dreg:$0x0] =	wrdreg $0xFFFFFFFF;
	(pc) =	sbr.abs _section_cstart, $3  }
0xc1: {  	[dreg:$0x1] =	wrdreg $0xFFFFFFFF  }
0xc2: {  	_ =	task.clear_ibuf [dreg:s7], $0x2FFFF;
	_ =	strace $0x9FFFFFFF  }
0xc3: {  	(tm) =	ssettm $0x7FFFFFFF  }
tec
execute0_lowered:
.L_overlay_start_1:
0x0: {  	(tag) =	ssettag $0x1  }
0x1: {  	s7 =	rddreg [dreg:$0x0]  }
0x2: {  	s1 =	rddreg [dreg:$0x1]  }
0x3: {  	s2 =	rddreg [dreg:$0x2];
	s3 =	srdreg.scid  }
0x4: {  	s0 =	rddreg [dreg:$0x3];
	s4 =	stileid.u32  }
0x5: {  	s16 =	simm.s32 $0x3;
	s17 =	simm.s32 $0x100;
	s8 =	sand.u32 $0x1, s3  }
0x6: {  	s3 =	simm.s32 $0x0;
	s6 =	smul.u32 $0x140, s4;
	s5 =	sadd.s32 $0x3600, s7  }
0x7: {  	s10 =	smul.u32 $0x28000, s4;
	s30 =	sshll.u32 s4, $0x4;
	s31 =	sshll.u32 s4, $0xB  }
0x8: {  	s11 =	ssub.s32 $0x4E2, s4;
	s14 =	sor.u32 $0x10, s4;
	p0 =	sne.s32 s4, $0x0  }
0x9: {  	s15 =	smul.u32 $0x1400, s8;
	[smem:$0x7FF] =	sst s3;
	s8 =	ssub.s32 $0x2, s8  }
0xa: {  	_ =	strace $0x8000004D;
	s28 =	sshrl.u32 s8, $0x1;
	s29 =	sshrl.u32 s10, $0x2  }
0xb: {  	s10 =	sadd.s32 s5, s31;
	s9 =	sadd.s32 s6, s15;
	s6 =	sadd.s32 $0x898E00, s7  }
0xc: {  	s13 =	ssub.s32 s8, s28;
	s8 =	sadd.s32 $0xA0000, s2;
	s9 =	sshll.u32 s9, $0x4  }
0xd: {  	v0 =	vmov s15;
	s15 =	simm.s32 $0x8100;
	s13 =	smax.u32 s13, $0x1;
	s12 =	sadd.s32 s9, s7  }
0xe: {  	v1 =	vimm.f32 $0.0e+00;
	s7 =	sadd.s32 s29, s2;
	s9 =	sadd.s32 s1, s30;
	s12 =	sadd.s32 $0x13BE00, s12  }
.LBB2_1:
0xf: {  	s18 =	simm.s32 $0x0;
	s19 =	simm.s32 $0x200  }
.LBB2_2:
0x10: {  	p1 =	sne.s32 s19, $0x27E00;
	[tilespmem:s18+$0x8170] =	vst v1  }
0x11: {  	[tilespmem:s18+$0x8100] =	vst v1  }
0x12: {  	[tilespmem:s18+$0x8110] =	vst v1  }
.Ltmp0:
0x13: {  	[tilespmem:s18+$0x8120] =	vst v1;
	(pc) =	sbr.rel @p1 .LBB2_2-.Ltmp0, $4  }
0x14: {  	[tilespmem:s18+$0x8130] =	vst v1  }
0x15: {  	[tilespmem:s18+$0x8140] =	vst v1  }
0x16: {  	[tilespmem:s18+$0x8150] =	vst v1  }
0x17: {  	[tilespmem:s18+$0x8160] =	vst v1;
	s18 =	sshra.s32 s19, $0x2;
	s19 =	sadd.s32 $0x200, s19  }
0x18: {  	[tilespmem:s18+$0x8170] =	vst v1  }
0x19: {  	[tilespmem:s18+$0x8100] =	vst v1  }
0x1a: {  	[tilespmem:s18+$0x8110] =	vst v1  }
0x1b: {  	[tilespmem:s18+$0x8120] =	vst v1  }
0x1c: {  	[tilespmem:s18+$0x8130] =	vst v1  }
0x1d: {  	[tilespmem:s18+$0x8140] =	vst v1  }
0x1e: {  	[tilespmem:s18+$0x8150] =	vst v1  }
0x1f: {  	[tilespmem:s18+$0x8160] =	vst v1  }
0x20: {  	[spmem:s7] =	stream.linear.scatter [tilespmem:s15], [sflag:$0x3], $0xA000, $0x38;
	[tilespmem:$0x1C140] =	vst v63  }
0x21: {  	_ =	swait.ge [sflag:s16], $0xA000  }
0x22: {  	[sflag:s16] =	ssyncset.done $0x0  }
0x23: {  	s18 =	simm.s32 @!p0 $0x8100;
	p1 =	por $0x0, $0x0;
	[sflag:s16] =	ssyncadd.s32 $0xFFFF6000  }
0x24: {  	[spmem:s8] =	stream.linear.scatter @!p0 [tilespmem:s18], [sflag:$0x3], $0x400, $0x38;
	[tilespmem:$0x1C140] =	vst v63  }
0x25: {  	s19 =	sadd.s32 @!p1 $0x0, s14;
	s18 =	simm.s32 @!p0 $0x3  }
0x26: {  	p2 =	slt.s32 @!p1 s19, $0x4E1;
	_ =	swait.ge @!p0 [sflag:s18], $0x400  }
0x27: {  	p3 =	sgt.u32 @!p1 s19, $0x270;
	p2 =	por !p2, p1;
	[sflag:s18] =	ssyncset.done @!p0 $0x0  }
0x28: {  	s19 =	simm.s32 @p2 $0x4E1;
	[sflag:s18] =	ssyncadd.s32 @!p0 $0xFFFFFC00;
	s18 =	simm.s32 $0x0  }
0x29: {  	p2 =	por !p3, p1;
	[bflag:$0x0] =	sbarrier.arrive $0xFFFF;
	s21 =	sand.u32 $0x1, s18  }
0x2a: {  	[tilespmem:s18], [sflag:$0x1] =	stream.linear.gather [hbm4b:s9+s18], $0x80, $0x38;
	[tilespmem:$0x1C140] =	vst v63  }
0x2b: {  	p3 =	por p3, p1;
	s20 =	sshll.u32 @!p1 s19, $0x4;
	s23 =	sadd.s32 $0x1, s21  }
0x2c: {  	[tilespmem:s17], [sflag:$0x1] =	stream.linear.gather [hbm4b:s10+s18], $0x4000, $0x38;
	[tilespmem:$0x1C140] =	vst v63  }
0x2d: {  	s22 =	sshll.u32 @!p2 s19, $0xE;
	s19 =	sshll.u32 @!p3 s19, $0xB;
	_ =	swait.ge [sflag:s23], $0x80  }
0x2e: {  	s20 =	sadd.s32 @!p1 s1, s20;
	s22 =	sadd.s32 @!p2 $0xFF63C000, s22;
	[sflag:s23] =	ssyncset.done $0x0  }
0x2f: {  	s19 =	sadd.s32 @!p3 s5, s19;
	s22 =	sshrl.u32 @!p2 s22, $0x3;
	[sflag:s23] =	ssyncadd.s32 $0xFFFFFF80  }
0x30: {  	s22 =	sadd.s32 @!p2 s6, s22;
	s24 =	sxor.u32 @!p1 $0x1, s21;
	_ =	swait.ge [sflag:s23], $0x4000  }
0x31: {  	s25 =	sshll.u32 @!p1 s24, $0x7;
	s26 =	sshll.u32 @!p1 s24, $0xE;
	[sflag:s23] =	ssyncset.done $0x0  }
0x32: {  	[sflag:s23] =	ssyncadd.s32 $0xFFFFC000;
	s23 =	sadd.s32 @!p1 $0x1, s24;
	s24 =	simm.s32 @!p1 $0x0  }
0x33: {  	[tilespmem:s25], [sflag:s23] =	stream.linear.gather @!p1 [hbm4b:s20+s24], $0x80, $0x38;
	[tilespmem:$0x1C140] =	vst v63  }
0x34: {  	s22 =	smov.u32 @p2 s19;
	s19 =	sor.u32 @!p1 $0x100, s26;
	s20 =	simm.s32 $0x10  }
0x35: {  	[tilespmem:s19], [sflag:s23] =	stream.linear.gather @!p1 [hbm4b:s22+s24], $0x4000, $0x38;
	[tilespmem:$0x1C140] =	vst v63  }
0x36: {  	s22 =	sshll.u32 s21, $0xE;
	s19 =	sshll.u32 s21, $0x7;
	p1 =	sle.u32 s11, $0x0  }
.LBB2_4:
0x37: {  	v2 =	vld @!p1 [tilespmem:s19+$0x20];
	s18 =	sadd.s32 $0x1, s18;
	s21 =	smov.u32 s20;
	s20 =	sadd.s32 $0x10, s20  }
0x38: {  	p2 =	sne.s32 s20, $0x4F0;
	v3 =	vld @!p1 [tilespmem:s19+$0x10]  }
0x39: {  	v4 =	vld @!p1 [tilespmem:s19+$0x30];
	_ =	sdelay $0x1  }
0x3a: {  	v5 =	vld @!p1 [tilespmem:s19+$0x70]  }
0x3b: {  	v6 =	vld @!p1 [tilespmem:s19+$0x60]  }
0x3c: {  	v2 =	vsub.s32 @!p1 v2, v0;
	v3 =	vsub.s32 @!p1 v3, v0;
	v7 =	vld @!p1 [tilespmem:s19+$0x50]  }
0x3d: {  	p3 =	seq.s32 s18, $0x4E;
	v2 =	vmin.u32 @!p1 v2, $0x1400;
	v3 =	vmin.u32 @!p1 v3, $0x1400;
	v4 =	vsub.s32 @!p1 v4, v0;
	v8 =	vld @!p1 [tilespmem:s19+$0x40]  }
0x3e: {  	s23 =	sadd.s32 @!p3 s21, s14;
	v9 =	vld @!p1 [tilespmem:s19+$0x0];
	[tilespmem:s19+$0x20] =	vst @!p1 v2;
	v2 =	vmin.u32 @!p1 v4, $0x1400  }
0x3f: {  	p4 =	slt.s32 @!p3 s23, $0x4E1;
	p5 =	sgt.u32 @!p3 s23, $0x270;
	[tilespmem:s19+$0x30] =	vst @!p1 v2;
	v2 =	vsub.s32 @!p1 v5, v0  }
0x40: {  	p4 =	por !p4, p3;
	[tilespmem:s19+$0x10] =	vst @!p1 v3;
	v3 =	vsub.s32 @!p1 v6, v0;
	v2 =	vmin.u32 @!p1 v2, $0x1400  }
0x41: {  	s22 =	sor.u32 $0x100, s22;
	s23 =	simm.s32 @p4 $0x4E1;
	p4 =	por !p5, p3;
	v4 =	vsub.s32 @!p1 v7, v0;
	v3 =	vmin.u32 @!p1 v3, $0x1400;
	[tilespmem:s19+$0x70] =	vst @!p1 v2  }
0x42: {  	s26 =	simm.s32 @!p1 $0x80;
	s24 =	sshll.u32 @!p3 s23, $0x4;
	s25 =	sshll.u32 @!p4 s23, $0xE;
	v2 =	vsub.s32 @!p1 v8, v0;
	v4 =	vmin.u32 @!p1 v4, $0x1400;
	[tilespmem:s19+$0x60] =	vst @!p1 v3  }
0x43: {  	p5 =	por p5, p3;
	s24 =	sadd.s32 @!p3 s1, s24;
	s25 =	sadd.s32 @!p4 $0xFF63C000, s25;
	v3 =	vsub.s32 @!p1 v9, v0;
	v2 =	vmin.u32 @!p1 v2, $0x1400;
	[tilespmem:s19+$0x50] =	vst @!p1 v4  }
0x44: {  	s28 =	sand.u32 $0x1, s18;
	s23 =	sshll.u32 @!p5 s23, $0xB;
	s25 =	sshrl.u32 @!p4 s25, $0x3;
	v3 =	vmin.u32 @!p1 v3, $0x1400;
	[tilespmem:s19+$0x40] =	vst @!p1 v2  }
0x45: {  	s30 =	simm.s32 @!p1 $0x3;
	s29 =	sxor.u32 @!p3 $0x1, s28;
	s23 =	sadd.s32 @!p5 s5, s23;
	[tilespmem:s19+$0x0] =	vst @!p1 v3  }
0x46: {  	[spmem:s2] =	stream.indirect.scatter.add.f32 @!p1 [tilespmem:s22], [sflag:$0x3], $0x80, s19, s26, $0xb8;
	[tilespmem:$0x1C140] =	vst v63  }
0x47: {  	s25 =	sadd.s32 @!p4 s6, s25;
	s19 =	sshll.u32 @!p3 s29, $0x7;
	_ =	swait.ge @!p1 [sflag:s30], $0x4000  }
0x48: {  	s25 =	smov.u32 @p4 s23;
	s22 =	sshll.u32 @!p3 s29, $0xE;
	[sflag:s30] =	ssyncset.done @!p1 $0x0  }
0x49: {  	s23 =	sadd.s32 $0x1, s28;
	s26 =	sor.u32 @!p3 $0x100, s22;
	[sflag:s30] =	ssyncadd.s32 @!p1 $0xFFFFC000  }
0x4a: {  	s22 =	sshll.u32 s28, $0xE;
	_ =	swait.ge [sflag:s23], $0x80  }
0x4b: {  	[sflag:s23] =	ssyncset.done $0x0  }
0x4c: {  	[sflag:s23] =	ssyncadd.s32 $0xFFFFFF80  }
0x4d: {  	_ =	swait.ge [sflag:s23], $0x4000  }
.Ltmp1:
0x4e: {  	[sflag:s23] =	ssyncset.done $0x0;
	(pc) =	sbr.rel @p2 .LBB2_4-.Ltmp1, $4  }
0x4f: {  	[sflag:s23] =	ssyncadd.s32 $0xFFFFC000;
	s23 =	sadd.s32 @!p3 $0x1, s29;
	s29 =	simm.s32 @!p3 $0x0  }
0x50: {  	[tilespmem:s19], [sflag:s23] =	stream.linear.gather @!p3 [hbm4b:s24+s29], $0x80, $0x38;
	[tilespmem:$0x1C140] =	vst v63  }
0x51: {  	p1 =	sge.u32 s21, s11;
	s19 =	sshll.u32 s28, $0x7  }
0x52: {  	[tilespmem:s26], [sflag:s23] =	stream.linear.gather @!p3 [hbm4b:s25+s29], $0x4000, $0x38;
	[tilespmem:$0x1C140] =	vst v63  }
0x53: {  	v2 =	vld @!p1 [tilespmem:s19+$0x20]  }
0x54: {  	v3 =	vld @!p1 [tilespmem:s19+$0x10]  }
0x55: {  	v4 =	vld @!p1 [tilespmem:s19+$0x30]  }
0x56: {  	v6 =	vld @!p1 [tilespmem:s19+$0x60]  }
0x57: {  	v7 =	vld @!p1 [tilespmem:s19+$0x50]  }
0x58: {  	v5 =	vld @!p1 [tilespmem:s19+$0x70];
	v2 =	vsub.s32 @!p1 v2, v0  }
0x59: {  	v9 =	vld @!p1 [tilespmem:s19+$0x0];
	v3 =	vsub.s32 @!p1 v3, v0;
	v2 =	vmin.u32 @!p1 v2, $0x1400  }
0x5a: {  	v8 =	vld @!p1 [tilespmem:s19+$0x40];
	v4 =	vsub.s32 @!p1 v4, v0;
	v3 =	vmin.u32 @!p1 v3, $0x1400;
	[tilespmem:s19+$0x20] =	vst @!p1 v2  }
0x5b: {  	v2 =	vmin.u32 @!p1 v4, $0x1400;
	[tilespmem:s19+$0x10] =	vst @!p1 v3;
	v3 =	vsub.s32 @!p1 v6, v0  }
0x5c: {  	v4 =	vsub.s32 @!p1 v7, v0;
	[tilespmem:s19+$0x30] =	vst @!p1 v2;
	v3 =	vmin.u32 @!p1 v3, $0x1400  }
0x5d: {  	v2 =	vsub.s32 @!p1 v5, v0;
	v4 =	vmin.u32 @!p1 v4, $0x1400;
	[tilespmem:s19+$0x60] =	vst @!p1 v3  }
0x5e: {  	v2 =	vmin.u32 @!p1 v2, $0x1400;
	v3 =	vsub.s32 @!p1 v9, v0;
	[tilespmem:s19+$0x50] =	vst @!p1 v4  }
0x5f: {  	[tilespmem:s19+$0x70] =	vst @!p1 v2;
	v2 =	vsub.s32 @!p1 v8, v0;
	v3 =	vmin.u32 @!p1 v3, $0x1400  }
0x60: {  	v2 =	vmin.u32 @!p1 v2, $0x1400;
	[tilespmem:s19+$0x0] =	vst @!p1 v3  }
0x61: {  	s18 =	sor.u32 $0x100, s22;
	s20 =	simm.s32 @!p1 $0x80;
	s21 =	simm.s32 @!p1 $0x3;
	[tilespmem:s19+$0x40] =	vst @!p1 v2  }
0x62: {  	[spmem:s2] =	stream.indirect.scatter.add.f32 @!p1 [tilespmem:s18], [sflag:$0x3], $0x80, s19, s20, $0xb8;
	[tilespmem:$0x1C140] =	vst v63  }
0x63: {  	_ =	swait.ge @!p1 [sflag:s21], $0x4000  }
0x64: {  	s30 =	sshll.u32 s4, $0x6;
	s3 =	sadd.s32 $0x1, s3;
	[sflag:s21] =	ssyncset.done @!p1 $0x0  }
0x65: {  	s31 =	sshrl.u32 s7, $0x3;
	[sflag:s21] =	ssyncadd.s32 @!p1 $0xFFFFC000;
	p1 =	sne.s32 s3, s13  }
.Ltmp2:
0x66: {  	s18 =	sor.u32 $0x1C03, s30;
	[bflag:$0x0] =	sbarrier.arrive $0xFFFF;
	(pc) =	sbr.rel @p1 .LBB2_1-.Ltmp2, $4  }
0x67: {  	[hbm:s12], [sflag:s18] =	dma.local [spmem:s31], $0x1400  }
0x68: {  	_ =	swait.ge [sflag:s16], $0x1400  }
0x69: {  	[sflag:s16] =	ssyncset.done $0x0  }
0x6a: {  	[sflag:s16] =	ssyncadd.s32 $0xFFFFEC00  }
0x6b: {  	_ =	sfence.sel $0x180000  }
0x6c: {  	[bflag:$0x0] =	sbarrier.arrive $0xFFFF  }
0x6d: {  	_ =	strace $0x9000004D  }
0x6e: {  	s0 =	sadd.s32 @!p0 $0x100000, s0;
	[bflag:$0x2] =	sbarrier.arrive $0xFFFF  }
0x6f: {  	[sflag:s0] =	ssyncadd.tile.s32 @!p0 $0x1;
	_ =	shalt  }
.Lfunc_end2:
_tile_overlayer_lowered:
.L_overlay_start_2:
0x70: {  	(tag) =	ssettag $0x2  }
0x71: {  	s0 =	rddreg [dreg:$0x0];
	s2 =	stileid.u32  }
0x72: {  	s1 =	rddreg [dreg:$0x1];
	p0 =	sne.s32 s2, $0x0  }
0x73: {  	s3 =	rddreg [dreg:$0x2];
	[bflag:$0x3] =	sbarrier.arrive $0xFFFF;
	s2 =	simm.s32 @!p0 $0x1C03  }
0x74: {  	[timem:s3], [sflag:s2] =	dma.local @!p0 [hbm:s0], s1  }
0x75: {  	s0 =	simm.s32 @!p0 $0x3  }
0x76: {  	_ =	swait.ge @!p0 [sflag:s0], s1  }
0x77: {  	s1 =	ssub.s32 @!p0 $0x0, s1;
	[sflag:s0] =	ssyncset.done @!p0 $0x0  }
0x78: {  	[sflag:s0] =	ssyncadd.s32 @!p0 s1  }
0x79: {  	[bflag:$0x3] =	sbarrier.arrive $0xFFFF  }
0x7a: {  	_ =	shalt  }

// kernel: kernel.8.cloned.1.call-start
scs
__scs_entry_jumppad:
0x0: {  	(pc) =	sbr.rel $0x88, $3  }
0x1: {  	(tag) =	ssettag $0x0;
	lr =	simm.s32 $0x1  }
0x2: {  	[smem:$0x3F94] =	sst lr;
	_ =	strace $0xD0000000  }
0x3: {  	_ = 	snop  }
0x4: {  	_ = 	snop  }
0x5: {  	_ = 	snop  }
0x6: {  	_ = 	snop  }
0x7: {  	_ = 	snop  }
__scs_overlays_trampoline_lowered:
0x8: {  	[smem:$0x3FA3] =	sst s0  }
0x9: {  	[smem:$0x3FA4] =	sst s1  }
0xa: {  	[smem:$0x3FA5] =	sst s2  }
0xb: {  	[smem:$0x3FA6] =	sst s3  }
0xc: {  	[smem:$0x3FA7] =	sst s4  }
0xd: {  	[smem:$0x3FA8] =	sst s5  }
0xe: {  	[smem:$0x3FA9] =	sst s6  }
0xf: {  	[smem:$0x3FAA] =	sst s7  }
0x10: {  	[smem:$0x3FAB] =	sst s8  }
0x11: {  	[smem:$0x3FAC] =	sst s9;
	s0 =	simm.s32 @!p0 $0x0  }
0x12: {  	s1 =	sld [smem:$0x3F92];
	s0 =	simm.s32 @p0 $0x1  }
0x13: {  	[smem:$0x3FAD] =	sst s0;
	s0 =	simm.s32 @!p1 $0x0  }
0x14: {  	s2 =	sld [smem:$0x3F91];
	s0 =	simm.s32 @p1 $0x1  }
0x15: {  	[smem:$0x3FAE] =	sst s0;
	s0 =	simm.s32 @!p2 $0x0  }
0x16: {  	s3 =	sld [smem:$0x3FDB];
	s0 =	simm.s32 @p2 $0x1  }
0x17: {  	s4 =	simm.s32 $0x1BF5;
	[smem:$0x3FB0] =	sst s0  }
0x18: {  	s0 =	sld [smem:$0x3F93];
	_ =	swait.ge [sflag:s4], $0x0  }
0x19: {  	s7 =	sld [smem:$0x3F94]  }
0x1a: {  	s8 =	sadd.s32 $0xFFFFE003, lr  }
0x1b: {  	s9 =	sadd.s32 $0xFFFFFEF7, lr;
	s5 =	simm.s32 $0xFFFFFFFF;
	p2 =	slt.u32 s8, $0xFFFFF086  }
0x1c: {  	p1 =	slt.u32 s9, $0xF7A;
	s5 =	simm.s32 @!p2 $0x0  }
0x1d: {  	s5 =	simm.s32 @p1 $0x1;
	p0 =	seq.s32 s7, s2  }
0x1e: {  	s7 =	smul.u32 @!p0 $0xF7A, s2;
	p2 =	seq.s32 @!p0 s5, $0x0  }
0x1f: {  	s9 =	smul.u32 $0xF7A, s1;
	s8 =	simm.s32 @!p0 $0x1BF5;
	p2 =	por !p2, p0  }
0x20: {  	[sflag:s8] =	ssyncset.s32 @!p0 $0xFFFFF086;
	s6 =	sadd.s32 @!p0 s3, s7;
	s7 =	simm.s32 @!p0 $0x108  }
0x21: {  	s3 =	sadd.s32 s3, s9;
	s6 =	sadd.s32 @!p0 $0x88, s6;
	s7 =	simm.s32 @p2 $0x1082  }
0x22: {  	[simem:s7], [sflag:s8] =	dma.local @!p0 [hbm:s6], $0xF7A  }
0x23: {  	s9 =	sor.u32 $0xD0000000, s2;
	s6 =	simm.s32 $0x108;
	_ =	swait.ge @!p0 [sflag:s8], $0x0  }
0x24: {  	s3 =	sadd.s32 $0x88, s3;
	s6 =	simm.s32 @!p1 $0x1082;
	[sflag:s4] =	ssyncset.s32 $0xFFFFF086  }
0x25: {  	[simem:s6], [sflag:s4] =	dma.local [hbm:s3], $0xF7A  }
0x26: {  	[smem:$0x3F94] =	sst s1;
	(tag) =	ssettag s2;
	_ =	strace s9  }
0x27: {  	s1 =	sld [smem:$0x3FA4]  }
0x28: {  	s2 =	sld [smem:$0x3FA5]  }
0x29: {  	s4 =	sld [smem:$0x3FA7]  }
0x2a: {  	p0 =	seq.s32 s5, $0x0;
	s5 =	sld [smem:$0x3FA8]  }
0x2b: {  	s6 =	sld [smem:$0x3FA9]  }
0x2c: {  	s7 =	sld [smem:$0x3FAA]  }
0x2d: {  	s3 =	simm.s32 $0x108;
	s8 =	sld [smem:$0x3FAB]  }
0x2e: {  	s3 =	simm.s32 @!p0 $0x1082;
	s9 =	sld [smem:$0x3FAC]  }
0x2f: {  	lr =	sadd.s32 s0, s3;
	s0 =	sld [smem:$0x3FA3]  }
0x30: {  	s3 =	sld [smem:$0x3FA6]  }
0x31: {  	[smem:$0x3FAF] =	sst s10  }
0x32: {  	s10 =	sld [smem:$0x3FAD];
	_ =	sdelay $0x3  }
0x33: {  	p0 =	seq.s32 s10, $0x1;
	s10 =	sld [smem:$0x3FAF];
	_ =	sdelay $0x3  }
0x34: {  	[smem:$0x3FAF] =	sst s10  }
0x35: {  	s10 =	sld [smem:$0x3FAE];
	_ =	sdelay $0x3  }
0x36: {  	p1 =	seq.s32 s10, $0x1;
	s10 =	sld [smem:$0x3FAF];
	_ =	sdelay $0x3  }
0x37: {  	[smem:$0x3FAF] =	sst s10  }
0x38: {  	s10 =	sld [smem:$0x3FB0]  }
0x39: {  	_ = 	snop;
	(pc) =	sbr.ind lr, $3  }
0x3a: {  	_ = 	snop  }
0x3b: {  	_ = 	snop  }
0x3c: {  	p2 =	seq.s32 s10, $0x1;
	s10 =	sld [smem:$0x3FAF]  }
0x3d: {  	_ =	shalt  }
0x3e: {  	_ =	shalt  }
0x3f: {  	_ =	shalt  }
0x40: {  	_ =	shalt  }
0x41: {  	_ =	shalt  }
0x42: {  	_ =	shalt  }
0x43: {  	_ =	shalt  }
0x44: {  	_ =	shalt  }
0x45: {  	_ =	shalt  }
0x46: {  	_ =	shalt  }
0x47: {  	_ =	shalt  }
0x48: {  	_ =	shalt  }
0x49: {  	_ =	shalt  }
0x4a: {  	_ =	shalt  }
0x4b: {  	_ =	shalt  }
0x4c: {  	_ =	shalt  }
0x4d: {  	_ =	shalt  }
0x4e: {  	_ =	shalt  }
0x4f: {  	_ =	shalt  }
0x50: {  	_ =	shalt  }
0x51: {  	_ =	shalt  }
0x52: {  	_ =	shalt  }
0x53: {  	_ =	shalt  }
0x54: {  	_ =	shalt  }
0x55: {  	_ =	shalt  }
0x56: {  	_ =	shalt  }
0x57: {  	_ =	shalt  }
0x58: {  	_ =	shalt  }
0x59: {  	_ =	shalt  }
0x5a: {  	_ =	shalt  }
0x5b: {  	_ =	shalt  }
0x5c: {  	_ =	shalt  }
0x5d: {  	_ =	shalt  }
0x5e: {  	_ =	shalt  }
0x5f: {  	_ =	shalt  }
0x60: {  	_ =	shalt  }
0x61: {  	_ =	shalt  }
0x62: {  	_ =	shalt  }
0x63: {  	_ =	shalt  }
0x64: {  	_ =	shalt  }
0x65: {  	_ =	shalt  }
0x66: {  	_ =	shalt  }
0x67: {  	_ =	shalt  }
0x68: {  	_ =	shalt  }
0x69: {  	_ =	shalt  }
0x6a: {  	_ =	shalt  }
0x6b: {  	_ =	shalt  }
0x6c: {  	_ =	shalt  }
0x6d: {  	_ =	shalt  }
0x6e: {  	_ =	shalt  }
0x6f: {  	_ =	shalt  }
0x70: {  	_ =	shalt  }
0x71: {  	_ =	shalt  }
0x72: {  	_ =	shalt  }
0x73: {  	_ =	shalt  }
0x74: {  	_ =	shalt  }
0x75: {  	_ =	shalt  }
0x76: {  	_ =	shalt  }
0x77: {  	_ =	shalt  }
0x78: {  	_ =	shalt  }
0x79: {  	_ =	shalt  }
0x7a: {  	_ =	shalt  }
0x7b: {  	_ =	shalt  }
0x7c: {  	_ =	shalt  }
0x7d: {  	_ =	shalt  }
0x7e: {  	_ =	shalt  }
0x7f: {  	_ =	shalt  }
0x80: {  	_ =	shalt  }
0x81: {  	_ =	shalt  }
0x82: {  	_ =	shalt  }
0x83: {  	_ =	shalt  }
0x84: {  	_ =	shalt  }
0x85: {  	_ =	shalt  }
0x86: {  	_ =	shalt  }
0x87: {  	_ =	shalt  }
.Lfunc_end0:
.L_simem_size_0:
called_computation_lowered:
.L_overlay_start_0:
0x88: {  	s2 =	sld [smem:$0x3FD9]  }
0x89: {  	s3 =	sld [smem:$0x3FFE];
	_ =	sdelay $0x1  }
0x8a: {  	s1 =	srdreg.scid  }
0x8b: {  	s0 =	sand.u32 $0x1, s1  }
0x8c: {  	s17 =	sshll.u32 s0, $0xA;
	s2 =	sadd.s32 s3, s2  }
0x8d: {  	s2 =	sadd.s32 s2, s17  }
0x8e: {  	[smem:$0x3FBB] =	sst s2  }
0x8f: {  	_ = 	snop  }
0x90: {  	s18 =	sld [smem:$0x3FC9];
	(tm) =	ssettm $0x1  }
0x91: {  	s19 =	sld [smem:$0x3FFB];
	_ =	sdelay $0x3  }
0x92: {  	_ =	strace s19  }
0x93: {  	s2 =	sld [smem:$0x3FFC];
	_ =	sdelay $0x3  }
0x94: {  	_ =	strace s2  }
0x95: {  	s2 =	sld [smem:$0x3FFD];
	_ =	sdelay $0x3  }
0x96: {  	_ =	strace s2  }
0x97: {  	_ =	strace $0x8FFFFFFF  }
0x98: {  	s20 =	sld [smem:$0x3FDB];
	_ =	sdelay $0x1  }
0x99: {  	s4 =	simm.s32 $_scs_section_size  }
0x9a: {  	s5 =	simm.s32 $_size__tile_overlayer_lowered;
	s6 =	simm.s32 $_tile_overlayer_lowered  }
0x9b: {  	s7 =	simm.s32 $0x1BFF;
	s21 =	sshll.u32 s6, $0x1;
	s4 =	sadd.s32 s4, s20  }
0x9c: {  	s22 =	simm.s32 $0x0;
	s5 =	sshll.u32 s5, $0x1;
	s6 =	sadd.s32 s21, s4  }
0x9d: {  	[timem:s22], [sflag:s7] =	dma.local [hbm:s6], s5  }
0x9e: {  	_ =	swait.ge [sflag:s7], s5  }
0x9f: {  	s5 =	ssub.s32 $0x0, s5;
	[sflag:s7] =	ssyncset.done $0x0  }
0xa0: {  	[sflag:s7] =	ssyncadd.s32 s5;
	_ =	sdelay $0x1  }
0xa1: {  	s23 =	simm.s32 $0x1B8B  }
0xa2: {  	_ =	swait.ge [sflag:s23], $0x1  }
0xa3: {  	[sflag:s23] =	ssyncset.done $0x0  }
0xa4: {  	[sflag:s23] =	ssyncadd.s32 $0xFFFFFFFF  }
0xa5: {  	s5 =	sld [smem:$0x0]  }
0xa6: {  	s6 =	sand.u32 $0xFFFFFFFE, s1  }
0xa7: {  	p0 =	sne.s32 s1, s6  }
0xa8: {  	s6 =	sshll.u32 @p0 s6, $0xE  }
0xa9: {  	s6 =	sadd.s32 @p0 $0x11B8D, s6;
	s7 =	sshll.u32 @p0 s5, $0x11  }
0xaa: {  	s6 =	sor.u32 @p0 s7, s6  }
0xab: {  	[sflag:s6] =	ssyncadd.remote.s32 @p0 $0x1;
	_ =	sdelay $0x1  }
0xac: {  	s6 =	simm.s32 @p0 $0x1B8D  }
0xad: {  	_ =	swait.eq @p0 [sflag:s6], $0x1  }
0xae: {  	[sflag:s6] =	ssyncadd.s32 @p0 $0xFFFFFFFF  }
0xaf: {  	s7 =	sshll.u32 @!p0 s1, $0xE  }
0xb0: {  	s7 =	sor.u32 @!p0 $0x4000, s7;
	s6 =	simm.s32 @!p0 $0x1B8D  }
0xb1: {  	s5 =	sshll.u32 @!p0 s5, $0x11;
	s7 =	sadd.s32 @!p0 $0x11B8D, s7;
	_ =	swait.eq @!p0 [sflag:s6], $0x1  }
0xb2: {  	s5 =	sor.u32 @!p0 s5, s7;
	[sflag:s6] =	ssyncadd.s32 @!p0 $0xFFFFFFFF  }
0xb3: {  	s25 =	simm.s32 $0x1B8E;
	s24 =	sld [smem:$0x3FFE];
	[sflag:s5] =	ssyncadd.remote.s32 @!p0 $0x1  }
0xb4: {  	s26 =	simm.s32 $execute0_lowered;
	[smem:$0x3FD2] =	sst s25  }
0xb5: {  	s6 =	sshll.u32 s26, $0x1;
	_ =	strace $0x80000049;
	[dreg:$0x1] =	wrdreg $0xFFFFFFFF  }
0xb6: {  	s28 =	simm.s32 $_size_execute0_lowered;
	s4 =	sadd.s32 s4, s6;
	[dreg:$0x0] =	wrdreg $0x0  }
0xb7: {  	s6 =	sshll.u32 s28, $0x1;
	[dreg:$0x2] =	wrdreg s4  }
0xb8: {  	[dreg:$0x3] =	wrdreg s6  }
0xb9: {  	[dreg:$0x4] =	wrdreg $0xC0  }
0xba: {  	_ =	task [dreg:s22], $0x5FFFF  }
0xbb: {  	[dreg:$0x1] =	wrdreg $0xFFFFFFFF  }
0xbc: {  	[dreg:$0x0] =	wrdreg $0x60  }
0xbd: {  	[dreg:$0x2] =	wrdreg s18  }
0xbe: {  	[dreg:$0x3] =	wrdreg s24  }
0xbf: {  	[dreg:$0x4] =	wrdreg $0x9  }
0xc0: {  	_ =	task.clear_ibuf [dreg:s22], $0x5FFFF;
	_ =	strace $0x90000049  }
0xc1: {  	s29 =	simm.s32 $0x9;
	_ =	strace $0x8000004B  }
0xc2: {  	_ =	swait.ge [sflag:s29], $0x1  }
0xc3: {  	[sflag:s29] =	ssyncadd.s32 $0xFFFFFFFF  }
0xc4: {  	_ =	strace $0x9000004B  }
0xc5: {  	_ =	sfence  }
0xc6: {  	s30 =	sld [smem:$0x0];
	_ =	sdelay $0x2  }
0xc7: {  	s31 =	sshll.u32 s1, $0xD;
	s1 =	sshrl.u32 s1, $0x2  }
0xc8: {  	s4 =	sand.u32 $0x4000, s31;
	s1 =	sadd.s32 s1, s30  }
0xc9: {  	s0 =	sor.u32 s4, s0;
	s1 =	sshll.u32 s1, $0x11  }
0xca: {  	s0 =	sor.u32 s1, s0  }
0xcb: {  	s0 =	sadd.s32 $0x8F2B, s0  }
0xcc: {  	[sflag:s0] =	ssyncadd.remote.s32 $0x1  }
0xcd: {  	_ =	sfence.sel $0xFFFF  }
0xce: {  	[dreg:$0x0] =	wrdreg $0xFFFFFFFF;
	(pc) =	sbr.abs _section_cstart, $3  }
0xcf: {  	[dreg:$0x1] =	wrdreg $0xFFFFFFFF  }
0xd0: {  	_ =	task.clear_ibuf [dreg:s22], $0x2FFFF;
	_ =	strace $0x9FFFFFFF  }
0xd1: {  	(tm) =	ssettm $0x7FFFFFFF  }
tec
execute0_lowered:
.L_overlay_start_1:
0x0: {  	(tag) =	ssettag $0x1  }
0x1: {  	s1 =	rddreg [dreg:$0x0]  }
0x2: {  	s6 =	rddreg [dreg:$0x1];
	s2 =	simm.s32 $0x0  }
0x3: {  	s0 =	stileid.u32;
	s7 =	srdreg.scid;
	s13 =	simm.s32 $0x80  }
0x4: {  	s14 =	simm.s32 $0x5;
	s15 =	simm.s32 $0x0;
	s4 =	sadd.s32 $0x27BE00, s6  }
0x5: {  	[smem:$0x7FF] =	sst s2;
	s5 =	sadd.s32 $0x279600, s6;
	s8 =	sshll.u32 s0, $0xC  }
0x6: {  	s7 =	sand.u32 $0x1, s7;
	s9 =	sshll.u32 s0, $0x1;
	_ =	strace $0x8000004A  }
0x7: {  	s8 =	sadd.s32 s8, s6;
	s10 =	ssub.s32 $0x2, s7;
	s6 =	sor.u32 s7, s9  }
0x8: {  	s12 =	sshll.u32 s7, $0xB;
	s30 =	sshrl.u32 s10, $0x1;
	s11 =	sshll.u32 s6, $0x4  }
0x9: {  	s12 =	sadd.s32 s12, s8;
	p0 =	sgt.u32 s6, $0x10;
	s9 =	ssub.s32 s10, s30  }
0xa: {  	s31 =	sadd.s32 s4, s11;
	s8 =	sadd.s32 s5, s11;
	s10 =	sadd.s32 $0x3B6E00, s12  }
0xb: {  	s11 =	sadd.s32 $0x27E600, s12;
	[dreg:$0x3] =	wrdreg s31;
	s9 =	smax.u32 s9, $0x1  }
.LBB2_1:
0xc: {  	s0 =	rddreg [dreg:$0x3];
	s24 =	sand.u32 $0x1, s2;
	p1 =	por $0x1, $0x1  }
0xd: {  	[tilespmem:s2], [sflag:$0x1] =	stream.linear.gather [hbm4b:s0+s2], $0x80, $0x38;
	[tilespmem:$0x10200] =	vst v63  }
0xe: {  	s26 =	simm.s32 $0x100;
	s16 =	sadd.s32 @!p1 $0x5, s24  }
0xf: {  	[tilespmem:s26], [sflag:$0x1] =	stream.linear.gather [hbm4b:s8+s2], $0x80, $0x38;
	[tilespmem:$0x10200] =	vst v63  }
0x10: {  	_ =	swait.ge @!p1 [sflag:s16], $0x4000  }
0x11: {  	[sflag:s16] =	ssyncset.done @!p1 $0x0  }
0x12: {  	[sflag:s16] =	ssyncadd.s32 @!p1 $0xFFFFC000  }
0x13: {  	_ =	swait.ge @!p1 [sflag:s16], $0x4000  }
0x14: {  	[sflag:s16] =	ssyncset.done @!p1 $0x0  }
0x15: {  	s17 =	sadd.s32 $0x1, s24;
	[sflag:s16] =	ssyncadd.s32 @!p1 $0xFFFFC000  }
0x16: {  	s28 =	sshll.u32 s24, $0xE;
	p1 =	por $0x0, $0x0;
	_ =	swait.ge [sflag:s17], $0x80  }
0x17: {  	s22 =	sadd.s32 $0x3, s24;
	s18 =	sadd.s32 @!p1 $0x0, s6;
	[sflag:s17] =	ssyncset.done $0x0  }
0x18: {  	s21 =	sshll.u32 s24, $0x7;
	s18 =	sadd.s32 @!p1 $0x20, s18;
	[sflag:s17] =	ssyncadd.s32 $0xFFFFFF80  }
0x19: {  	s19 =	sor.u32 $0x8200, s28;
	p2 =	slt.s32 @!p1 s18, $0x270;
	_ =	swait.ge [sflag:s17], $0x80  }
0x1a: {  	s26 =	sor.u32 $0x200, s28;
	p2 =	por !p2, p1;
	[sflag:s17] =	ssyncset.done $0x0  }
0x1b: {  	s20 =	sxor.u32 @!p1 $0x1, s24;
	s18 =	simm.s32 @p2 $0x270;
	[sflag:s17] =	ssyncadd.s32 $0xFFFFFF80  }
0x1c: {  	[tilespmem:s26], [sflag:s22] =	stream.indirect.gather [hbm4b:s1+s13], $0x80, s21, s13, $0xb8;
	[tilespmem:$0x10200] =	vst v63  }
0x1d: {  	s29 =	sor.u32 $0x100, s21;
	s16 =	sshll.u32 @!p1 s20, $0x7;
	s17 =	sshll.u32 @!p1 s18, $0x4  }
0x1e: {  	[tilespmem:s19], [sflag:s22] =	stream.indirect.gather [hbm4b:s1+s13], $0x80, s29, s13, $0xb8;
	[tilespmem:$0x10200] =	vst v63  }
0x1f: {  	s20 =	sadd.s32 @!p1 $0x1, s20;
	s18 =	sadd.s32 @!p1 s4, s17;
	s21 =	simm.s32 @!p1 $0x0  }
0x20: {  	[tilespmem:s16], [sflag:s20] =	stream.linear.gather @!p1 [hbm4b:s18+s21], $0x80, $0x38;
	[tilespmem:$0x10200] =	vst v63  }
0x21: {  	s31 =	sadd.s32 $0x0, s6;
	s17 =	sadd.s32 @!p1 s5, s17;
	s16 =	sor.u32 @!p1 $0x100, s16  }
0x22: {  	[tilespmem:s16], [sflag:s20] =	stream.linear.gather @!p1 [hbm4b:s17+s21], $0x80, $0x38;
	[tilespmem:$0x10200] =	vst v63  }
0x23: {  	s23 =	simm.s32 $0x2;
	p2 =	sgt.u32 s31, $0x270;
	_ =	swait.ge [sflag:s22], $0x4000  }
0x24: {  	s25 =	smov.u32 s11;
	s30 =	sadd.s32 @!p2 $0x5, s24;
	[sflag:s22] =	ssyncset.done $0x0  }
0x25: {  	s24 =	smov.u32 s10;
	s18 =	sadd.s32 $0x10000, s10;
	[sflag:s22] =	ssyncadd.s32 $0xFFFFC000  }
0x26: {  	s17 =	simm.s32 $0x20;
	s21 =	simm.s32 $0x1;
	_ =	swait.ge [sflag:s22], $0x4000  }
0x27: {  	s20 =	simm.s32 $0x40;
	s16 =	sadd.s32 $0x10000, s11;
	[sflag:s22] =	ssyncset.done $0x0  }
.LBB2_2:
0x28: {  	[sflag:s22] =	ssyncadd.s32 $0xFFFFC000;
	s22 =	simm.s32 @!p2 $0x0  }
0x29: {  	s29 =	smov.u32 s17;
	s17 =	smov.u32 s20;
	s20 =	sadd.s32 $0x20, s20  }
0x2a: {  	[hbm4b:s25+s22] =	stream.linear.scatter @!p2 [tilespmem:s26], [sflag:s30], $0x4000, $0x38;
	[tilespmem:$0x10200] =	vst v63  }
0x2b: {  	s28 =	sand.u32 $0x1, s21;
	p3 =	slt.u32 s21, $0x2;
	p1 =	sne.s32 s20, $0x280  }
0x2c: {  	[hbm4b:s24+s22] =	stream.linear.scatter @!p2 [tilespmem:s19], [sflag:s30], $0x4000, $0x38;
	[tilespmem:$0x10200] =	vst v63  }
0x2d: {  	s25 =	smov.u32 s16;
	s22 =	sadd.s32 @!p3 $0x5, s28;
	s24 =	smov.u32 s18  }
0x2e: {  	s21 =	smov.u32 s23;
	_ =	swait.ge @!p3 [sflag:s22], $0x4000  }
0x2f: {  	[sflag:s22] =	ssyncset.done @!p3 $0x0  }
0x30: {  	s30 =	sadd.s32 $0x1, s28;
	[sflag:s22] =	ssyncadd.s32 @!p3 $0xFFFFC000  }
0x31: {  	s26 =	sshll.u32 s28, $0xE;
	_ =	swait.ge @!p3 [sflag:s22], $0x4000  }
0x32: {  	s19 =	sor.u32 $0x8200, s26;
	[sflag:s22] =	ssyncset.done @!p3 $0x0  }
0x33: {  	p2 =	seq.s32 s29, $0x260;
	[sflag:s22] =	ssyncadd.s32 @!p3 $0xFFFFC000;
	s22 =	sadd.s32 $0x3, s28  }
0x34: {  	s31 =	sxor.u32 @!p2 $0x1, s28;
	s0 =	sadd.s32 @!p2 s29, s6;
	_ =	swait.ge [sflag:s30], $0x80  }
0x35: {  	s3 =	sshll.u32 @!p2 s31, $0x7;
	s0 =	sadd.s32 @!p2 $0x20, s0;
	[sflag:s30] =	ssyncset.done $0x0  }
0x36: {  	s12 =	sor.u32 @!p2 $0x100, s3;
	p3 =	slt.s32 @!p2 s0, $0x270;
	[sflag:s30] =	ssyncadd.s32 $0xFFFFFF80  }
0x37: {  	s7 =	sshll.u32 s28, $0x7;
	p3 =	por !p3, p2;
	_ =	swait.ge [sflag:s30], $0x80  }
0x38: {  	s26 =	sor.u32 $0x200, s26;
	s0 =	simm.s32 @p3 $0x270;
	[sflag:s30] =	ssyncset.done $0x0  }
0x39: {  	s0 =	sshll.u32 @!p2 s0, $0x4;
	[sflag:s30] =	ssyncadd.s32 $0xFFFFFF80  }
0x3a: {  	[tilespmem:s26], [sflag:s22] =	stream.indirect.gather [hbm4b:s1+s13], $0x80, s7, s13, $0xb8;
	[tilespmem:$0x10200] =	vst v63  }
0x3b: {  	s30 =	sadd.s32 @!p2 s4, s0;
	s0 =	sadd.s32 @!p2 s5, s0;
	s7 =	sor.u32 $0x100, s7  }
0x3c: {  	[tilespmem:s19], [sflag:s22] =	stream.indirect.gather [hbm4b:s1+s13], $0x80, s7, s13, $0xb8;
	[tilespmem:$0x10200] =	vst v63  }
0x3d: {  	s7 =	sadd.s32 @!p2 $0x1, s31;
	s31 =	simm.s32 @!p2 $0x0  }
0x3e: {  	[tilespmem:s3], [sflag:s7] =	stream.linear.gather @!p2 [hbm4b:s30+s31], $0x80, $0x38;
	[tilespmem:$0x10200] =	vst v63  }
0x3f: {  	_ = 	snop  }
0x40: {  	[tilespmem:s12], [sflag:s7] =	stream.linear.gather @!p2 [hbm4b:s0+s31], $0x80, $0x38;
	[tilespmem:$0x10200] =	vst v63  }
.Ltmp0:
0x41: {  	_ =	swait.ge [sflag:s22], $0x4000;
	(pc) =	sbr.rel @p1 .LBB2_2-.Ltmp0, $4  }
0x42: {  	[sflag:s22] =	ssyncset.done $0x0  }
0x43: {  	s16 =	sadd.s32 $0x10000, s16;
	s0 =	sadd.s32 s29, s6;
	[sflag:s22] =	ssyncadd.s32 $0xFFFFC000  }
0x44: {  	s18 =	sadd.s32 $0x10000, s18;
	p2 =	sgt.u32 s0, $0x270;
	_ =	swait.ge [sflag:s22], $0x4000  }
0x45: {  	s23 =	sadd.s32 $0x1, s23;
	s30 =	sadd.s32 @!p2 $0x5, s28;
	[sflag:s22] =	ssyncset.done $0x0  }
0x46: {  	[sflag:s22] =	ssyncadd.s32 $0xFFFFC000;
	s0 =	simm.s32 @!p2 $0x0  }
0x47: {  	[hbm4b:s25+s0] =	stream.linear.scatter @!p2 [tilespmem:s26], [sflag:s30], $0x4000, $0x38;
	[tilespmem:$0x10200] =	vst v63  }
0x48: {  	s3 =	sand.u32 $0x1, s21;
	p1 =	slt.u32 s21, $0x2  }
0x49: {  	[hbm4b:s24+s0] =	stream.linear.scatter @!p2 [tilespmem:s19], [sflag:s30], $0x4000, $0x38;
	[tilespmem:$0x10200] =	vst v63  }
0x4a: {  	s0 =	sadd.s32 @!p1 $0x5, s3  }
0x4b: {  	_ =	swait.ge @!p1 [sflag:s0], $0x4000  }
0x4c: {  	[sflag:s0] =	ssyncset.done @!p1 $0x0  }
0x4d: {  	[sflag:s0] =	ssyncadd.s32 @!p1 $0xFFFFC000  }
0x4e: {  	_ =	swait.ge @!p1 [sflag:s0], $0x4000  }
0x4f: {  	[sflag:s0] =	ssyncset.done @!p1 $0x0  }
0x50: {  	s7 =	sadd.s32 $0x1, s3;
	[sflag:s0] =	ssyncadd.s32 @!p1 $0xFFFFC000  }
0x51: {  	s29 =	sshll.u32 s3, $0xE;
	p1 =	seq.s32 s17, $0x260;
	_ =	swait.ge [sflag:s7], $0x80  }
0x52: {  	s20 =	sadd.s32 $0x3, s3;
	s19 =	sadd.s32 @!p1 s17, s6;
	[sflag:s7] =	ssyncset.done $0x0  }
0x53: {  	s12 =	sor.u32 $0x8200, s29;
	s19 =	sadd.s32 @!p1 $0x20, s19;
	[sflag:s7] =	ssyncadd.s32 $0xFFFFFF80  }
0x54: {  	s30 =	sshll.u32 s3, $0x7;
	p2 =	slt.s32 @!p1 s19, $0x270;
	_ =	swait.ge [sflag:s7], $0x80  }
0x55: {  	s22 =	sor.u32 $0x100, s30;
	p2 =	por !p2, p1;
	[sflag:s7] =	ssyncset.done $0x0  }
0x56: {  	s0 =	sor.u32 $0x200, s29;
	s19 =	simm.s32 @p2 $0x270;
	[sflag:s7] =	ssyncadd.s32 $0xFFFFFF80  }
0x57: {  	[tilespmem:s0], [sflag:s20] =	stream.indirect.gather [hbm4b:s1+s13], $0x80, s30, s13, $0xb8;
	[tilespmem:$0x10200] =	vst v63  }
0x58: {  	s21 =	sxor.u32 @!p1 $0x1, s3;
	s23 =	simm.s32 @!p1 $0x0;
	s19 =	sshll.u32 @!p1 s19, $0x4  }
0x59: {  	[tilespmem:s12], [sflag:s20] =	stream.indirect.gather [hbm4b:s1+s13], $0x80, s22, s13, $0xb8;
	[tilespmem:$0x10200] =	vst v63  }
0x5a: {  	s7 =	sshll.u32 @!p1 s21, $0x7;
	s21 =	sadd.s32 @!p1 $0x1, s21;
	s22 =	sadd.s32 @!p1 s4, s19  }
0x5b: {  	[tilespmem:s7], [sflag:s21] =	stream.linear.gather @!p1 [hbm4b:s22+s23], $0x80, $0x38;
	[tilespmem:$0x10200] =	vst v63  }
0x5c: {  	s19 =	sadd.s32 @!p1 s5, s19;
	s7 =	sor.u32 @!p1 $0x100, s7  }
0x5d: {  	[tilespmem:s7], [sflag:s21] =	stream.linear.gather @!p1 [hbm4b:s19+s23], $0x80, $0x38;
	[tilespmem:$0x10200] =	vst v63  }
0x5e: {  	_ =	swait.ge [sflag:s20], $0x4000  }
0x5f: {  	[sflag:s20] =	ssyncset.done $0x0  }
0x60: {  	[sflag:s20] =	ssyncadd.s32 $0xFFFFC000  }
0x61: {  	s31 =	sadd.s32 s17, s6;
	_ =	swait.ge [sflag:s20], $0x4000  }
0x62: {  	p1 =	sgt.u32 s31, $0x270;
	[sflag:s20] =	ssyncset.done $0x0  }
0x63: {  	s3 =	sadd.s32 @!p1 $0x5, s3;
	s7 =	simm.s32 @!p1 $0x0;
	[sflag:s20] =	ssyncadd.s32 $0xFFFFC000  }
0x64: {  	[hbm4b:s16+s7] =	stream.linear.scatter @!p1 [tilespmem:s0], [sflag:s3], $0x4000, $0x38;
	[tilespmem:$0x10200] =	vst v63  }
0x65: {  	_ = 	snop  }
0x66: {  	[hbm4b:s18+s7] =	stream.linear.scatter @!p1 [tilespmem:s12], [sflag:s3], $0x4000, $0x38;
	[tilespmem:$0x10200] =	vst v63  }
0x67: {  	_ =	swait.ge [sflag:s14], $0x4000  }
0x68: {  	[sflag:s14] =	ssyncset.done $0x0  }
0x69: {  	[sflag:s14] =	ssyncadd.s32 $0xFFFFC000  }
0x6a: {  	_ =	swait.ge [sflag:s14], $0x4000  }
0x6b: {  	[sflag:s14] =	ssyncset.done $0x0  }
0x6c: {  	s15 =	sadd.s32 $0x1, s15;
	s0 =	simm.s32 @!p0 $0x6;
	[sflag:s14] =	ssyncadd.s32 $0xFFFFC000  }
0x6d: {  	p1 =	sne.s32 s15, s9;
	_ =	swait.ge @!p0 [sflag:s0], $0x4000  }
.Ltmp1:
0x6e: {  	[sflag:s0] =	ssyncset.done @!p0 $0x0;
	(pc) =	sbr.rel @p1 .LBB2_1-.Ltmp1, $4  }
0x6f: {  	[sflag:s0] =	ssyncadd.s32 @!p0 $0xFFFFC000  }
0x70: {  	_ =	swait.ge @!p0 [sflag:s0], $0x4000  }
0x71: {  	[sflag:s0] =	ssyncset.done @!p0 $0x0  }
0x72: {  	[sflag:s0] =	ssyncadd.s32 @!p0 $0xFFFFC000  }
0x73: {  	_ =	sfence.sel $0x180000  }
0x74: {  	[bflag:$0x0] =	sbarrier.arrive $0xFFFF  }
0x75: {  	_ =	strace $0x9000004A  }
0x76: {  	s0 =	stileid.u32;
	[bflag:$0x2] =	sbarrier.arrive $0xFFFF  }
0x77: {  	p0 =	sne.s32 s0, $0x0;
	s0 =	rddreg [dreg:$0x2]  }
0x78: {  	s0 =	sadd.s32 @!p0 $0x100000, s0  }
0x79: {  	[sflag:s0] =	ssyncadd.tile.s32 @!p0 $0x1;
	_ =	shalt  }
.Lfunc_end2:
_tile_overlayer_lowered:
.L_overlay_start_2:
0x7a: {  	(tag) =	ssettag $0x2  }
0x7b: {  	s0 =	rddreg [dreg:$0x0];
	s2 =	stileid.u32  }
0x7c: {  	s1 =	rddreg [dreg:$0x1];
	p0 =	sne.s32 s2, $0x0  }
0x7d: {  	s3 =	rddreg [dreg:$0x2];
	[bflag:$0x3] =	sbarrier.arrive $0xFFFF;
	s2 =	simm.s32 @!p0 $0x1C07  }
0x7e: {  	[timem:s3], [sflag:s2] =	dma.local @!p0 [hbm:s0], s1  }
0x7f: {  	s0 =	simm.s32 @!p0 $0x7  }
0x80: {  	_ =	swait.ge @!p0 [sflag:s0], s1  }
0x81: {  	s1 =	ssub.s32 @!p0 $0x0, s1;
	[sflag:s0] =	ssyncset.done @!p0 $0x0  }
0x82: {  	[sflag:s0] =	ssyncadd.s32 @!p0 s1  }
0x83: {  	[bflag:$0x3] =	sbarrier.arrive $0xFFFF  }
0x84: {  	_ =	shalt  }

</sc_bundles>
